<compile_context>
chip_gen: v7x
topology: tpu7x:2x2x1
jax: 0.10.2.dev20260603
libtpu: 0.0.44.dev20260713+nightly
codegen_flags: <defaults>
</compile_context>

<pallas_src>
import functools

import jax
import jax.numpy as jnp
from jax import lax
from jax.experimental import pallas as pl
from jax.experimental.pallas import tpu as pltpu
from jax.experimental.pallas import tpu_sc as plsc

N_LEVELS = 16
F = 2
LOG2_T = 19
T = 1 << LOG2_T
BASE_RES = 16
PRIME_Y = 2654435761
PRIME_Z = 805459861

N_POINTS = 262144
ENC_DIM = N_LEVELS * F
N_NEURONS = 64
OUT_DIMS = 16

NC = 2
NS = 16
NW = NC * NS
PW = N_POINTS // NW
C = 1024
NG = C // 16
NCH = PW // C

T0_SIZE = 4480
T1_SIZE = 33920

_MESH = plsc.VectorSubcoreMesh(
    core_axis_name="c", subcore_axis_name="s", num_cores=NC, num_subcores=NS
)

_ENC_SCRATCH = (
    [pltpu.VMEM((3 * C,), jnp.float32)]
    + [pltpu.VMEM((C,), jnp.float32) for _ in range(3)]
    + [pltpu.VMEM((C,), jnp.float32) for _ in range(6)]
    + [pltpu.VMEM((8 * C,), jnp.int32) for _ in range(2)]
    + [pltpu.VMEM((8 * C,), jnp.float32) for _ in range(2)]
    + [pltpu.VMEM((ENC_DIM, C), jnp.float32)]
    + [pltpu.VMEM((T0_SIZE,), jnp.float32),
       pltpu.VMEM((T1_SIZE,), jnp.float32)]
    + [pltpu.SemaphoreType.DMA, pltpu.SemaphoreType.DMA]
)


def _unpack_pair(v):
    vu = lax.bitcast_convert_type(v, jnp.uint32)
    f0 = lax.bitcast_convert_type(vu << jnp.uint32(16), jnp.float32)
    f1 = lax.bitcast_convert_type(vu & jnp.uint32(0xFFFF0000), jnp.float32)
    return f0, f1


@functools.partial(
    pl.kernel,
    out_type=jax.ShapeDtypeStruct((ENC_DIM, N_POINTS), jnp.float32),
    mesh=_MESH,
    scratch_types=_ENC_SCRATCH,
    compiler_params=pltpu.CompilerParams(needs_layout_passes=False),
)
def _encode(x_hbm, tab_hbm, out_hbm,
            xiv, xsv, ysv, zsv,
            fxa, fya, fza, fxb, fyb, fzb,
            idx_a, idx_b, rows_a, rows_b,
            encb, t0v, t1v, sema, semb):
    frac_a = (fxa, fya, fza)
    frac_b = (fxb, fyb, fzb)
    wid = lax.axis_index("s") * NC + lax.axis_index("c")

    pltpu.sync_copy(tab_hbm.at[pl.ds(0, T0_SIZE)], t0v)
    pltpu.sync_copy(tab_hbm.at[pl.ds(T, T1_SIZE)], t1v)

    def corner_index(gx, gy, gz, c, res):
        ox, oy, oz = c & 1, (c >> 1) & 1, (c >> 2) & 1
        cx = gx + jnp.uint32(ox) if ox else gx
        cy = gy + jnp.uint32(oy) if oy else gy
        cz = gz + jnp.uint32(oz) if oz else gz
        if res is not None:
            return cx + cy * jnp.uint32(res) + cz * jnp.uint32(res * res)
        h = cx ^ (cy * jnp.uint32(PRIME_Y)) ^ (cz * jnp.uint32(PRIME_Z))
        return h & jnp.uint32(T - 1)

    def grid_coords(b, scale):
        px = xsv[pl.ds(b, 16)] * scale + 0.5
        py = ysv[pl.ds(b, 16)] * scale + 0.5
        pz = zsv[pl.ds(b, 16)] * scale + 0.5
        gx = px.astype(jnp.uint32)
        gy = py.astype(jnp.uint32)
        gz = pz.astype(jnp.uint32)
        fx = px - gx.astype(jnp.float32)
        fy = py - gy.astype(jnp.float32)
        fz = pz - gz.astype(jnp.float32)
        return gx, gy, gz, fx, fy, fz

    def corner_weight(fx, fy, fz, ux, uy, uz, c):
        ox, oy, oz = c & 1, (c >> 1) & 1, (c >> 2) & 1
        return ((fx if ox else ux) * (fy if oy else uy)
                * (fz if oz else uz))

    def pass1(scale, loff, idxs, fracs, res):
        def body(g, cr):
            b = g * 16
            gx, gy, gz, fx, fy, fz = grid_coords(b, scale)
            fracs[0][pl.ds(b, 16)] = fx
            fracs[1][pl.ds(b, 16)] = fy
            fracs[2][pl.ds(b, 16)] = fz
            for c in range(8):
                h = corner_index(gx, gy, gz, c, res)
                idxs[pl.ds(c * C + b, 16)] = h.astype(jnp.int32) + loff
            return cr
        lax.fori_loop(0, NG, body, 0)

    def issue(idxs, rows, sem):
        pltpu.async_copy(tab_hbm.at[idxs], rows, sem)

    def wait_bank(idxs, rows, sem):
        pltpu.make_async_copy(tab_hbm.at[idxs], rows, sem).wait()

    def pass2(lrow, rows, fracs):
        def body(g, cr):
            b = g * 16
            fx = fracs[0][pl.ds(b, 16)]
            fy = fracs[1][pl.ds(b, 16)]
            fz = fracs[2][pl.ds(b, 16)]
            ux, uy, uz = 1.0 - fx, 1.0 - fy, 1.0 - fz
            acc0 = jnp.zeros((16,), jnp.float32)
            acc1 = jnp.zeros((16,), jnp.float32)
            for c in range(8):
                w = corner_weight(fx, fy, fz, ux, uy, uz, c)
                f0, f1 = _unpack_pair(rows[pl.ds(c * C + b, 16)])
                acc0 = acc0 + w * f0
                acc1 = acc1 + w * f1
            encb[lrow, pl.ds(b, 16)] = acc0
            encb[lrow + 1, pl.ds(b, 16)] = acc1
            return cr
        lax.fori_loop(0, NG, body, 0)

    def fused_local_level(lrow, res, t_ref):
        def body(g, cr):
            b = g * 16
            gx, gy, gz, fx, fy, fz = grid_coords(b, float(res - 1))
            ux, uy, uz = 1.0 - fx, 1.0 - fy, 1.0 - fz
            acc0 = jnp.zeros((16,), jnp.float32)
            acc1 = jnp.zeros((16,), jnp.float32)
            for c in range(8):
                h = corner_index(gx, gy, gz, c, res)
                w = corner_weight(fx, fy, fz, ux, uy, uz, c)
                v = plsc.load_gather(t_ref, [h.astype(jnp.int32)])
                f0, f1 = _unpack_pair(v)
                acc0 = acc0 + w * f0
                acc1 = acc1 + w * f1
            encb[lrow, pl.ds(b, 16)] = acc0
            encb[lrow + 1, pl.ds(b, 16)] = acc1
            return cr
        lax.fori_loop(0, NG, body, 0)

    def hashed_scale(l):
        return (jnp.int32(1) << (l + 4)).astype(jnp.float32) - 1.0

    def chunk_body(ch, cr):
        pbase = wid * PW + ch * C
        pltpu.sync_copy(x_hbm.at[pl.ds(3 * pbase, 3 * C)], xiv)

        def xsplit_body(g, xcr):
            b = g * 16
            i3 = 3 * b + 3 * lax.broadcasted_iota(jnp.int32, (16,), 0)
            xsv[pl.ds(b, 16)] = plsc.load_gather(xiv, [i3])
            ysv[pl.ds(b, 16)] = plsc.load_gather(xiv, [i3 + 1])
            zsv[pl.ds(b, 16)] = plsc.load_gather(xiv, [i3 + 2])
            return xcr
        lax.fori_loop(0, NG, xsplit_body, 0)

        pass1(63.0, 2 * T, idx_a, frac_a, 64)
        issue(idx_a, rows_a, sema)
        fused_local_level(0, 16, t0v)
        fused_local_level(2, 32, t1v)
        pass1(127.0, 3 * T, idx_b, frac_b, None)
        issue(idx_b, rows_b, semb)
        wait_bank(idx_a, rows_a, sema)
        pass2(4, rows_a, frac_a)

        def pair_body(li, pcr):
            la = 4 + 2 * li
            pass1(hashed_scale(la), la * T, idx_a, frac_a, None)
            issue(idx_a, rows_a, sema)
            wait_bank(idx_b, rows_b, semb)
            pass2(2 * la - 2, rows_b, frac_b)
            lb = la + 1
            pass1(hashed_scale(lb), lb * T, idx_b, frac_b, None)
            issue(idx_b, rows_b, semb)
            wait_bank(idx_a, rows_a, sema)
            pass2(2 * la, rows_a, frac_a)
            return pcr
        lax.fori_loop(0, 6, pair_body, 0)

        wait_bank(idx_b, rows_b, semb)
        pass2(30, rows_b, frac_b)

        pltpu.sync_copy(encb, out_hbm.at[:, pl.ds(pbase, C)])
        return cr

    lax.fori_loop(0, NCH, chunk_body, 0)


BN = 2048


def _mlp_body(e_ref, w1_ref, w2_ref, o_ref):
    h = lax.dot_general(w1_ref[...], e_ref[...], (((0,), (0,)), ((), ())),
                        preferred_element_type=jnp.float32)
    h = jnp.maximum(h, 0.0)
    o_ref[...] = lax.dot_general(h, w2_ref[...], (((0,), (0,)), ((), ())),
                                 preferred_element_type=jnp.float32)


def _mlp(enc_t, W1, W2):
    return pl.pallas_call(
        _mlp_body,
        grid=(N_POINTS // BN,),
        in_specs=[
            pl.BlockSpec((ENC_DIM, BN), lambda i: (0, i)),
            pl.BlockSpec((ENC_DIM, N_NEURONS), lambda i: (0, 0)),
            pl.BlockSpec((N_NEURONS, OUT_DIMS), lambda i: (0, 0)),
        ],
        out_specs=pl.BlockSpec((BN, OUT_DIMS), lambda i: (i, 0)),
        out_shape=jax.ShapeDtypeStruct((N_POINTS, OUT_DIMS), jnp.float32),
    )(enc_t, W1, W2)


def kernel(x, table, W1, W2):
    tabp = lax.bitcast_convert_type(
        table.astype(jnp.bfloat16), jnp.float32).reshape(N_LEVELS * T)
    enc_t = _encode(x.reshape(3 * N_POINTS), tabp)
    return _mlp(enc_t, W1, W2)

# --- scband reference (transcript-rebuilt; emitter-appended) ---
"""Pipeline reference for scband-fused-density-mlp-81827716923548 (READ-ONLY COPY).

The authoritative reference and input builder live on the scoring server;
editing this copy changes nothing except your own understanding.
"""

import jax, jax.numpy as jnp
import numpy as np

N_LEVELS = 16
F_PER_LEVEL = 2
LOG2_T = 19
T = 1 << LOG2_T
BASE_RES = 16
PER_LEVEL_SCALE = 2.0
PRIMES = (1, 2654435761, 805459861)


def hashgrid_encode(x, table):
    # x: [N, 3] in [0,1); table: [n_levels, T, F]
    feats = []
    for level in range(N_LEVELS):
        scale = float(BASE_RES) * (PER_LEVEL_SCALE ** level) - 1.0
        res = int(np.ceil(scale)) + 1
        pos = x * scale + 0.5
        pos_floor = jnp.floor(pos)
        frac = pos - pos_floor
        gi = pos_floor.astype(jnp.uint32)  # [N, 3]
        dense = (res ** 3) <= T
        lvl_feat = jnp.zeros((x.shape[0], F_PER_LEVEL), dtype=x.dtype)
        for c in range(8):
            ox, oy, oz = (c >> 0) & 1, (c >> 1) & 1, (c >> 2) & 1
            cx = gi[:, 0] + jnp.uint32(ox)
            cy = gi[:, 1] + jnp.uint32(oy)
            cz = gi[:, 2] + jnp.uint32(oz)
            if dense:
                idx = cx + cy * jnp.uint32(res) + cz * jnp.uint32(res * res)
            else:
                idx = (cx * jnp.uint32(PRIMES[0])) ^ (cy * jnp.uint32(PRIMES[1])) ^ (cz * jnp.uint32(PRIMES[2]))
                idx = idx % jnp.uint32(T)
            w = jnp.ones((x.shape[0],), dtype=x.dtype)
            w = w * (frac[:, 0] if ox else (1.0 - frac[:, 0]))
            w = w * (frac[:, 1] if oy else (1.0 - frac[:, 1]))
            w = w * (frac[:, 2] if oz else (1.0 - frac[:, 2]))
            lvl_feat = lvl_feat + w[:, None] * table[level][idx]
        feats.append(lvl_feat)
    return jnp.concatenate(feats, axis=1)  # [N, 32]


def setup_inputs(seed: int = 0) -> dict:
    key = jax.random.key(seed)
    k_x, k_t, k_w1, k_w2 = jax.random.split(key, 4)
    N = 262144
    x = jax.random.uniform(k_x, (N, 3), dtype=jnp.float32)
    # tcnn hashgrid init: U[-1e-4, 1e-4]
    table = jax.random.uniform(k_t, (N_LEVELS, T, F_PER_LEVEL), dtype=jnp.float32, minval=-1e-4, maxval=1e-4)
    enc_dim = N_LEVELS * F_PER_LEVEL  # 32
    n_neurons = 64
    out_dims = 16
    W1 = jax.random.normal(k_w1, (enc_dim, n_neurons), dtype=jnp.float32) * (1.0 / np.sqrt(enc_dim))
    W2 = jax.random.normal(k_w2, (n_neurons, out_dims), dtype=jnp.float32) * (1.0 / np.sqrt(n_neurons))
    return {"x": x, "table": table, "W1": W1, "W2": W2}


def reference(x, table, W1, W2):
    enc = hashgrid_encode(x, table)
    h = jax.nn.relu(enc @ W1)  # FullyFusedMLP: 1 hidden layer, 64 neurons, ReLU, no bias
    out = h @ W2               # output_activation: None
    return out

if __name__ == "__main__":
    import jax
    _d = setup_inputs()
    print(jax.jit(kernel)(*tuple(_d.values())))

</pallas_src>

<mosaic_0001>
#map = affine_map<(d0, d1) -> (0)>
#map1 = affine_map<(d0, d1) -> (0, 0)>
module attributes {stable_mosaic.version = 14 : i64} {
  func.func @_encode(%arg0: i32, %arg1: i32, %arg2: memref<786432xf32, #tpu.memory_space<hbm>>, %arg3: memref<8388608xf32, #tpu.memory_space<hbm>>, %arg4: memref<32x262144xf32, #tpu.memory_space<hbm>>, %arg5: memref<3072xf32, #tpu.memory_space<vmem>>, %arg6: memref<1024xf32, #tpu.memory_space<vmem>>, %arg7: memref<1024xf32, #tpu.memory_space<vmem>>, %arg8: memref<1024xf32, #tpu.memory_space<vmem>>, %arg9: memref<1024xf32, #tpu.memory_space<vmem>>, %arg10: memref<1024xf32, #tpu.memory_space<vmem>>, %arg11: memref<1024xf32, #tpu.memory_space<vmem>>, %arg12: memref<1024xf32, #tpu.memory_space<vmem>>, %arg13: memref<1024xf32, #tpu.memory_space<vmem>>, %arg14: memref<1024xf32, #tpu.memory_space<vmem>>, %arg15: memref<8192xi32, #tpu.memory_space<vmem>>, %arg16: memref<8192xi32, #tpu.memory_space<vmem>>, %arg17: memref<8192xf32, #tpu.memory_space<vmem>>, %arg18: memref<8192xf32, #tpu.memory_space<vmem>>, %arg19: memref<32x1024xf32, #tpu.memory_space<vmem>>, %arg20: memref<4480xf32, #tpu.memory_space<vmem>>, %arg21: memref<33920xf32, #tpu.memory_space<vmem>>, %arg22: memref<!tpu.dma_semaphore, #tpu.memory_space<semaphore_mem>>, %arg23: memref<!tpu.dma_semaphore, #tpu.memory_space<semaphore_mem>>) attributes {dimension_semantics = [#tpu.dimension_semantics<core_parallel>, #tpu.dimension_semantics<subcore_parallel>], iteration_bounds = array<i64: 2, 16>, scalar_prefetch = 0 : i64, scratch_operands = 19 : i64, tpu.core_type = #tpu.core_type<sc_vector_subcore>, window_params = [{transform_indices = #map}, {transform_indices = #map}, {transform_indices = #map1}]} {
    %mul3A = arith.constant 2 : i32
    %mul3A_0 = arith.muli %arg1, %mul3A : i32
    %add3A = arith.addi %mul3A_0, %arg0 : i32
    "tpu.region"() ({
      %run_scoped3A = tpu.sem_alloc : memref<!tpu.dma_semaphore, #tpu.memory_space<semaphore_mem>>
      %dma_start3A = arith.constant 0 : i32
      %dma_start3A_6 = tpu.memref_slice %arg3[%dma_start3A] : memref<8388608xf32, #tpu.memory_space<hbm>> -> memref<4480xf32, #tpu.memory_space<hbm>>
      %dma_start3A_7 = arith.constant 0 : i32
      %dma_start3A_8 = tpu.memref_slice %arg3[%dma_start3A_7] : memref<8388608xf32, #tpu.memory_space<hbm>> -> memref<4480xf32, #tpu.memory_space<hbm>>
      tpu.enqueue_dma source(%dma_start3A_8 : memref<4480xf32, #tpu.memory_space<hbm>>) target(%arg20 : memref<4480xf32, #tpu.memory_space<vmem>>) target_semaphore(%run_scoped3A : memref<!tpu.dma_semaphore, #tpu.memory_space<semaphore_mem>>)
      %dma_wait3A = arith.constant 0 : i32
      %dma_wait3A_9 = tpu.memref_slice %arg3[%dma_wait3A] : memref<8388608xf32, #tpu.memory_space<hbm>> -> memref<4480xf32, #tpu.memory_space<hbm>>
      %dma_wait3A_10 = arith.constant 0 : i32
      %dma_wait3A_11 = tpu.memref_slice %arg3[%dma_wait3A_10] : memref<8388608xf32, #tpu.memory_space<hbm>> -> memref<4480xf32, #tpu.memory_space<hbm>>
      tpu.wait_dma2 semaphore(%run_scoped3A : memref<!tpu.dma_semaphore, #tpu.memory_space<semaphore_mem>>) src(%dma_wait3A_11 : memref<4480xf32, #tpu.memory_space<hbm>>) dst(%arg20 : memref<4480xf32, #tpu.memory_space<vmem>>)
      tpu.yield
    }) : () -> ()
    "tpu.region"() ({
      %run_scoped3A = tpu.sem_alloc : memref<!tpu.dma_semaphore, #tpu.memory_space<semaphore_mem>>
      %dma_start3A = arith.constant 524288 : i32
      %dma_start3A_6 = tpu.memref_slice %arg3[%dma_start3A] : memref<8388608xf32, #tpu.memory_space<hbm>> -> memref<33920xf32, #tpu.memory_space<hbm>>
      %dma_start3A_7 = arith.constant 524288 : i32
      %dma_start3A_8 = tpu.memref_slice %arg3[%dma_start3A_7] : memref<8388608xf32, #tpu.memory_space<hbm>> -> memref<33920xf32, #tpu.memory_space<hbm>>
      tpu.enqueue_dma source(%dma_start3A_8 : memref<33920xf32, #tpu.memory_space<hbm>>) target(%arg21 : memref<33920xf32, #tpu.memory_space<vmem>>) target_semaphore(%run_scoped3A : memref<!tpu.dma_semaphore, #tpu.memory_space<semaphore_mem>>)
      %dma_wait3A = arith.constant 524288 : i32
      %dma_wait3A_9 = tpu.memref_slice %arg3[%dma_wait3A] : memref<8388608xf32, #tpu.memory_space<hbm>> -> memref<33920xf32, #tpu.memory_space<hbm>>
      %dma_wait3A_10 = arith.constant 524288 : i32
      %dma_wait3A_11 = tpu.memref_slice %arg3[%dma_wait3A_10] : memref<8388608xf32, #tpu.memory_space<hbm>> -> memref<33920xf32, #tpu.memory_space<hbm>>
      tpu.wait_dma2 semaphore(%run_scoped3A : memref<!tpu.dma_semaphore, #tpu.memory_space<semaphore_mem>>) src(%dma_wait3A_11 : memref<33920xf32, #tpu.memory_space<hbm>>) dst(%arg21 : memref<33920xf32, #tpu.memory_space<vmem>>)
      tpu.yield
    }) : () -> ()
    %scan3A = arith.constant 0 : i32
    %scan3A_1 = arith.constant 0 : i32
    %scan3A_2 = arith.constant 8 : i32
    %scan3A_3 = arith.addi %scan3A_1, %scan3A_2 : i32
    %scan3A_4 = arith.constant 1 : i32
    scf.for %scan3A_6 = %scan3A_1 to %scan3A_3 step %scan3A_4  : i32 {
      %mul3A_7 = arith.constant 8192 : i32
      %mul3A_8 = arith.muli %add3A, %mul3A_7 : i32
      %mul3A_9 = arith.constant 1024 : i32
      %mul3A_10 = arith.muli %scan3A_6, %mul3A_9 : i32
      %add3A_11 = arith.addi %mul3A_8, %mul3A_10 : i32
      %mul3A_12 = arith.constant 3 : i32
      %mul3A_13 = arith.muli %mul3A_12, %add3A_11 : i32
      "tpu.region"() ({
        %run_scoped3A = tpu.sem_alloc : memref<!tpu.dma_semaphore, #tpu.memory_space<semaphore_mem>>
        %dma_start3A_68 = tpu.memref_slice %arg2[%mul3A_13] : memref<786432xf32, #tpu.memory_space<hbm>> -> memref<3072xf32, #tpu.memory_space<hbm>>
        %dma_start3A_69 = tpu.memref_slice %arg2[%mul3A_13] : memref<786432xf32, #tpu.memory_space<hbm>> -> memref<3072xf32, #tpu.memory_space<hbm>>
        tpu.enqueue_dma source(%dma_start3A_69 : memref<3072xf32, #tpu.memory_space<hbm>>) target(%arg5 : memref<3072xf32, #tpu.memory_space<vmem>>) target_semaphore(%run_scoped3A : memref<!tpu.dma_semaphore, #tpu.memory_space<semaphore_mem>>)
        %dma_wait3A_70 = tpu.memref_slice %arg2[%mul3A_13] : memref<786432xf32, #tpu.memory_space<hbm>> -> memref<3072xf32, #tpu.memory_space<hbm>>
        %dma_wait3A_71 = tpu.memref_slice %arg2[%mul3A_13] : memref<786432xf32, #tpu.memory_space<hbm>> -> memref<3072xf32, #tpu.memory_space<hbm>>
        tpu.wait_dma2 semaphore(%run_scoped3A : memref<!tpu.dma_semaphore, #tpu.memory_space<semaphore_mem>>) src(%dma_wait3A_71 : memref<3072xf32, #tpu.memory_space<hbm>>) dst(%arg5 : memref<3072xf32, #tpu.memory_space<vmem>>)
        tpu.yield
      }) : () -> ()
      %scan3A_14 = arith.constant 0 : i32
      %scan3A_15 = arith.constant 0 : i32
      %scan3A_16 = arith.constant 64 : i32
      %scan3A_17 = arith.addi %scan3A_15, %scan3A_16 : i32
      %scan3A_18 = arith.constant 1 : i32
      scf.for %scan3A_68 = %scan3A_15 to %scan3A_17 step %scan3A_18  : i32 {
        %mul3A_69 = arith.constant 16 : i32
        %mul3A_70 = arith.muli %scan3A_68, %mul3A_69 : i32
        %mul3A_71 = arith.constant 3 : i32
        %mul3A_72 = arith.muli %mul3A_71, %mul3A_70 : i32
        %iota3A = tpu.iota {dimensions = array<i32: 0>} : vector<16xi32>
        %mul3A_73 = arith.constant 3 : i32
        %mul3A_74 = vector.broadcast %mul3A_73 : i32 to vector<16xi32>
        %mul3A_75 = arith.muli %mul3A_74, %iota3A : vector<16xi32>
        %add3A_76 = vector.broadcast %mul3A_72 : i32 to vector<16xi32>
        %add3A_77 = arith.addi %add3A_76, %mul3A_75 : vector<16xi32>
        %gather3A = tpu.vector_load_idx %arg5[%add3A_77] : memref<3072xf32, #tpu.memory_space<vmem>>[vector<16xi32>], vector<16xf32>,
        %swap3A = arith.index_cast %mul3A_70 : i32 to index
        %swap3A_78 = tpu.vector_load %arg6[%swap3A] {strides = array<i32>} : memref<1024xf32, #tpu.memory_space<vmem>>, vector<16xf32>,
        tpu.vector_store %arg6[%swap3A], %gather3A {strides = array<i32>} : memref<1024xf32, #tpu.memory_space<vmem>>, vector<16xf32>,
        %add3A_79 = arith.constant 1 : i32
        %add3A_80 = vector.broadcast %add3A_79 : i32 to vector<16xi32>
        %add3A_81 = arith.addi %add3A_77, %add3A_80 : vector<16xi32>
        %gather3A_82 = tpu.vector_load_idx %arg5[%add3A_81] : memref<3072xf32, #tpu.memory_space<vmem>>[vector<16xi32>], vector<16xf32>,
        %swap3A_83 = arith.index_cast %mul3A_70 : i32 to index
        %swap3A_84 = tpu.vector_load %arg7[%swap3A_83] {strides = array<i32>} : memref<1024xf32, #tpu.memory_space<vmem>>, vector<16xf32>,
        tpu.vector_store %arg7[%swap3A_83], %gather3A_82 {strides = array<i32>} : memref<1024xf32, #tpu.memory_space<vmem>>, vector<16xf32>,
        %add3A_85 = arith.constant 2 : i32
        %add3A_86 = vector.broadcast %add3A_85 : i32 to vector<16xi32>
        %add3A_87 = arith.addi %add3A_77, %add3A_86 : vector<16xi32>
        %gather3A_88 = tpu.vector_load_idx %arg5[%add3A_87] : memref<3072xf32, #tpu.memory_space<vmem>>[vector<16xi32>], vector<16xf32>,
        %swap3A_89 = arith.index_cast %mul3A_70 : i32 to index
        %swap3A_90 = tpu.vector_load %arg8[%swap3A_89] {strides = array<i32>} : memref<1024xf32, #tpu.memory_space<vmem>>, vector<16xf32>,
        tpu.vector_store %arg8[%swap3A_89], %gather3A_88 {strides = array<i32>} : memref<1024xf32, #tpu.memory_space<vmem>>, vector<16xf32>,
      }
      %scan3A_19 = arith.constant 64 : i32
      %scan3A_20 = arith.constant 0 : i32
      %scan3A_21 = arith.constant 0 : i32
      %scan3A_22 = arith.constant 64 : i32
      %scan3A_23 = arith.addi %scan3A_21, %scan3A_22 : i32
      %scan3A_24 = arith.constant 1 : i32
      scf.for %scan3A_68 = %scan3A_21 to %scan3A_23 step %scan3A_24  : i32 {
        %mul3A_69 = arith.constant 16 : i32
        %mul3A_70 = arith.muli %scan3A_68, %mul3A_69 : i32
        %get3A = arith.index_cast %mul3A_70 : i32 to index
        %get3A_71 = tpu.vector_load %arg6[%get3A] {strides = array<i32>} : memref<1024xf32, #tpu.memory_space<vmem>>, vector<16xf32>,
        %mul3A_72 = arith.constant 6.300000e+01 : f32
        %mul3A_73 = vector.broadcast %mul3A_72 : f32 to vector<16xf32>
        %mul3A_74 = arith.mulf %get3A_71, %mul3A_73 : vector<16xf32>
        %add3A_75 = arith.constant 5.000000e-01 : f32
        %add3A_76 = vector.broadcast %add3A_75 : f32 to vector<16xf32>
        %add3A_77 = arith.addf %mul3A_74, %add3A_76 : vector<16xf32>
        %get3A_78 = arith.index_cast %mul3A_70 : i32 to index
        %get3A_79 = tpu.vector_load %arg7[%get3A_78] {strides = array<i32>} : memref<1024xf32, #tpu.memory_space<vmem>>, vector<16xf32>,
        %mul3A_80 = arith.constant 6.300000e+01 : f32
        %mul3A_81 = vector.broadcast %mul3A_80 : f32 to vector<16xf32>
        %mul3A_82 = arith.mulf %get3A_79, %mul3A_81 : vector<16xf32>
        %add3A_83 = arith.constant 5.000000e-01 : f32
        %add3A_84 = vector.broadcast %add3A_83 : f32 to vector<16xf32>
        %add3A_85 = arith.addf %mul3A_82, %add3A_84 : vector<16xf32>
        %get3A_86 = arith.index_cast %mul3A_70 : i32 to index
        %get3A_87 = tpu.vector_load %arg8[%get3A_86] {strides = array<i32>} : memref<1024xf32, #tpu.memory_space<vmem>>, vector<16xf32>,
        %mul3A_88 = arith.constant 6.300000e+01 : f32
        %mul3A_89 = vector.broadcast %mul3A_88 : f32 to vector<16xf32>
        %mul3A_90 = arith.mulf %get3A_87, %mul3A_89 : vector<16xf32>
        %add3A_91 = arith.constant 5.000000e-01 : f32
        %add3A_92 = vector.broadcast %add3A_91 : f32 to vector<16xf32>
        %add3A_93 = arith.addf %mul3A_90, %add3A_92 : vector<16xf32>
        %convert_element_type3A = arith.fptoui %add3A_77 : vector<16xf32> to vector<16xi32>
        %convert_element_type3A_94 = arith.fptoui %add3A_85 : vector<16xf32> to vector<16xi32>
        %convert_element_type3A_95 = arith.fptoui %add3A_93 : vector<16xf32> to vector<16xi32>
        %convert_element_type3A_96 = arith.uitofp %convert_element_type3A : vector<16xi32> to vector<16xf32>
        %sub3A = arith.subf %add3A_77, %convert_element_type3A_96 : vector<16xf32>
        %convert_element_type3A_97 = arith.uitofp %convert_element_type3A_94 : vector<16xi32> to vector<16xf32>
        %sub3A_98 = arith.subf %add3A_85, %convert_element_type3A_97 : vector<16xf32>
        %convert_element_type3A_99 = arith.uitofp %convert_element_type3A_95 : vector<16xi32> to vector<16xf32>
        %sub3A_100 = arith.subf %add3A_93, %convert_element_type3A_99 : vector<16xf32>
        %swap3A = arith.index_cast %mul3A_70 : i32 to index
        %swap3A_101 = tpu.vector_load %arg9[%swap3A] {strides = array<i32>} : memref<1024xf32, #tpu.memory_space<vmem>>, vector<16xf32>,
        tpu.vector_store %arg9[%swap3A], %sub3A {strides = array<i32>} : memref<1024xf32, #tpu.memory_space<vmem>>, vector<16xf32>,
        %swap3A_102 = arith.index_cast %mul3A_70 : i32 to index
        %swap3A_103 = tpu.vector_load %arg10[%swap3A_102] {strides = array<i32>} : memref<1024xf32, #tpu.memory_space<vmem>>, vector<16xf32>,
        tpu.vector_store %arg10[%swap3A_102], %sub3A_98 {strides = array<i32>} : memref<1024xf32, #tpu.memory_space<vmem>>, vector<16xf32>,
        %swap3A_104 = arith.index_cast %mul3A_70 : i32 to index
        %swap3A_105 = tpu.vector_load %arg11[%swap3A_104] {strides = array<i32>} : memref<1024xf32, #tpu.memory_space<vmem>>, vector<16xf32>,
        tpu.vector_store %arg11[%swap3A_104], %sub3A_100 {strides = array<i32>} : memref<1024xf32, #tpu.memory_space<vmem>>, vector<16xf32>,
        %mul3A_106 = arith.constant 64 : i32
        %mul3A_107 = vector.broadcast %mul3A_106 : i32 to vector<16xi32>
        %mul3A_108 = arith.muli %convert_element_type3A_94, %mul3A_107 : vector<16xi32>
        %add3A_109 = arith.addi %convert_element_type3A, %mul3A_108 : vector<16xi32>
        %mul3A_110 = arith.constant 4096 : i32
        %mul3A_111 = vector.broadcast %mul3A_110 : i32 to vector<16xi32>
        %mul3A_112 = arith.muli %convert_element_type3A_95, %mul3A_111 : vector<16xi32>
        %add3A_113 = arith.addi %add3A_109, %mul3A_112 : vector<16xi32>
        %add3A_114 = arith.constant 1048576 : i32
        %add3A_115 = vector.broadcast %add3A_114 : i32 to vector<16xi32>
        %add3A_116 = arith.addi %add3A_113, %add3A_115 : vector<16xi32>
        %add3A_117 = arith.constant 0 : i32
        %add3A_118 = arith.addi %add3A_117, %mul3A_70 : i32
        %swap3A_119 = arith.index_cast %add3A_118 : i32 to index
        %swap3A_120 = tpu.vector_load %arg15[%swap3A_119] {strides = array<i32>} : memref<8192xi32, #tpu.memory_space<vmem>>, vector<16xi32>,
        tpu.vector_store %arg15[%swap3A_119], %add3A_116 {strides = array<i32>} : memref<8192xi32, #tpu.memory_space<vmem>>, vector<16xi32>,
        %add3A_121 = arith.constant 1 : i32
        %add3A_122 = vector.broadcast %add3A_121 : i32 to vector<16xi32>
        %add3A_123 = arith.addi %convert_element_type3A, %add3A_122 : vector<16xi32>
        %mul3A_124 = arith.constant 64 : i32
        %mul3A_125 = vector.broadcast %mul3A_124 : i32 to vector<16xi32>
        %mul3A_126 = arith.muli %convert_element_type3A_94, %mul3A_125 : vector<16xi32>
        %add3A_127 = arith.addi %add3A_123, %mul3A_126 : vector<16xi32>
        %mul3A_128 = arith.constant 4096 : i32
        %mul3A_129 = vector.broadcast %mul3A_128 : i32 to vector<16xi32>
        %mul3A_130 = arith.muli %convert_element_type3A_95, %mul3A_129 : vector<16xi32>
        %add3A_131 = arith.addi %add3A_127, %mul3A_130 : vector<16xi32>
        %add3A_132 = arith.constant 1048576 : i32
        %add3A_133 = vector.broadcast %add3A_132 : i32 to vector<16xi32>
        %add3A_134 = arith.addi %add3A_131, %add3A_133 : vector<16xi32>
        %add3A_135 = arith.constant 1024 : i32
        %add3A_136 = arith.addi %add3A_135, %mul3A_70 : i32
        %swap3A_137 = arith.index_cast %add3A_136 : i32 to index
        %swap3A_138 = tpu.vector_load %arg15[%swap3A_137] {strides = array<i32>} : memref<8192xi32, #tpu.memory_space<vmem>>, vector<16xi32>,
        tpu.vector_store %arg15[%swap3A_137], %add3A_134 {strides = array<i32>} : memref<8192xi32, #tpu.memory_space<vmem>>, vector<16xi32>,
        %add3A_139 = arith.constant 1 : i32
        %add3A_140 = vector.broadcast %add3A_139 : i32 to vector<16xi32>
        %add3A_141 = arith.addi %convert_element_type3A_94, %add3A_140 : vector<16xi32>
        %mul3A_142 = arith.constant 64 : i32
        %mul3A_143 = vector.broadcast %mul3A_142 : i32 to vector<16xi32>
        %mul3A_144 = arith.muli %add3A_141, %mul3A_143 : vector<16xi32>
        %add3A_145 = arith.addi %convert_element_type3A, %mul3A_144 : vector<16xi32>
        %mul3A_146 = arith.constant 4096 : i32
        %mul3A_147 = vector.broadcast %mul3A_146 : i32 to vector<16xi32>
        %mul3A_148 = arith.muli %convert_element_type3A_95, %mul3A_147 : vector<16xi32>
        %add3A_149 = arith.addi %add3A_145, %mul3A_148 : vector<16xi32>
        %add3A_150 = arith.constant 1048576 : i32
        %add3A_151 = vector.broadcast %add3A_150 : i32 to vector<16xi32>
        %add3A_152 = arith.addi %add3A_149, %add3A_151 : vector<16xi32>
        %add3A_153 = arith.constant 2048 : i32
        %add3A_154 = arith.addi %add3A_153, %mul3A_70 : i32
        %swap3A_155 = arith.index_cast %add3A_154 : i32 to index
        %swap3A_156 = tpu.vector_load %arg15[%swap3A_155] {strides = array<i32>} : memref<8192xi32, #tpu.memory_space<vmem>>, vector<16xi32>,
        tpu.vector_store %arg15[%swap3A_155], %add3A_152 {strides = array<i32>} : memref<8192xi32, #tpu.memory_space<vmem>>, vector<16xi32>,
        %add3A_157 = arith.constant 1 : i32
        %add3A_158 = vector.broadcast %add3A_157 : i32 to vector<16xi32>
        %add3A_159 = arith.addi %convert_element_type3A, %add3A_158 : vector<16xi32>
        %add3A_160 = arith.constant 1 : i32
        %add3A_161 = vector.broadcast %add3A_160 : i32 to vector<16xi32>
        %add3A_162 = arith.addi %convert_element_type3A_94, %add3A_161 : vector<16xi32>
        %mul3A_163 = arith.constant 64 : i32
        %mul3A_164 = vector.broadcast %mul3A_163 : i32 to vector<16xi32>
        %mul3A_165 = arith.muli %add3A_162, %mul3A_164 : vector<16xi32>
        %add3A_166 = arith.addi %add3A_159, %mul3A_165 : vector<16xi32>
        %mul3A_167 = arith.constant 4096 : i32
        %mul3A_168 = vector.broadcast %mul3A_167 : i32 to vector<16xi32>
        %mul3A_169 = arith.muli %convert_element_type3A_95, %mul3A_168 : vector<16xi32>
        %add3A_170 = arith.addi %add3A_166, %mul3A_169 : vector<16xi32>
        %add3A_171 = arith.constant 1048576 : i32
        %add3A_172 = vector.broadcast %add3A_171 : i32 to vector<16xi32>
        %add3A_173 = arith.addi %add3A_170, %add3A_172 : vector<16xi32>
        %add3A_174 = arith.constant 3072 : i32
        %add3A_175 = arith.addi %add3A_174, %mul3A_70 : i32
        %swap3A_176 = arith.index_cast %add3A_175 : i32 to index
        %swap3A_177 = tpu.vector_load %arg15[%swap3A_176] {strides = array<i32>} : memref<8192xi32, #tpu.memory_space<vmem>>, vector<16xi32>,
        tpu.vector_store %arg15[%swap3A_176], %add3A_173 {strides = array<i32>} : memref<8192xi32, #tpu.memory_space<vmem>>, vector<16xi32>,
        %add3A_178 = arith.constant 1 : i32
        %add3A_179 = vector.broadcast %add3A_178 : i32 to vector<16xi32>
        %add3A_180 = arith.addi %convert_element_type3A_95, %add3A_179 : vector<16xi32>
        %mul3A_181 = arith.constant 64 : i32
        %mul3A_182 = vector.broadcast %mul3A_181 : i32 to vector<16xi32>
        %mul3A_183 = arith.muli %convert_element_type3A_94, %mul3A_182 : vector<16xi32>
        %add3A_184 = arith.addi %convert_element_type3A, %mul3A_183 : vector<16xi32>
        %mul3A_185 = arith.constant 4096 : i32
        %mul3A_186 = vector.broadcast %mul3A_185 : i32 to vector<16xi32>
        %mul3A_187 = arith.muli %add3A_180, %mul3A_186 : vector<16xi32>
        %add3A_188 = arith.addi %add3A_184, %mul3A_187 : vector<16xi32>
        %add3A_189 = arith.constant 1048576 : i32
        %add3A_190 = vector.broadcast %add3A_189 : i32 to vector<16xi32>
        %add3A_191 = arith.addi %add3A_188, %add3A_190 : vector<16xi32>
        %add3A_192 = arith.constant 4096 : i32
        %add3A_193 = arith.addi %add3A_192, %mul3A_70 : i32
        %swap3A_194 = arith.index_cast %add3A_193 : i32 to index
        %swap3A_195 = tpu.vector_load %arg15[%swap3A_194] {strides = array<i32>} : memref<8192xi32, #tpu.memory_space<vmem>>, vector<16xi32>,
        tpu.vector_store %arg15[%swap3A_194], %add3A_191 {strides = array<i32>} : memref<8192xi32, #tpu.memory_space<vmem>>, vector<16xi32>,
        %add3A_196 = arith.constant 1 : i32
        %add3A_197 = vector.broadcast %add3A_196 : i32 to vector<16xi32>
        %add3A_198 = arith.addi %convert_element_type3A, %add3A_197 : vector<16xi32>
        %add3A_199 = arith.constant 1 : i32
        %add3A_200 = vector.broadcast %add3A_199 : i32 to vector<16xi32>
        %add3A_201 = arith.addi %convert_element_type3A_95, %add3A_200 : vector<16xi32>
        %mul3A_202 = arith.constant 64 : i32
        %mul3A_203 = vector.broadcast %mul3A_202 : i32 to vector<16xi32>
        %mul3A_204 = arith.muli %convert_element_type3A_94, %mul3A_203 : vector<16xi32>
        %add3A_205 = arith.addi %add3A_198, %mul3A_204 : vector<16xi32>
        %mul3A_206 = arith.constant 4096 : i32
        %mul3A_207 = vector.broadcast %mul3A_206 : i32 to vector<16xi32>
        %mul3A_208 = arith.muli %add3A_201, %mul3A_207 : vector<16xi32>
        %add3A_209 = arith.addi %add3A_205, %mul3A_208 : vector<16xi32>
        %add3A_210 = arith.constant 1048576 : i32
        %add3A_211 = vector.broadcast %add3A_210 : i32 to vector<16xi32>
        %add3A_212 = arith.addi %add3A_209, %add3A_211 : vector<16xi32>
        %add3A_213 = arith.constant 5120 : i32
        %add3A_214 = arith.addi %add3A_213, %mul3A_70 : i32
        %swap3A_215 = arith.index_cast %add3A_214 : i32 to index
        %swap3A_216 = tpu.vector_load %arg15[%swap3A_215] {strides = array<i32>} : memref<8192xi32, #tpu.memory_space<vmem>>, vector<16xi32>,
        tpu.vector_store %arg15[%swap3A_215], %add3A_212 {strides = array<i32>} : memref<8192xi32, #tpu.memory_space<vmem>>, vector<16xi32>,
        %add3A_217 = arith.constant 1 : i32
        %add3A_218 = vector.broadcast %add3A_217 : i32 to vector<16xi32>
        %add3A_219 = arith.addi %convert_element_type3A_94, %add3A_218 : vector<16xi32>
        %add3A_220 = arith.constant 1 : i32
        %add3A_221 = vector.broadcast %add3A_220 : i32 to vector<16xi32>
        %add3A_222 = arith.addi %convert_element_type3A_95, %add3A_221 : vector<16xi32>
        %mul3A_223 = arith.constant 64 : i32
        %mul3A_224 = vector.broadcast %mul3A_223 : i32 to vector<16xi32>
        %mul3A_225 = arith.muli %add3A_219, %mul3A_224 : vector<16xi32>
        %add3A_226 = arith.addi %convert_element_type3A, %mul3A_225 : vector<16xi32>
        %mul3A_227 = arith.constant 4096 : i32
        %mul3A_228 = vector.broadcast %mul3A_227 : i32 to vector<16xi32>
        %mul3A_229 = arith.muli %add3A_222, %mul3A_228 : vector<16xi32>
        %add3A_230 = arith.addi %add3A_226, %mul3A_229 : vector<16xi32>
        %add3A_231 = arith.constant 1048576 : i32
        %add3A_232 = vector.broadcast %add3A_231 : i32 to vector<16xi32>
        %add3A_233 = arith.addi %add3A_230, %add3A_232 : vector<16xi32>
        %add3A_234 = arith.constant 6144 : i32
        %add3A_235 = arith.addi %add3A_234, %mul3A_70 : i32
        %swap3A_236 = arith.index_cast %add3A_235 : i32 to index
        %swap3A_237 = tpu.vector_load %arg15[%swap3A_236] {strides = array<i32>} : memref<8192xi32, #tpu.memory_space<vmem>>, vector<16xi32>,
        tpu.vector_store %arg15[%swap3A_236], %add3A_233 {strides = array<i32>} : memref<8192xi32, #tpu.memory_space<vmem>>, vector<16xi32>,
        %add3A_238 = arith.constant 1 : i32
        %add3A_239 = vector.broadcast %add3A_238 : i32 to vector<16xi32>
        %add3A_240 = arith.addi %convert_element_type3A, %add3A_239 : vector<16xi32>
        %add3A_241 = arith.constant 1 : i32
        %add3A_242 = vector.broadcast %add3A_241 : i32 to vector<16xi32>
        %add3A_243 = arith.addi %convert_element_type3A_94, %add3A_242 : vector<16xi32>
        %add3A_244 = arith.constant 1 : i32
        %add3A_245 = vector.broadcast %add3A_244 : i32 to vector<16xi32>
        %add3A_246 = arith.addi %convert_element_type3A_95, %add3A_245 : vector<16xi32>
        %mul3A_247 = arith.constant 64 : i32
        %mul3A_248 = vector.broadcast %mul3A_247 : i32 to vector<16xi32>
        %mul3A_249 = arith.muli %add3A_243, %mul3A_248 : vector<16xi32>
        %add3A_250 = arith.addi %add3A_240, %mul3A_249 : vector<16xi32>
        %mul3A_251 = arith.constant 4096 : i32
        %mul3A_252 = vector.broadcast %mul3A_251 : i32 to vector<16xi32>
        %mul3A_253 = arith.muli %add3A_246, %mul3A_252 : vector<16xi32>
        %add3A_254 = arith.addi %add3A_250, %mul3A_253 : vector<16xi32>
        %add3A_255 = arith.constant 1048576 : i32
        %add3A_256 = vector.broadcast %add3A_255 : i32 to vector<16xi32>
        %add3A_257 = arith.addi %add3A_254, %add3A_256 : vector<16xi32>
        %add3A_258 = arith.constant 7168 : i32
        %add3A_259 = arith.addi %add3A_258, %mul3A_70 : i32
        %swap3A_260 = arith.index_cast %add3A_259 : i32 to index
        %swap3A_261 = tpu.vector_load %arg15[%swap3A_260] {strides = array<i32>} : memref<8192xi32, #tpu.memory_space<vmem>>, vector<16xi32>,
        tpu.vector_store %arg15[%swap3A_260], %add3A_257 {strides = array<i32>} : memref<8192xi32, #tpu.memory_space<vmem>>, vector<16xi32>,
      }
      %scan3A_25 = arith.constant 64 : i32
      %dma_start3A = arith.constant 0 : i32
      %dma_start3A_26 = tpu.memref_slice %arg3[%dma_start3A] : memref<8388608xf32, #tpu.memory_space<hbm>> -> memref<8388608xf32, #tpu.memory_space<hbm>>
      tpu.enqueue_indirect_dma source(%dma_start3A_26 : memref<8388608xf32, #tpu.memory_space<hbm>>) target(%arg17 : memref<8192xf32, #tpu.memory_space<vmem>>) offsets(%arg15 : memref<8192xi32, #tpu.memory_space<vmem>>) semaphore(%arg22 : memref<!tpu.dma_semaphore, #tpu.memory_space<semaphore_mem>>)
      %scan3A_27 = arith.constant 0 : i32
      %scan3A_28 = arith.constant 0 : i32
      %scan3A_29 = arith.constant 64 : i32
      %scan3A_30 = arith.addi %scan3A_28, %scan3A_29 : i32
      %scan3A_31 = arith.constant 1 : i32
      scf.for %scan3A_68 = %scan3A_28 to %scan3A_30 step %scan3A_31  : i32 {
        %mul3A_69 = arith.constant 16 : i32
        %mul3A_70 = arith.muli %scan3A_68, %mul3A_69 : i32
        %get3A = arith.index_cast %mul3A_70 : i32 to index
        %get3A_71 = tpu.vector_load %arg6[%get3A] {strides = array<i32>} : memref<1024xf32, #tpu.memory_space<vmem>>, vector<16xf32>,
        %mul3A_72 = arith.constant 1.500000e+01 : f32
        %mul3A_73 = vector.broadcast %mul3A_72 : f32 to vector<16xf32>
        %mul3A_74 = arith.mulf %get3A_71, %mul3A_73 : vector<16xf32>
        %add3A_75 = arith.constant 5.000000e-01 : f32
        %add3A_76 = vector.broadcast %add3A_75 : f32 to vector<16xf32>
        %add3A_77 = arith.addf %mul3A_74, %add3A_76 : vector<16xf32>
        %get3A_78 = arith.index_cast %mul3A_70 : i32 to index
        %get3A_79 = tpu.vector_load %arg7[%get3A_78] {strides = array<i32>} : memref<1024xf32, #tpu.memory_space<vmem>>, vector<16xf32>,
        %mul3A_80 = arith.constant 1.500000e+01 : f32
        %mul3A_81 = vector.broadcast %mul3A_80 : f32 to vector<16xf32>
        %mul3A_82 = arith.mulf %get3A_79, %mul3A_81 : vector<16xf32>
        %add3A_83 = arith.constant 5.000000e-01 : f32
        %add3A_84 = vector.broadcast %add3A_83 : f32 to vector<16xf32>
        %add3A_85 = arith.addf %mul3A_82, %add3A_84 : vector<16xf32>
        %get3A_86 = arith.index_cast %mul3A_70 : i32 to index
        %get3A_87 = tpu.vector_load %arg8[%get3A_86] {strides = array<i32>} : memref<1024xf32, #tpu.memory_space<vmem>>, vector<16xf32>,
        %mul3A_88 = arith.constant 1.500000e+01 : f32
        %mul3A_89 = vector.broadcast %mul3A_88 : f32 to vector<16xf32>
        %mul3A_90 = arith.mulf %get3A_87, %mul3A_89 : vector<16xf32>
        %add3A_91 = arith.constant 5.000000e-01 : f32
        %add3A_92 = vector.broadcast %add3A_91 : f32 to vector<16xf32>
        %add3A_93 = arith.addf %mul3A_90, %add3A_92 : vector<16xf32>
        %convert_element_type3A = arith.fptoui %add3A_77 : vector<16xf32> to vector<16xi32>
        %convert_element_type3A_94 = arith.fptoui %add3A_85 : vector<16xf32> to vector<16xi32>
        %convert_element_type3A_95 = arith.fptoui %add3A_93 : vector<16xf32> to vector<16xi32>
        %convert_element_type3A_96 = arith.uitofp %convert_element_type3A : vector<16xi32> to vector<16xf32>
        %sub3A = arith.subf %add3A_77, %convert_element_type3A_96 : vector<16xf32>
        %convert_element_type3A_97 = arith.uitofp %convert_element_type3A_94 : vector<16xi32> to vector<16xf32>
        %sub3A_98 = arith.subf %add3A_85, %convert_element_type3A_97 : vector<16xf32>
        %convert_element_type3A_99 = arith.uitofp %convert_element_type3A_95 : vector<16xi32> to vector<16xf32>
        %sub3A_100 = arith.subf %add3A_93, %convert_element_type3A_99 : vector<16xf32>
        %sub3A_101 = arith.constant 1.000000e+00 : f32
        %sub3A_102 = vector.broadcast %sub3A_101 : f32 to vector<16xf32>
        %sub3A_103 = arith.subf %sub3A_102, %sub3A : vector<16xf32>
        %sub3A_104 = arith.constant 1.000000e+00 : f32
        %sub3A_105 = vector.broadcast %sub3A_104 : f32 to vector<16xf32>
        %sub3A_106 = arith.subf %sub3A_105, %sub3A_98 : vector<16xf32>
        %sub3A_107 = arith.constant 1.000000e+00 : f32
        %sub3A_108 = vector.broadcast %sub3A_107 : f32 to vector<16xf32>
        %sub3A_109 = arith.subf %sub3A_108, %sub3A_100 : vector<16xf32>
        %broadcast_in_dim3A = arith.constant 0.000000e+00 : f32
        %broadcast_in_dim3A_110 = vector.broadcast %broadcast_in_dim3A : f32 to vector<16xf32>
        %broadcast_in_dim3A_111 = arith.constant 0.000000e+00 : f32
        %broadcast_in_dim3A_112 = vector.broadcast %broadcast_in_dim3A_111 : f32 to vector<16xf32>
        %mul3A_113 = arith.constant 16 : i32
        %mul3A_114 = vector.broadcast %mul3A_113 : i32 to vector<16xi32>
        %mul3A_115 = arith.muli %convert_element_type3A_94, %mul3A_114 : vector<16xi32>
        %add3A_116 = arith.addi %convert_element_type3A, %mul3A_115 : vector<16xi32>
        %mul3A_117 = arith.constant 256 : i32
        %mul3A_118 = vector.broadcast %mul3A_117 : i32 to vector<16xi32>
        %mul3A_119 = arith.muli %convert_element_type3A_95, %mul3A_118 : vector<16xi32>
        %add3A_120 = arith.addi %add3A_116, %mul3A_119 : vector<16xi32>
        %mul3A_121 = arith.mulf %sub3A_103, %sub3A_106 : vector<16xf32>
        %mul3A_122 = arith.mulf %mul3A_121, %sub3A_109 : vector<16xf32>
        %gather3A = tpu.vector_load_idx %arg20[%add3A_120] : memref<4480xf32, #tpu.memory_space<vmem>>[vector<16xi32>], vector<16xf32>,
        %bitcast_convert_type3A = tpu.bitcast %gather3A : vector<16xf32> -> vector<16xi32>
        %shift_left3A = arith.constant 16 : i32
        %shift_left3A_123 = vector.broadcast %shift_left3A : i32 to vector<16xi32>
        %shift_left3A_124 = arith.shli %bitcast_convert_type3A, %shift_left3A_123 : vector<16xi32>
        %bitcast_convert_type3A_125 = tpu.bitcast %shift_left3A_124 : vector<16xi32> -> vector<16xf32>
        %and3A = arith.constant -65536 : i32
        %and3A_126 = vector.broadcast %and3A : i32 to vector<16xi32>
        %and3A_127 = arith.andi %bitcast_convert_type3A, %and3A_126 : vector<16xi32>
        %bitcast_convert_type3A_128 = tpu.bitcast %and3A_127 : vector<16xi32> -> vector<16xf32>
        %mul3A_129 = arith.mulf %mul3A_122, %bitcast_convert_type3A_125 : vector<16xf32>
        %add3A_130 = arith.addf %broadcast_in_dim3A_110, %mul3A_129 : vector<16xf32>
        %mul3A_131 = arith.mulf %mul3A_122, %bitcast_convert_type3A_128 : vector<16xf32>
        %add3A_132 = arith.addf %broadcast_in_dim3A_112, %mul3A_131 : vector<16xf32>
        %add3A_133 = arith.constant 1 : i32
        %add3A_134 = vector.broadcast %add3A_133 : i32 to vector<16xi32>
        %add3A_135 = arith.addi %convert_element_type3A, %add3A_134 : vector<16xi32>
        %mul3A_136 = arith.constant 16 : i32
        %mul3A_137 = vector.broadcast %mul3A_136 : i32 to vector<16xi32>
        %mul3A_138 = arith.muli %convert_element_type3A_94, %mul3A_137 : vector<16xi32>
        %add3A_139 = arith.addi %add3A_135, %mul3A_138 : vector<16xi32>
        %mul3A_140 = arith.constant 256 : i32
        %mul3A_141 = vector.broadcast %mul3A_140 : i32 to vector<16xi32>
        %mul3A_142 = arith.muli %convert_element_type3A_95, %mul3A_141 : vector<16xi32>
        %add3A_143 = arith.addi %add3A_139, %mul3A_142 : vector<16xi32>
        %mul3A_144 = arith.mulf %sub3A, %sub3A_106 : vector<16xf32>
        %mul3A_145 = arith.mulf %mul3A_144, %sub3A_109 : vector<16xf32>
        %gather3A_146 = tpu.vector_load_idx %arg20[%add3A_143] : memref<4480xf32, #tpu.memory_space<vmem>>[vector<16xi32>], vector<16xf32>,
        %bitcast_convert_type3A_147 = tpu.bitcast %gather3A_146 : vector<16xf32> -> vector<16xi32>
        %shift_left3A_148 = arith.constant 16 : i32
        %shift_left3A_149 = vector.broadcast %shift_left3A_148 : i32 to vector<16xi32>
        %shift_left3A_150 = arith.shli %bitcast_convert_type3A_147, %shift_left3A_149 : vector<16xi32>
        %bitcast_convert_type3A_151 = tpu.bitcast %shift_left3A_150 : vector<16xi32> -> vector<16xf32>
        %and3A_152 = arith.constant -65536 : i32
        %and3A_153 = vector.broadcast %and3A_152 : i32 to vector<16xi32>
        %and3A_154 = arith.andi %bitcast_convert_type3A_147, %and3A_153 : vector<16xi32>
        %bitcast_convert_type3A_155 = tpu.bitcast %and3A_154 : vector<16xi32> -> vector<16xf32>
        %mul3A_156 = arith.mulf %mul3A_145, %bitcast_convert_type3A_151 : vector<16xf32>
        %add3A_157 = arith.addf %add3A_130, %mul3A_156 : vector<16xf32>
        %mul3A_158 = arith.mulf %mul3A_145, %bitcast_convert_type3A_155 : vector<16xf32>
        %add3A_159 = arith.addf %add3A_132, %mul3A_158 : vector<16xf32>
        %add3A_160 = arith.constant 1 : i32
        %add3A_161 = vector.broadcast %add3A_160 : i32 to vector<16xi32>
        %add3A_162 = arith.addi %convert_element_type3A_94, %add3A_161 : vector<16xi32>
        %mul3A_163 = arith.constant 16 : i32
        %mul3A_164 = vector.broadcast %mul3A_163 : i32 to vector<16xi32>
        %mul3A_165 = arith.muli %add3A_162, %mul3A_164 : vector<16xi32>
        %add3A_166 = arith.addi %convert_element_type3A, %mul3A_165 : vector<16xi32>
        %mul3A_167 = arith.constant 256 : i32
        %mul3A_168 = vector.broadcast %mul3A_167 : i32 to vector<16xi32>
        %mul3A_169 = arith.muli %convert_element_type3A_95, %mul3A_168 : vector<16xi32>
        %add3A_170 = arith.addi %add3A_166, %mul3A_169 : vector<16xi32>
        %mul3A_171 = arith.mulf %sub3A_103, %sub3A_98 : vector<16xf32>
        %mul3A_172 = arith.mulf %mul3A_171, %sub3A_109 : vector<16xf32>
        %gather3A_173 = tpu.vector_load_idx %arg20[%add3A_170] : memref<4480xf32, #tpu.memory_space<vmem>>[vector<16xi32>], vector<16xf32>,
        %bitcast_convert_type3A_174 = tpu.bitcast %gather3A_173 : vector<16xf32> -> vector<16xi32>
        %shift_left3A_175 = arith.constant 16 : i32
        %shift_left3A_176 = vector.broadcast %shift_left3A_175 : i32 to vector<16xi32>
        %shift_left3A_177 = arith.shli %bitcast_convert_type3A_174, %shift_left3A_176 : vector<16xi32>
        %bitcast_convert_type3A_178 = tpu.bitcast %shift_left3A_177 : vector<16xi32> -> vector<16xf32>
        %and3A_179 = arith.constant -65536 : i32
        %and3A_180 = vector.broadcast %and3A_179 : i32 to vector<16xi32>
        %and3A_181 = arith.andi %bitcast_convert_type3A_174, %and3A_180 : vector<16xi32>
        %bitcast_convert_type3A_182 = tpu.bitcast %and3A_181 : vector<16xi32> -> vector<16xf32>
        %mul3A_183 = arith.mulf %mul3A_172, %bitcast_convert_type3A_178 : vector<16xf32>
        %add3A_184 = arith.addf %add3A_157, %mul3A_183 : vector<16xf32>
        %mul3A_185 = arith.mulf %mul3A_172, %bitcast_convert_type3A_182 : vector<16xf32>
        %add3A_186 = arith.addf %add3A_159, %mul3A_185 : vector<16xf32>
        %add3A_187 = arith.constant 1 : i32
        %add3A_188 = vector.broadcast %add3A_187 : i32 to vector<16xi32>
        %add3A_189 = arith.addi %convert_element_type3A, %add3A_188 : vector<16xi32>
        %add3A_190 = arith.constant 1 : i32
        %add3A_191 = vector.broadcast %add3A_190 : i32 to vector<16xi32>
        %add3A_192 = arith.addi %convert_element_type3A_94, %add3A_191 : vector<16xi32>
        %mul3A_193 = arith.constant 16 : i32
        %mul3A_194 = vector.broadcast %mul3A_193 : i32 to vector<16xi32>
        %mul3A_195 = arith.muli %add3A_192, %mul3A_194 : vector<16xi32>
        %add3A_196 = arith.addi %add3A_189, %mul3A_195 : vector<16xi32>
        %mul3A_197 = arith.constant 256 : i32
        %mul3A_198 = vector.broadcast %mul3A_197 : i32 to vector<16xi32>
        %mul3A_199 = arith.muli %convert_element_type3A_95, %mul3A_198 : vector<16xi32>
        %add3A_200 = arith.addi %add3A_196, %mul3A_199 : vector<16xi32>
        %mul3A_201 = arith.mulf %sub3A, %sub3A_98 : vector<16xf32>
        %mul3A_202 = arith.mulf %mul3A_201, %sub3A_109 : vector<16xf32>
        %gather3A_203 = tpu.vector_load_idx %arg20[%add3A_200] : memref<4480xf32, #tpu.memory_space<vmem>>[vector<16xi32>], vector<16xf32>,
        %bitcast_convert_type3A_204 = tpu.bitcast %gather3A_203 : vector<16xf32> -> vector<16xi32>
        %shift_left3A_205 = arith.constant 16 : i32
        %shift_left3A_206 = vector.broadcast %shift_left3A_205 : i32 to vector<16xi32>
        %shift_left3A_207 = arith.shli %bitcast_convert_type3A_204, %shift_left3A_206 : vector<16xi32>
        %bitcast_convert_type3A_208 = tpu.bitcast %shift_left3A_207 : vector<16xi32> -> vector<16xf32>
        %and3A_209 = arith.constant -65536 : i32
        %and3A_210 = vector.broadcast %and3A_209 : i32 to vector<16xi32>
        %and3A_211 = arith.andi %bitcast_convert_type3A_204, %and3A_210 : vector<16xi32>
        %bitcast_convert_type3A_212 = tpu.bitcast %and3A_211 : vector<16xi32> -> vector<16xf32>
        %mul3A_213 = arith.mulf %mul3A_202, %bitcast_convert_type3A_208 : vector<16xf32>
        %add3A_214 = arith.addf %add3A_184, %mul3A_213 : vector<16xf32>
        %mul3A_215 = arith.mulf %mul3A_202, %bitcast_convert_type3A_212 : vector<16xf32>
        %add3A_216 = arith.addf %add3A_186, %mul3A_215 : vector<16xf32>
        %add3A_217 = arith.constant 1 : i32
        %add3A_218 = vector.broadcast %add3A_217 : i32 to vector<16xi32>
        %add3A_219 = arith.addi %convert_element_type3A_95, %add3A_218 : vector<16xi32>
        %mul3A_220 = arith.constant 16 : i32
        %mul3A_221 = vector.broadcast %mul3A_220 : i32 to vector<16xi32>
        %mul3A_222 = arith.muli %convert_element_type3A_94, %mul3A_221 : vector<16xi32>
        %add3A_223 = arith.addi %convert_element_type3A, %mul3A_222 : vector<16xi32>
        %mul3A_224 = arith.constant 256 : i32
        %mul3A_225 = vector.broadcast %mul3A_224 : i32 to vector<16xi32>
        %mul3A_226 = arith.muli %add3A_219, %mul3A_225 : vector<16xi32>
        %add3A_227 = arith.addi %add3A_223, %mul3A_226 : vector<16xi32>
        %mul3A_228 = arith.mulf %sub3A_103, %sub3A_106 : vector<16xf32>
        %mul3A_229 = arith.mulf %mul3A_228, %sub3A_100 : vector<16xf32>
        %gather3A_230 = tpu.vector_load_idx %arg20[%add3A_227] : memref<4480xf32, #tpu.memory_space<vmem>>[vector<16xi32>], vector<16xf32>,
        %bitcast_convert_type3A_231 = tpu.bitcast %gather3A_230 : vector<16xf32> -> vector<16xi32>
        %shift_left3A_232 = arith.constant 16 : i32
        %shift_left3A_233 = vector.broadcast %shift_left3A_232 : i32 to vector<16xi32>
        %shift_left3A_234 = arith.shli %bitcast_convert_type3A_231, %shift_left3A_233 : vector<16xi32>
        %bitcast_convert_type3A_235 = tpu.bitcast %shift_left3A_234 : vector<16xi32> -> vector<16xf32>
        %and3A_236 = arith.constant -65536 : i32
        %and3A_237 = vector.broadcast %and3A_236 : i32 to vector<16xi32>
        %and3A_238 = arith.andi %bitcast_convert_type3A_231, %and3A_237 : vector<16xi32>
        %bitcast_convert_type3A_239 = tpu.bitcast %and3A_238 : vector<16xi32> -> vector<16xf32>
        %mul3A_240 = arith.mulf %mul3A_229, %bitcast_convert_type3A_235 : vector<16xf32>
        %add3A_241 = arith.addf %add3A_214, %mul3A_240 : vector<16xf32>
        %mul3A_242 = arith.mulf %mul3A_229, %bitcast_convert_type3A_239 : vector<16xf32>
        %add3A_243 = arith.addf %add3A_216, %mul3A_242 : vector<16xf32>
        %add3A_244 = arith.constant 1 : i32
        %add3A_245 = vector.broadcast %add3A_244 : i32 to vector<16xi32>
        %add3A_246 = arith.addi %convert_element_type3A, %add3A_245 : vector<16xi32>
        %add3A_247 = arith.constant 1 : i32
        %add3A_248 = vector.broadcast %add3A_247 : i32 to vector<16xi32>
        %add3A_249 = arith.addi %convert_element_type3A_95, %add3A_248 : vector<16xi32>
        %mul3A_250 = arith.constant 16 : i32
        %mul3A_251 = vector.broadcast %mul3A_250 : i32 to vector<16xi32>
        %mul3A_252 = arith.muli %convert_element_type3A_94, %mul3A_251 : vector<16xi32>
        %add3A_253 = arith.addi %add3A_246, %mul3A_252 : vector<16xi32>
        %mul3A_254 = arith.constant 256 : i32
        %mul3A_255 = vector.broadcast %mul3A_254 : i32 to vector<16xi32>
        %mul3A_256 = arith.muli %add3A_249, %mul3A_255 : vector<16xi32>
        %add3A_257 = arith.addi %add3A_253, %mul3A_256 : vector<16xi32>
        %mul3A_258 = arith.mulf %sub3A, %sub3A_106 : vector<16xf32>
        %mul3A_259 = arith.mulf %mul3A_258, %sub3A_100 : vector<16xf32>
        %gather3A_260 = tpu.vector_load_idx %arg20[%add3A_257] : memref<4480xf32, #tpu.memory_space<vmem>>[vector<16xi32>], vector<16xf32>,
        %bitcast_convert_type3A_261 = tpu.bitcast %gather3A_260 : vector<16xf32> -> vector<16xi32>
        %shift_left3A_262 = arith.constant 16 : i32
        %shift_left3A_263 = vector.broadcast %shift_left3A_262 : i32 to vector<16xi32>
        %shift_left3A_264 = arith.shli %bitcast_convert_type3A_261, %shift_left3A_263 : vector<16xi32>
        %bitcast_convert_type3A_265 = tpu.bitcast %shift_left3A_264 : vector<16xi32> -> vector<16xf32>
        %and3A_266 = arith.constant -65536 : i32
        %and3A_267 = vector.broadcast %and3A_266 : i32 to vector<16xi32>
        %and3A_268 = arith.andi %bitcast_convert_type3A_261, %and3A_267 : vector<16xi32>
        %bitcast_convert_type3A_269 = tpu.bitcast %and3A_268 : vector<16xi32> -> vector<16xf32>
        %mul3A_270 = arith.mulf %mul3A_259, %bitcast_convert_type3A_265 : vector<16xf32>
        %add3A_271 = arith.addf %add3A_241, %mul3A_270 : vector<16xf32>
        %mul3A_272 = arith.mulf %mul3A_259, %bitcast_convert_type3A_269 : vector<16xf32>
        %add3A_273 = arith.addf %add3A_243, %mul3A_272 : vector<16xf32>
        %add3A_274 = arith.constant 1 : i32
        %add3A_275 = vector.broadcast %add3A_274 : i32 to vector<16xi32>
        %add3A_276 = arith.addi %convert_element_type3A_94, %add3A_275 : vector<16xi32>
        %add3A_277 = arith.constant 1 : i32
        %add3A_278 = vector.broadcast %add3A_277 : i32 to vector<16xi32>
        %add3A_279 = arith.addi %convert_element_type3A_95, %add3A_278 : vector<16xi32>
        %mul3A_280 = arith.constant 16 : i32
        %mul3A_281 = vector.broadcast %mul3A_280 : i32 to vector<16xi32>
        %mul3A_282 = arith.muli %add3A_276, %mul3A_281 : vector<16xi32>
        %add3A_283 = arith.addi %convert_element_type3A, %mul3A_282 : vector<16xi32>
        %mul3A_284 = arith.constant 256 : i32
        %mul3A_285 = vector.broadcast %mul3A_284 : i32 to vector<16xi32>
        %mul3A_286 = arith.muli %add3A_279, %mul3A_285 : vector<16xi32>
        %add3A_287 = arith.addi %add3A_283, %mul3A_286 : vector<16xi32>
        %mul3A_288 = arith.mulf %sub3A_103, %sub3A_98 : vector<16xf32>
        %mul3A_289 = arith.mulf %mul3A_288, %sub3A_100 : vector<16xf32>
        %gather3A_290 = tpu.vector_load_idx %arg20[%add3A_287] : memref<4480xf32, #tpu.memory_space<vmem>>[vector<16xi32>], vector<16xf32>,
        %bitcast_convert_type3A_291 = tpu.bitcast %gather3A_290 : vector<16xf32> -> vector<16xi32>
        %shift_left3A_292 = arith.constant 16 : i32
        %shift_left3A_293 = vector.broadcast %shift_left3A_292 : i32 to vector<16xi32>
        %shift_left3A_294 = arith.shli %bitcast_convert_type3A_291, %shift_left3A_293 : vector<16xi32>
        %bitcast_convert_type3A_295 = tpu.bitcast %shift_left3A_294 : vector<16xi32> -> vector<16xf32>
        %and3A_296 = arith.constant -65536 : i32
        %and3A_297 = vector.broadcast %and3A_296 : i32 to vector<16xi32>
        %and3A_298 = arith.andi %bitcast_convert_type3A_291, %and3A_297 : vector<16xi32>
        %bitcast_convert_type3A_299 = tpu.bitcast %and3A_298 : vector<16xi32> -> vector<16xf32>
        %mul3A_300 = arith.mulf %mul3A_289, %bitcast_convert_type3A_295 : vector<16xf32>
        %add3A_301 = arith.addf %add3A_271, %mul3A_300 : vector<16xf32>
        %mul3A_302 = arith.mulf %mul3A_289, %bitcast_convert_type3A_299 : vector<16xf32>
        %add3A_303 = arith.addf %add3A_273, %mul3A_302 : vector<16xf32>
        %add3A_304 = arith.constant 1 : i32
        %add3A_305 = vector.broadcast %add3A_304 : i32 to vector<16xi32>
        %add3A_306 = arith.addi %convert_element_type3A, %add3A_305 : vector<16xi32>
        %add3A_307 = arith.constant 1 : i32
        %add3A_308 = vector.broadcast %add3A_307 : i32 to vector<16xi32>
        %add3A_309 = arith.addi %convert_element_type3A_94, %add3A_308 : vector<16xi32>
        %add3A_310 = arith.constant 1 : i32
        %add3A_311 = vector.broadcast %add3A_310 : i32 to vector<16xi32>
        %add3A_312 = arith.addi %convert_element_type3A_95, %add3A_311 : vector<16xi32>
        %mul3A_313 = arith.constant 16 : i32
        %mul3A_314 = vector.broadcast %mul3A_313 : i32 to vector<16xi32>
        %mul3A_315 = arith.muli %add3A_309, %mul3A_314 : vector<16xi32>
        %add3A_316 = arith.addi %add3A_306, %mul3A_315 : vector<16xi32>
        %mul3A_317 = arith.constant 256 : i32
        %mul3A_318 = vector.broadcast %mul3A_317 : i32 to vector<16xi32>
        %mul3A_319 = arith.muli %add3A_312, %mul3A_318 : vector<16xi32>
        %add3A_320 = arith.addi %add3A_316, %mul3A_319 : vector<16xi32>
        %mul3A_321 = arith.mulf %sub3A, %sub3A_98 : vector<16xf32>
        %mul3A_322 = arith.mulf %mul3A_321, %sub3A_100 : vector<16xf32>
        %gather3A_323 = tpu.vector_load_idx %arg20[%add3A_320] : memref<4480xf32, #tpu.memory_space<vmem>>[vector<16xi32>], vector<16xf32>,
        %bitcast_convert_type3A_324 = tpu.bitcast %gather3A_323 : vector<16xf32> -> vector<16xi32>
        %shift_left3A_325 = arith.constant 16 : i32
        %shift_left3A_326 = vector.broadcast %shift_left3A_325 : i32 to vector<16xi32>
        %shift_left3A_327 = arith.shli %bitcast_convert_type3A_324, %shift_left3A_326 : vector<16xi32>
        %bitcast_convert_type3A_328 = tpu.bitcast %shift_left3A_327 : vector<16xi32> -> vector<16xf32>
        %and3A_329 = arith.constant -65536 : i32
        %and3A_330 = vector.broadcast %and3A_329 : i32 to vector<16xi32>
        %and3A_331 = arith.andi %bitcast_convert_type3A_324, %and3A_330 : vector<16xi32>
        %bitcast_convert_type3A_332 = tpu.bitcast %and3A_331 : vector<16xi32> -> vector<16xf32>
        %mul3A_333 = arith.mulf %mul3A_322, %bitcast_convert_type3A_328 : vector<16xf32>
        %add3A_334 = arith.addf %add3A_301, %mul3A_333 : vector<16xf32>
        %mul3A_335 = arith.mulf %mul3A_322, %bitcast_convert_type3A_332 : vector<16xf32>
        %add3A_336 = arith.addf %add3A_303, %mul3A_335 : vector<16xf32>
        %swap3A = arith.constant 0 : i32
        %swap3A_337 = arith.index_cast %swap3A : i32 to index
        %swap3A_338 = arith.index_cast %mul3A_70 : i32 to index
        %swap3A_339 = tpu.vector_load %arg19[%swap3A_337, %swap3A_338] {strides = array<i32>} : memref<32x1024xf32, #tpu.memory_space<vmem>>, vector<16xf32>,
        tpu.vector_store %arg19[%swap3A_337, %swap3A_338], %add3A_334 {strides = array<i32>} : memref<32x1024xf32, #tpu.memory_space<vmem>>, vector<16xf32>,
        %swap3A_340 = arith.constant 1 : i32
        %swap3A_341 = arith.index_cast %swap3A_340 : i32 to index
        %swap3A_342 = arith.index_cast %mul3A_70 : i32 to index
        %swap3A_343 = tpu.vector_load %arg19[%swap3A_341, %swap3A_342] {strides = array<i32>} : memref<32x1024xf32, #tpu.memory_space<vmem>>, vector<16xf32>,
        tpu.vector_store %arg19[%swap3A_341, %swap3A_342], %add3A_336 {strides = array<i32>} : memref<32x1024xf32, #tpu.memory_space<vmem>>, vector<16xf32>,
      }
      %scan3A_32 = arith.constant 64 : i32
      %scan3A_33 = arith.constant 0 : i32
      %scan3A_34 = arith.constant 0 : i32
      %scan3A_35 = arith.constant 64 : i32
      %scan3A_36 = arith.addi %scan3A_34, %scan3A_35 : i32
      %scan3A_37 = arith.constant 1 : i32
      scf.for %scan3A_68 = %scan3A_34 to %scan3A_36 step %scan3A_37  : i32 {
        %mul3A_69 = arith.constant 16 : i32
        %mul3A_70 = arith.muli %scan3A_68, %mul3A_69 : i32
        %get3A = arith.index_cast %mul3A_70 : i32 to index
        %get3A_71 = tpu.vector_load %arg6[%get3A] {strides = array<i32>} : memref<1024xf32, #tpu.memory_space<vmem>>, vector<16xf32>,
        %mul3A_72 = arith.constant 3.100000e+01 : f32
        %mul3A_73 = vector.broadcast %mul3A_72 : f32 to vector<16xf32>
        %mul3A_74 = arith.mulf %get3A_71, %mul3A_73 : vector<16xf32>
        %add3A_75 = arith.constant 5.000000e-01 : f32
        %add3A_76 = vector.broadcast %add3A_75 : f32 to vector<16xf32>
        %add3A_77 = arith.addf %mul3A_74, %add3A_76 : vector<16xf32>
        %get3A_78 = arith.index_cast %mul3A_70 : i32 to index
        %get3A_79 = tpu.vector_load %arg7[%get3A_78] {strides = array<i32>} : memref<1024xf32, #tpu.memory_space<vmem>>, vector<16xf32>,
        %mul3A_80 = arith.constant 3.100000e+01 : f32
        %mul3A_81 = vector.broadcast %mul3A_80 : f32 to vector<16xf32>
        %mul3A_82 = arith.mulf %get3A_79, %mul3A_81 : vector<16xf32>
        %add3A_83 = arith.constant 5.000000e-01 : f32
        %add3A_84 = vector.broadcast %add3A_83 : f32 to vector<16xf32>
        %add3A_85 = arith.addf %mul3A_82, %add3A_84 : vector<16xf32>
        %get3A_86 = arith.index_cast %mul3A_70 : i32 to index
        %get3A_87 = tpu.vector_load %arg8[%get3A_86] {strides = array<i32>} : memref<1024xf32, #tpu.memory_space<vmem>>, vector<16xf32>,
        %mul3A_88 = arith.constant 3.100000e+01 : f32
        %mul3A_89 = vector.broadcast %mul3A_88 : f32 to vector<16xf32>
        %mul3A_90 = arith.mulf %get3A_87, %mul3A_89 : vector<16xf32>
        %add3A_91 = arith.constant 5.000000e-01 : f32
        %add3A_92 = vector.broadcast %add3A_91 : f32 to vector<16xf32>
        %add3A_93 = arith.addf %mul3A_90, %add3A_92 : vector<16xf32>
        %convert_element_type3A = arith.fptoui %add3A_77 : vector<16xf32> to vector<16xi32>
        %convert_element_type3A_94 = arith.fptoui %add3A_85 : vector<16xf32> to vector<16xi32>
        %convert_element_type3A_95 = arith.fptoui %add3A_93 : vector<16xf32> to vector<16xi32>
        %convert_element_type3A_96 = arith.uitofp %convert_element_type3A : vector<16xi32> to vector<16xf32>
        %sub3A = arith.subf %add3A_77, %convert_element_type3A_96 : vector<16xf32>
        %convert_element_type3A_97 = arith.uitofp %convert_element_type3A_94 : vector<16xi32> to vector<16xf32>
        %sub3A_98 = arith.subf %add3A_85, %convert_element_type3A_97 : vector<16xf32>
        %convert_element_type3A_99 = arith.uitofp %convert_element_type3A_95 : vector<16xi32> to vector<16xf32>
        %sub3A_100 = arith.subf %add3A_93, %convert_element_type3A_99 : vector<16xf32>
        %sub3A_101 = arith.constant 1.000000e+00 : f32
        %sub3A_102 = vector.broadcast %sub3A_101 : f32 to vector<16xf32>
        %sub3A_103 = arith.subf %sub3A_102, %sub3A : vector<16xf32>
        %sub3A_104 = arith.constant 1.000000e+00 : f32
        %sub3A_105 = vector.broadcast %sub3A_104 : f32 to vector<16xf32>
        %sub3A_106 = arith.subf %sub3A_105, %sub3A_98 : vector<16xf32>
        %sub3A_107 = arith.constant 1.000000e+00 : f32
        %sub3A_108 = vector.broadcast %sub3A_107 : f32 to vector<16xf32>
        %sub3A_109 = arith.subf %sub3A_108, %sub3A_100 : vector<16xf32>
        %broadcast_in_dim3A = arith.constant 0.000000e+00 : f32
        %broadcast_in_dim3A_110 = vector.broadcast %broadcast_in_dim3A : f32 to vector<16xf32>
        %broadcast_in_dim3A_111 = arith.constant 0.000000e+00 : f32
        %broadcast_in_dim3A_112 = vector.broadcast %broadcast_in_dim3A_111 : f32 to vector<16xf32>
        %mul3A_113 = arith.constant 32 : i32
        %mul3A_114 = vector.broadcast %mul3A_113 : i32 to vector<16xi32>
        %mul3A_115 = arith.muli %convert_element_type3A_94, %mul3A_114 : vector<16xi32>
        %add3A_116 = arith.addi %convert_element_type3A, %mul3A_115 : vector<16xi32>
        %mul3A_117 = arith.constant 1024 : i32
        %mul3A_118 = vector.broadcast %mul3A_117 : i32 to vector<16xi32>
        %mul3A_119 = arith.muli %convert_element_type3A_95, %mul3A_118 : vector<16xi32>
        %add3A_120 = arith.addi %add3A_116, %mul3A_119 : vector<16xi32>
        %mul3A_121 = arith.mulf %sub3A_103, %sub3A_106 : vector<16xf32>
        %mul3A_122 = arith.mulf %mul3A_121, %sub3A_109 : vector<16xf32>
        %gather3A = tpu.vector_load_idx %arg21[%add3A_120] : memref<33920xf32, #tpu.memory_space<vmem>>[vector<16xi32>], vector<16xf32>,
        %bitcast_convert_type3A = tpu.bitcast %gather3A : vector<16xf32> -> vector<16xi32>
        %shift_left3A = arith.constant 16 : i32
        %shift_left3A_123 = vector.broadcast %shift_left3A : i32 to vector<16xi32>
        %shift_left3A_124 = arith.shli %bitcast_convert_type3A, %shift_left3A_123 : vector<16xi32>
        %bitcast_convert_type3A_125 = tpu.bitcast %shift_left3A_124 : vector<16xi32> -> vector<16xf32>
        %and3A = arith.constant -65536 : i32
        %and3A_126 = vector.broadcast %and3A : i32 to vector<16xi32>
        %and3A_127 = arith.andi %bitcast_convert_type3A, %and3A_126 : vector<16xi32>
        %bitcast_convert_type3A_128 = tpu.bitcast %and3A_127 : vector<16xi32> -> vector<16xf32>
        %mul3A_129 = arith.mulf %mul3A_122, %bitcast_convert_type3A_125 : vector<16xf32>
        %add3A_130 = arith.addf %broadcast_in_dim3A_110, %mul3A_129 : vector<16xf32>
        %mul3A_131 = arith.mulf %mul3A_122, %bitcast_convert_type3A_128 : vector<16xf32>
        %add3A_132 = arith.addf %broadcast_in_dim3A_112, %mul3A_131 : vector<16xf32>
        %add3A_133 = arith.constant 1 : i32
        %add3A_134 = vector.broadcast %add3A_133 : i32 to vector<16xi32>
        %add3A_135 = arith.addi %convert_element_type3A, %add3A_134 : vector<16xi32>
        %mul3A_136 = arith.constant 32 : i32
        %mul3A_137 = vector.broadcast %mul3A_136 : i32 to vector<16xi32>
        %mul3A_138 = arith.muli %convert_element_type3A_94, %mul3A_137 : vector<16xi32>
        %add3A_139 = arith.addi %add3A_135, %mul3A_138 : vector<16xi32>
        %mul3A_140 = arith.constant 1024 : i32
        %mul3A_141 = vector.broadcast %mul3A_140 : i32 to vector<16xi32>
        %mul3A_142 = arith.muli %convert_element_type3A_95, %mul3A_141 : vector<16xi32>
        %add3A_143 = arith.addi %add3A_139, %mul3A_142 : vector<16xi32>
        %mul3A_144 = arith.mulf %sub3A, %sub3A_106 : vector<16xf32>
        %mul3A_145 = arith.mulf %mul3A_144, %sub3A_109 : vector<16xf32>
        %gather3A_146 = tpu.vector_load_idx %arg21[%add3A_143] : memref<33920xf32, #tpu.memory_space<vmem>>[vector<16xi32>], vector<16xf32>,
        %bitcast_convert_type3A_147 = tpu.bitcast %gather3A_146 : vector<16xf32> -> vector<16xi32>
        %shift_left3A_148 = arith.constant 16 : i32
        %shift_left3A_149 = vector.broadcast %shift_left3A_148 : i32 to vector<16xi32>
        %shift_left3A_150 = arith.shli %bitcast_convert_type3A_147, %shift_left3A_149 : vector<16xi32>
        %bitcast_convert_type3A_151 = tpu.bitcast %shift_left3A_150 : vector<16xi32> -> vector<16xf32>
        %and3A_152 = arith.constant -65536 : i32
        %and3A_153 = vector.broadcast %and3A_152 : i32 to vector<16xi32>
        %and3A_154 = arith.andi %bitcast_convert_type3A_147, %and3A_153 : vector<16xi32>
        %bitcast_convert_type3A_155 = tpu.bitcast %and3A_154 : vector<16xi32> -> vector<16xf32>
        %mul3A_156 = arith.mulf %mul3A_145, %bitcast_convert_type3A_151 : vector<16xf32>
        %add3A_157 = arith.addf %add3A_130, %mul3A_156 : vector<16xf32>
        %mul3A_158 = arith.mulf %mul3A_145, %bitcast_convert_type3A_155 : vector<16xf32>
        %add3A_159 = arith.addf %add3A_132, %mul3A_158 : vector<16xf32>
        %add3A_160 = arith.constant 1 : i32
        %add3A_161 = vector.broadcast %add3A_160 : i32 to vector<16xi32>
        %add3A_162 = arith.addi %convert_element_type3A_94, %add3A_161 : vector<16xi32>
        %mul3A_163 = arith.constant 32 : i32
        %mul3A_164 = vector.broadcast %mul3A_163 : i32 to vector<16xi32>
        %mul3A_165 = arith.muli %add3A_162, %mul3A_164 : vector<16xi32>
        %add3A_166 = arith.addi %convert_element_type3A, %mul3A_165 : vector<16xi32>
        %mul3A_167 = arith.constant 1024 : i32
        %mul3A_168 = vector.broadcast %mul3A_167 : i32 to vector<16xi32>
        %mul3A_169 = arith.muli %convert_element_type3A_95, %mul3A_168 : vector<16xi32>
        %add3A_170 = arith.addi %add3A_166, %mul3A_169 : vector<16xi32>
        %mul3A_171 = arith.mulf %sub3A_103, %sub3A_98 : vector<16xf32>
        %mul3A_172 = arith.mulf %mul3A_171, %sub3A_109 : vector<16xf32>
        %gather3A_173 = tpu.vector_load_idx %arg21[%add3A_170] : memref<33920xf32, #tpu.memory_space<vmem>>[vector<16xi32>], vector<16xf32>,
        %bitcast_convert_type3A_174 = tpu.bitcast %gather3A_173 : vector<16xf32> -> vector<16xi32>
        %shift_left3A_175 = arith.constant 16 : i32
        %shift_left3A_176 = vector.broadcast %shift_left3A_175 : i32 to vector<16xi32>
        %shift_left3A_177 = arith.shli %bitcast_convert_type3A_174, %shift_left3A_176 : vector<16xi32>
        %bitcast_convert_type3A_178 = tpu.bitcast %shift_left3A_177 : vector<16xi32> -> vector<16xf32>
        %and3A_179 = arith.constant -65536 : i32
        %and3A_180 = vector.broadcast %and3A_179 : i32 to vector<16xi32>
        %and3A_181 = arith.andi %bitcast_convert_type3A_174, %and3A_180 : vector<16xi32>
        %bitcast_convert_type3A_182 = tpu.bitcast %and3A_181 : vector<16xi32> -> vector<16xf32>
        %mul3A_183 = arith.mulf %mul3A_172, %bitcast_convert_type3A_178 : vector<16xf32>
        %add3A_184 = arith.addf %add3A_157, %mul3A_183 : vector<16xf32>
        %mul3A_185 = arith.mulf %mul3A_172, %bitcast_convert_type3A_182 : vector<16xf32>
        %add3A_186 = arith.addf %add3A_159, %mul3A_185 : vector<16xf32>
        %add3A_187 = arith.constant 1 : i32
        %add3A_188 = vector.broadcast %add3A_187 : i32 to vector<16xi32>
        %add3A_189 = arith.addi %convert_element_type3A, %add3A_188 : vector<16xi32>
        %add3A_190 = arith.constant 1 : i32
        %add3A_191 = vector.broadcast %add3A_190 : i32 to vector<16xi32>
        %add3A_192 = arith.addi %convert_element_type3A_94, %add3A_191 : vector<16xi32>
        %mul3A_193 = arith.constant 32 : i32
        %mul3A_194 = vector.broadcast %mul3A_193 : i32 to vector<16xi32>
        %mul3A_195 = arith.muli %add3A_192, %mul3A_194 : vector<16xi32>
        %add3A_196 = arith.addi %add3A_189, %mul3A_195 : vector<16xi32>
        %mul3A_197 = arith.constant 1024 : i32
        %mul3A_198 = vector.broadcast %mul3A_197 : i32 to vector<16xi32>
        %mul3A_199 = arith.muli %convert_element_type3A_95, %mul3A_198 : vector<16xi32>
        %add3A_200 = arith.addi %add3A_196, %mul3A_199 : vector<16xi32>
        %mul3A_201 = arith.mulf %sub3A, %sub3A_98 : vector<16xf32>
        %mul3A_202 = arith.mulf %mul3A_201, %sub3A_109 : vector<16xf32>
        %gather3A_203 = tpu.vector_load_idx %arg21[%add3A_200] : memref<33920xf32, #tpu.memory_space<vmem>>[vector<16xi32>], vector<16xf32>,
        %bitcast_convert_type3A_204 = tpu.bitcast %gather3A_203 : vector<16xf32> -> vector<16xi32>
        %shift_left3A_205 = arith.constant 16 : i32
        %shift_left3A_206 = vector.broadcast %shift_left3A_205 : i32 to vector<16xi32>
        %shift_left3A_207 = arith.shli %bitcast_convert_type3A_204, %shift_left3A_206 : vector<16xi32>
        %bitcast_convert_type3A_208 = tpu.bitcast %shift_left3A_207 : vector<16xi32> -> vector<16xf32>
        %and3A_209 = arith.constant -65536 : i32
        %and3A_210 = vector.broadcast %and3A_209 : i32 to vector<16xi32>
        %and3A_211 = arith.andi %bitcast_convert_type3A_204, %and3A_210 : vector<16xi32>
        %bitcast_convert_type3A_212 = tpu.bitcast %and3A_211 : vector<16xi32> -> vector<16xf32>
        %mul3A_213 = arith.mulf %mul3A_202, %bitcast_convert_type3A_208 : vector<16xf32>
        %add3A_214 = arith.addf %add3A_184, %mul3A_213 : vector<16xf32>
        %mul3A_215 = arith.mulf %mul3A_202, %bitcast_convert_type3A_212 : vector<16xf32>
        %add3A_216 = arith.addf %add3A_186, %mul3A_215 : vector<16xf32>
        %add3A_217 = arith.constant 1 : i32
        %add3A_218 = vector.broadcast %add3A_217 : i32 to vector<16xi32>
        %add3A_219 = arith.addi %convert_element_type3A_95, %add3A_218 : vector<16xi32>
        %mul3A_220 = arith.constant 32 : i32
        %mul3A_221 = vector.broadcast %mul3A_220 : i32 to vector<16xi32>
        %mul3A_222 = arith.muli %convert_element_type3A_94, %mul3A_221 : vector<16xi32>
        %add3A_223 = arith.addi %convert_element_type3A, %mul3A_222 : vector<16xi32>
        %mul3A_224 = arith.constant 1024 : i32
        %mul3A_225 = vector.broadcast %mul3A_224 : i32 to vector<16xi32>
        %mul3A_226 = arith.muli %add3A_219, %mul3A_225 : vector<16xi32>
        %add3A_227 = arith.addi %add3A_223, %mul3A_226 : vector<16xi32>
        %mul3A_228 = arith.mulf %sub3A_103, %sub3A_106 : vector<16xf32>
        %mul3A_229 = arith.mulf %mul3A_228, %sub3A_100 : vector<16xf32>
        %gather3A_230 = tpu.vector_load_idx %arg21[%add3A_227] : memref<33920xf32, #tpu.memory_space<vmem>>[vector<16xi32>], vector<16xf32>,
        %bitcast_convert_type3A_231 = tpu.bitcast %gather3A_230 : vector<16xf32> -> vector<16xi32>
        %shift_left3A_232 = arith.constant 16 : i32
        %shift_left3A_233 = vector.broadcast %shift_left3A_232 : i32 to vector<16xi32>
        %shift_left3A_234 = arith.shli %bitcast_convert_type3A_231, %shift_left3A_233 : vector<16xi32>
        %bitcast_convert_type3A_235 = tpu.bitcast %shift_left3A_234 : vector<16xi32> -> vector<16xf32>
        %and3A_236 = arith.constant -65536 : i32
        %and3A_237 = vector.broadcast %and3A_236 : i32 to vector<16xi32>
        %and3A_238 = arith.andi %bitcast_convert_type3A_231, %and3A_237 : vector<16xi32>
        %bitcast_convert_type3A_239 = tpu.bitcast %and3A_238 : vector<16xi32> -> vector<16xf32>
        %mul3A_240 = arith.mulf %mul3A_229, %bitcast_convert_type3A_235 : vector<16xf32>
        %add3A_241 = arith.addf %add3A_214, %mul3A_240 : vector<16xf32>
        %mul3A_242 = arith.mulf %mul3A_229, %bitcast_convert_type3A_239 : vector<16xf32>
        %add3A_243 = arith.addf %add3A_216, %mul3A_242 : vector<16xf32>
        %add3A_244 = arith.constant 1 : i32
        %add3A_245 = vector.broadcast %add3A_244 : i32 to vector<16xi32>
        %add3A_246 = arith.addi %convert_element_type3A, %add3A_245 : vector<16xi32>
        %add3A_247 = arith.constant 1 : i32
        %add3A_248 = vector.broadcast %add3A_247 : i32 to vector<16xi32>
        %add3A_249 = arith.addi %convert_element_type3A_95, %add3A_248 : vector<16xi32>
        %mul3A_250 = arith.constant 32 : i32
        %mul3A_251 = vector.broadcast %mul3A_250 : i32 to vector<16xi32>
        %mul3A_252 = arith.muli %convert_element_type3A_94, %mul3A_251 : vector<16xi32>
        %add3A_253 = arith.addi %add3A_246, %mul3A_252 : vector<16xi32>
        %mul3A_254 = arith.constant 1024 : i32
        %mul3A_255 = vector.broadcast %mul3A_254 : i32 to vector<16xi32>
        %mul3A_256 = arith.muli %add3A_249, %mul3A_255 : vector<16xi32>
        %add3A_257 = arith.addi %add3A_253, %mul3A_256 : vector<16xi32>
        %mul3A_258 = arith.mulf %sub3A, %sub3A_106 : vector<16xf32>
        %mul3A_259 = arith.mulf %mul3A_258, %sub3A_100 : vector<16xf32>
        %gather3A_260 = tpu.vector_load_idx %arg21[%add3A_257] : memref<33920xf32, #tpu.memory_space<vmem>>[vector<16xi32>], vector<16xf32>,
        %bitcast_convert_type3A_261 = tpu.bitcast %gather3A_260 : vector<16xf32> -> vector<16xi32>
        %shift_left3A_262 = arith.constant 16 : i32
        %shift_left3A_263 = vector.broadcast %shift_left3A_262 : i32 to vector<16xi32>
        %shift_left3A_264 = arith.shli %bitcast_convert_type3A_261, %shift_left3A_263 : vector<16xi32>
        %bitcast_convert_type3A_265 = tpu.bitcast %shift_left3A_264 : vector<16xi32> -> vector<16xf32>
        %and3A_266 = arith.constant -65536 : i32
        %and3A_267 = vector.broadcast %and3A_266 : i32 to vector<16xi32>
        %and3A_268 = arith.andi %bitcast_convert_type3A_261, %and3A_267 : vector<16xi32>
        %bitcast_convert_type3A_269 = tpu.bitcast %and3A_268 : vector<16xi32> -> vector<16xf32>
        %mul3A_270 = arith.mulf %mul3A_259, %bitcast_convert_type3A_265 : vector<16xf32>
        %add3A_271 = arith.addf %add3A_241, %mul3A_270 : vector<16xf32>
        %mul3A_272 = arith.mulf %mul3A_259, %bitcast_convert_type3A_269 : vector<16xf32>
        %add3A_273 = arith.addf %add3A_243, %mul3A_272 : vector<16xf32>
        %add3A_274 = arith.constant 1 : i32
        %add3A_275 = vector.broadcast %add3A_274 : i32 to vector<16xi32>
        %add3A_276 = arith.addi %convert_element_type3A_94, %add3A_275 : vector<16xi32>
        %add3A_277 = arith.constant 1 : i32
        %add3A_278 = vector.broadcast %add3A_277 : i32 to vector<16xi32>
        %add3A_279 = arith.addi %convert_element_type3A_95, %add3A_278 : vector<16xi32>
        %mul3A_280 = arith.constant 32 : i32
        %mul3A_281 = vector.broadcast %mul3A_280 : i32 to vector<16xi32>
        %mul3A_282 = arith.muli %add3A_276, %mul3A_281 : vector<16xi32>
        %add3A_283 = arith.addi %convert_element_type3A, %mul3A_282 : vector<16xi32>
        %mul3A_284 = arith.constant 1024 : i32
        %mul3A_285 = vector.broadcast %mul3A_284 : i32 to vector<16xi32>
        %mul3A_286 = arith.muli %add3A_279, %mul3A_285 : vector<16xi32>
        %add3A_287 = arith.addi %add3A_283, %mul3A_286 : vector<16xi32>
        %mul3A_288 = arith.mulf %sub3A_103, %sub3A_98 : vector<16xf32>
        %mul3A_289 = arith.mulf %mul3A_288, %sub3A_100 : vector<16xf32>
        %gather3A_290 = tpu.vector_load_idx %arg21[%add3A_287] : memref<33920xf32, #tpu.memory_space<vmem>>[vector<16xi32>], vector<16xf32>,
        %bitcast_convert_type3A_291 = tpu.bitcast %gather3A_290 : vector<16xf32> -> vector<16xi32>
        %shift_left3A_292 = arith.constant 16 : i32
        %shift_left3A_293 = vector.broadcast %shift_left3A_292 : i32 to vector<16xi32>
        %shift_left3A_294 = arith.shli %bitcast_convert_type3A_291, %shift_left3A_293 : vector<16xi32>
        %bitcast_convert_type3A_295 = tpu.bitcast %shift_left3A_294 : vector<16xi32> -> vector<16xf32>
        %and3A_296 = arith.constant -65536 : i32
        %and3A_297 = vector.broadcast %and3A_296 : i32 to vector<16xi32>
        %and3A_298 = arith.andi %bitcast_convert_type3A_291, %and3A_297 : vector<16xi32>
        %bitcast_convert_type3A_299 = tpu.bitcast %and3A_298 : vector<16xi32> -> vector<16xf32>
        %mul3A_300 = arith.mulf %mul3A_289, %bitcast_convert_type3A_295 : vector<16xf32>
        %add3A_301 = arith.addf %add3A_271, %mul3A_300 : vector<16xf32>
        %mul3A_302 = arith.mulf %mul3A_289, %bitcast_convert_type3A_299 : vector<16xf32>
        %add3A_303 = arith.addf %add3A_273, %mul3A_302 : vector<16xf32>
        %add3A_304 = arith.constant 1 : i32
        %add3A_305 = vector.broadcast %add3A_304 : i32 to vector<16xi32>
        %add3A_306 = arith.addi %convert_element_type3A, %add3A_305 : vector<16xi32>
        %add3A_307 = arith.constant 1 : i32
        %add3A_308 = vector.broadcast %add3A_307 : i32 to vector<16xi32>
        %add3A_309 = arith.addi %convert_element_type3A_94, %add3A_308 : vector<16xi32>
        %add3A_310 = arith.constant 1 : i32
        %add3A_311 = vector.broadcast %add3A_310 : i32 to vector<16xi32>
        %add3A_312 = arith.addi %convert_element_type3A_95, %add3A_311 : vector<16xi32>
        %mul3A_313 = arith.constant 32 : i32
        %mul3A_314 = vector.broadcast %mul3A_313 : i32 to vector<16xi32>
        %mul3A_315 = arith.muli %add3A_309, %mul3A_314 : vector<16xi32>
        %add3A_316 = arith.addi %add3A_306, %mul3A_315 : vector<16xi32>
        %mul3A_317 = arith.constant 1024 : i32
        %mul3A_318 = vector.broadcast %mul3A_317 : i32 to vector<16xi32>
        %mul3A_319 = arith.muli %add3A_312, %mul3A_318 : vector<16xi32>
        %add3A_320 = arith.addi %add3A_316, %mul3A_319 : vector<16xi32>
        %mul3A_321 = arith.mulf %sub3A, %sub3A_98 : vector<16xf32>
        %mul3A_322 = arith.mulf %mul3A_321, %sub3A_100 : vector<16xf32>
        %gather3A_323 = tpu.vector_load_idx %arg21[%add3A_320] : memref<33920xf32, #tpu.memory_space<vmem>>[vector<16xi32>], vector<16xf32>,
        %bitcast_convert_type3A_324 = tpu.bitcast %gather3A_323 : vector<16xf32> -> vector<16xi32>
        %shift_left3A_325 = arith.constant 16 : i32
        %shift_left3A_326 = vector.broadcast %shift_left3A_325 : i32 to vector<16xi32>
        %shift_left3A_327 = arith.shli %bitcast_convert_type3A_324, %shift_left3A_326 : vector<16xi32>
        %bitcast_convert_type3A_328 = tpu.bitcast %shift_left3A_327 : vector<16xi32> -> vector<16xf32>
        %and3A_329 = arith.constant -65536 : i32
        %and3A_330 = vector.broadcast %and3A_329 : i32 to vector<16xi32>
        %and3A_331 = arith.andi %bitcast_convert_type3A_324, %and3A_330 : vector<16xi32>
        %bitcast_convert_type3A_332 = tpu.bitcast %and3A_331 : vector<16xi32> -> vector<16xf32>
        %mul3A_333 = arith.mulf %mul3A_322, %bitcast_convert_type3A_328 : vector<16xf32>
        %add3A_334 = arith.addf %add3A_301, %mul3A_333 : vector<16xf32>
        %mul3A_335 = arith.mulf %mul3A_322, %bitcast_convert_type3A_332 : vector<16xf32>
        %add3A_336 = arith.addf %add3A_303, %mul3A_335 : vector<16xf32>
        %swap3A = arith.constant 2 : i32
        %swap3A_337 = arith.index_cast %swap3A : i32 to index
        %swap3A_338 = arith.index_cast %mul3A_70 : i32 to index
        %swap3A_339 = tpu.vector_load %arg19[%swap3A_337, %swap3A_338] {strides = array<i32>} : memref<32x1024xf32, #tpu.memory_space<vmem>>, vector<16xf32>,
        tpu.vector_store %arg19[%swap3A_337, %swap3A_338], %add3A_334 {strides = array<i32>} : memref<32x1024xf32, #tpu.memory_space<vmem>>, vector<16xf32>,
        %swap3A_340 = arith.constant 3 : i32
        %swap3A_341 = arith.index_cast %swap3A_340 : i32 to index
        %swap3A_342 = arith.index_cast %mul3A_70 : i32 to index
        %swap3A_343 = tpu.vector_load %arg19[%swap3A_341, %swap3A_342] {strides = array<i32>} : memref<32x1024xf32, #tpu.memory_space<vmem>>, vector<16xf32>,
        tpu.vector_store %arg19[%swap3A_341, %swap3A_342], %add3A_336 {strides = array<i32>} : memref<32x1024xf32, #tpu.memory_space<vmem>>, vector<16xf32>,
      }
      %scan3A_38 = arith.constant 64 : i32
      %scan3A_39 = arith.constant 0 : i32
      %scan3A_40 = arith.constant 0 : i32
      %scan3A_41 = arith.constant 64 : i32
      %scan3A_42 = arith.addi %scan3A_40, %scan3A_41 : i32
      %scan3A_43 = arith.constant 1 : i32
      scf.for %scan3A_68 = %scan3A_40 to %scan3A_42 step %scan3A_43  : i32 {
        %mul3A_69 = arith.constant 16 : i32
        %mul3A_70 = arith.muli %scan3A_68, %mul3A_69 : i32
        %get3A = arith.index_cast %mul3A_70 : i32 to index
        %get3A_71 = tpu.vector_load %arg6[%get3A] {strides = array<i32>} : memref<1024xf32, #tpu.memory_space<vmem>>, vector<16xf32>,
        %mul3A_72 = arith.constant 1.270000e+02 : f32
        %mul3A_73 = vector.broadcast %mul3A_72 : f32 to vector<16xf32>
        %mul3A_74 = arith.mulf %get3A_71, %mul3A_73 : vector<16xf32>
        %add3A_75 = arith.constant 5.000000e-01 : f32
        %add3A_76 = vector.broadcast %add3A_75 : f32 to vector<16xf32>
        %add3A_77 = arith.addf %mul3A_74, %add3A_76 : vector<16xf32>
        %get3A_78 = arith.index_cast %mul3A_70 : i32 to index
        %get3A_79 = tpu.vector_load %arg7[%get3A_78] {strides = array<i32>} : memref<1024xf32, #tpu.memory_space<vmem>>, vector<16xf32>,
        %mul3A_80 = arith.constant 1.270000e+02 : f32
        %mul3A_81 = vector.broadcast %mul3A_80 : f32 to vector<16xf32>
        %mul3A_82 = arith.mulf %get3A_79, %mul3A_81 : vector<16xf32>
        %add3A_83 = arith.constant 5.000000e-01 : f32
        %add3A_84 = vector.broadcast %add3A_83 : f32 to vector<16xf32>
        %add3A_85 = arith.addf %mul3A_82, %add3A_84 : vector<16xf32>
        %get3A_86 = arith.index_cast %mul3A_70 : i32 to index
        %get3A_87 = tpu.vector_load %arg8[%get3A_86] {strides = array<i32>} : memref<1024xf32, #tpu.memory_space<vmem>>, vector<16xf32>,
        %mul3A_88 = arith.constant 1.270000e+02 : f32
        %mul3A_89 = vector.broadcast %mul3A_88 : f32 to vector<16xf32>
        %mul3A_90 = arith.mulf %get3A_87, %mul3A_89 : vector<16xf32>
        %add3A_91 = arith.constant 5.000000e-01 : f32
        %add3A_92 = vector.broadcast %add3A_91 : f32 to vector<16xf32>
        %add3A_93 = arith.addf %mul3A_90, %add3A_92 : vector<16xf32>
        %convert_element_type3A = arith.fptoui %add3A_77 : vector<16xf32> to vector<16xi32>
        %convert_element_type3A_94 = arith.fptoui %add3A_85 : vector<16xf32> to vector<16xi32>
        %convert_element_type3A_95 = arith.fptoui %add3A_93 : vector<16xf32> to vector<16xi32>
        %convert_element_type3A_96 = arith.uitofp %convert_element_type3A : vector<16xi32> to vector<16xf32>
        %sub3A = arith.subf %add3A_77, %convert_element_type3A_96 : vector<16xf32>
        %convert_element_type3A_97 = arith.uitofp %convert_element_type3A_94 : vector<16xi32> to vector<16xf32>
        %sub3A_98 = arith.subf %add3A_85, %convert_element_type3A_97 : vector<16xf32>
        %convert_element_type3A_99 = arith.uitofp %convert_element_type3A_95 : vector<16xi32> to vector<16xf32>
        %sub3A_100 = arith.subf %add3A_93, %convert_element_type3A_99 : vector<16xf32>
        %swap3A = arith.index_cast %mul3A_70 : i32 to index
        %swap3A_101 = tpu.vector_load %arg12[%swap3A] {strides = array<i32>} : memref<1024xf32, #tpu.memory_space<vmem>>, vector<16xf32>,
        tpu.vector_store %arg12[%swap3A], %sub3A {strides = array<i32>} : memref<1024xf32, #tpu.memory_space<vmem>>, vector<16xf32>,
        %swap3A_102 = arith.index_cast %mul3A_70 : i32 to index
        %swap3A_103 = tpu.vector_load %arg13[%swap3A_102] {strides = array<i32>} : memref<1024xf32, #tpu.memory_space<vmem>>, vector<16xf32>,
        tpu.vector_store %arg13[%swap3A_102], %sub3A_98 {strides = array<i32>} : memref<1024xf32, #tpu.memory_space<vmem>>, vector<16xf32>,
        %swap3A_104 = arith.index_cast %mul3A_70 : i32 to index
        %swap3A_105 = tpu.vector_load %arg14[%swap3A_104] {strides = array<i32>} : memref<1024xf32, #tpu.memory_space<vmem>>, vector<16xf32>,
        tpu.vector_store %arg14[%swap3A_104], %sub3A_100 {strides = array<i32>} : memref<1024xf32, #tpu.memory_space<vmem>>, vector<16xf32>,
        %mul3A_106 = arith.constant -1640531535 : i32
        %mul3A_107 = vector.broadcast %mul3A_106 : i32 to vector<16xi32>
        %mul3A_108 = arith.muli %convert_element_type3A_94, %mul3A_107 : vector<16xi32>
        %xor3A = arith.xori %convert_element_type3A, %mul3A_108 : vector<16xi32>
        %mul3A_109 = arith.constant 805459861 : i32
        %mul3A_110 = vector.broadcast %mul3A_109 : i32 to vector<16xi32>
        %mul3A_111 = arith.muli %convert_element_type3A_95, %mul3A_110 : vector<16xi32>
        %xor3A_112 = arith.xori %xor3A, %mul3A_111 : vector<16xi32>
        %and3A = arith.constant 524287 : i32
        %and3A_113 = vector.broadcast %and3A : i32 to vector<16xi32>
        %and3A_114 = arith.andi %xor3A_112, %and3A_113 : vector<16xi32>
        %add3A_115 = arith.constant 1572864 : i32
        %add3A_116 = vector.broadcast %add3A_115 : i32 to vector<16xi32>
        %add3A_117 = arith.addi %and3A_114, %add3A_116 : vector<16xi32>
        %add3A_118 = arith.constant 0 : i32
        %add3A_119 = arith.addi %add3A_118, %mul3A_70 : i32
        %swap3A_120 = arith.index_cast %add3A_119 : i32 to index
        %swap3A_121 = tpu.vector_load %arg16[%swap3A_120] {strides = array<i32>} : memref<8192xi32, #tpu.memory_space<vmem>>, vector<16xi32>,
        tpu.vector_store %arg16[%swap3A_120], %add3A_117 {strides = array<i32>} : memref<8192xi32, #tpu.memory_space<vmem>>, vector<16xi32>,
        %add3A_122 = arith.constant 1 : i32
        %add3A_123 = vector.broadcast %add3A_122 : i32 to vector<16xi32>
        %add3A_124 = arith.addi %convert_element_type3A, %add3A_123 : vector<16xi32>
        %mul3A_125 = arith.constant -1640531535 : i32
        %mul3A_126 = vector.broadcast %mul3A_125 : i32 to vector<16xi32>
        %mul3A_127 = arith.muli %convert_element_type3A_94, %mul3A_126 : vector<16xi32>
        %xor3A_128 = arith.xori %add3A_124, %mul3A_127 : vector<16xi32>
        %mul3A_129 = arith.constant 805459861 : i32
        %mul3A_130 = vector.broadcast %mul3A_129 : i32 to vector<16xi32>
        %mul3A_131 = arith.muli %convert_element_type3A_95, %mul3A_130 : vector<16xi32>
        %xor3A_132 = arith.xori %xor3A_128, %mul3A_131 : vector<16xi32>
        %and3A_133 = arith.constant 524287 : i32
        %and3A_134 = vector.broadcast %and3A_133 : i32 to vector<16xi32>
        %and3A_135 = arith.andi %xor3A_132, %and3A_134 : vector<16xi32>
        %add3A_136 = arith.constant 1572864 : i32
        %add3A_137 = vector.broadcast %add3A_136 : i32 to vector<16xi32>
        %add3A_138 = arith.addi %and3A_135, %add3A_137 : vector<16xi32>
        %add3A_139 = arith.constant 1024 : i32
        %add3A_140 = arith.addi %add3A_139, %mul3A_70 : i32
        %swap3A_141 = arith.index_cast %add3A_140 : i32 to index
        %swap3A_142 = tpu.vector_load %arg16[%swap3A_141] {strides = array<i32>} : memref<8192xi32, #tpu.memory_space<vmem>>, vector<16xi32>,
        tpu.vector_store %arg16[%swap3A_141], %add3A_138 {strides = array<i32>} : memref<8192xi32, #tpu.memory_space<vmem>>, vector<16xi32>,
        %add3A_143 = arith.constant 1 : i32
        %add3A_144 = vector.broadcast %add3A_143 : i32 to vector<16xi32>
        %add3A_145 = arith.addi %convert_element_type3A_94, %add3A_144 : vector<16xi32>
        %mul3A_146 = arith.constant -1640531535 : i32
        %mul3A_147 = vector.broadcast %mul3A_146 : i32 to vector<16xi32>
        %mul3A_148 = arith.muli %add3A_145, %mul3A_147 : vector<16xi32>
        %xor3A_149 = arith.xori %convert_element_type3A, %mul3A_148 : vector<16xi32>
        %mul3A_150 = arith.constant 805459861 : i32
        %mul3A_151 = vector.broadcast %mul3A_150 : i32 to vector<16xi32>
        %mul3A_152 = arith.muli %convert_element_type3A_95, %mul3A_151 : vector<16xi32>
        %xor3A_153 = arith.xori %xor3A_149, %mul3A_152 : vector<16xi32>
        %and3A_154 = arith.constant 524287 : i32
        %and3A_155 = vector.broadcast %and3A_154 : i32 to vector<16xi32>
        %and3A_156 = arith.andi %xor3A_153, %and3A_155 : vector<16xi32>
        %add3A_157 = arith.constant 1572864 : i32
        %add3A_158 = vector.broadcast %add3A_157 : i32 to vector<16xi32>
        %add3A_159 = arith.addi %and3A_156, %add3A_158 : vector<16xi32>
        %add3A_160 = arith.constant 2048 : i32
        %add3A_161 = arith.addi %add3A_160, %mul3A_70 : i32
        %swap3A_162 = arith.index_cast %add3A_161 : i32 to index
        %swap3A_163 = tpu.vector_load %arg16[%swap3A_162] {strides = array<i32>} : memref<8192xi32, #tpu.memory_space<vmem>>, vector<16xi32>,
        tpu.vector_store %arg16[%swap3A_162], %add3A_159 {strides = array<i32>} : memref<8192xi32, #tpu.memory_space<vmem>>, vector<16xi32>,
        %add3A_164 = arith.constant 1 : i32
        %add3A_165 = vector.broadcast %add3A_164 : i32 to vector<16xi32>
        %add3A_166 = arith.addi %convert_element_type3A, %add3A_165 : vector<16xi32>
        %add3A_167 = arith.constant 1 : i32
        %add3A_168 = vector.broadcast %add3A_167 : i32 to vector<16xi32>
        %add3A_169 = arith.addi %convert_element_type3A_94, %add3A_168 : vector<16xi32>
        %mul3A_170 = arith.constant -1640531535 : i32
        %mul3A_171 = vector.broadcast %mul3A_170 : i32 to vector<16xi32>
        %mul3A_172 = arith.muli %add3A_169, %mul3A_171 : vector<16xi32>
        %xor3A_173 = arith.xori %add3A_166, %mul3A_172 : vector<16xi32>
        %mul3A_174 = arith.constant 805459861 : i32
        %mul3A_175 = vector.broadcast %mul3A_174 : i32 to vector<16xi32>
        %mul3A_176 = arith.muli %convert_element_type3A_95, %mul3A_175 : vector<16xi32>
        %xor3A_177 = arith.xori %xor3A_173, %mul3A_176 : vector<16xi32>
        %and3A_178 = arith.constant 524287 : i32
        %and3A_179 = vector.broadcast %and3A_178 : i32 to vector<16xi32>
        %and3A_180 = arith.andi %xor3A_177, %and3A_179 : vector<16xi32>
        %add3A_181 = arith.constant 1572864 : i32
        %add3A_182 = vector.broadcast %add3A_181 : i32 to vector<16xi32>
        %add3A_183 = arith.addi %and3A_180, %add3A_182 : vector<16xi32>
        %add3A_184 = arith.constant 3072 : i32
        %add3A_185 = arith.addi %add3A_184, %mul3A_70 : i32
        %swap3A_186 = arith.index_cast %add3A_185 : i32 to index
        %swap3A_187 = tpu.vector_load %arg16[%swap3A_186] {strides = array<i32>} : memref<8192xi32, #tpu.memory_space<vmem>>, vector<16xi32>,
        tpu.vector_store %arg16[%swap3A_186], %add3A_183 {strides = array<i32>} : memref<8192xi32, #tpu.memory_space<vmem>>, vector<16xi32>,
        %add3A_188 = arith.constant 1 : i32
        %add3A_189 = vector.broadcast %add3A_188 : i32 to vector<16xi32>
        %add3A_190 = arith.addi %convert_element_type3A_95, %add3A_189 : vector<16xi32>
        %mul3A_191 = arith.constant -1640531535 : i32
        %mul3A_192 = vector.broadcast %mul3A_191 : i32 to vector<16xi32>
        %mul3A_193 = arith.muli %convert_element_type3A_94, %mul3A_192 : vector<16xi32>
        %xor3A_194 = arith.xori %convert_element_type3A, %mul3A_193 : vector<16xi32>
        %mul3A_195 = arith.constant 805459861 : i32
        %mul3A_196 = vector.broadcast %mul3A_195 : i32 to vector<16xi32>
        %mul3A_197 = arith.muli %add3A_190, %mul3A_196 : vector<16xi32>
        %xor3A_198 = arith.xori %xor3A_194, %mul3A_197 : vector<16xi32>
        %and3A_199 = arith.constant 524287 : i32
        %and3A_200 = vector.broadcast %and3A_199 : i32 to vector<16xi32>
        %and3A_201 = arith.andi %xor3A_198, %and3A_200 : vector<16xi32>
        %add3A_202 = arith.constant 1572864 : i32
        %add3A_203 = vector.broadcast %add3A_202 : i32 to vector<16xi32>
        %add3A_204 = arith.addi %and3A_201, %add3A_203 : vector<16xi32>
        %add3A_205 = arith.constant 4096 : i32
        %add3A_206 = arith.addi %add3A_205, %mul3A_70 : i32
        %swap3A_207 = arith.index_cast %add3A_206 : i32 to index
        %swap3A_208 = tpu.vector_load %arg16[%swap3A_207] {strides = array<i32>} : memref<8192xi32, #tpu.memory_space<vmem>>, vector<16xi32>,
        tpu.vector_store %arg16[%swap3A_207], %add3A_204 {strides = array<i32>} : memref<8192xi32, #tpu.memory_space<vmem>>, vector<16xi32>,
        %add3A_209 = arith.constant 1 : i32
        %add3A_210 = vector.broadcast %add3A_209 : i32 to vector<16xi32>
        %add3A_211 = arith.addi %convert_element_type3A, %add3A_210 : vector<16xi32>
        %add3A_212 = arith.constant 1 : i32
        %add3A_213 = vector.broadcast %add3A_212 : i32 to vector<16xi32>
        %add3A_214 = arith.addi %convert_element_type3A_95, %add3A_213 : vector<16xi32>
        %mul3A_215 = arith.constant -1640531535 : i32
        %mul3A_216 = vector.broadcast %mul3A_215 : i32 to vector<16xi32>
        %mul3A_217 = arith.muli %convert_element_type3A_94, %mul3A_216 : vector<16xi32>
        %xor3A_218 = arith.xori %add3A_211, %mul3A_217 : vector<16xi32>
        %mul3A_219 = arith.constant 805459861 : i32
        %mul3A_220 = vector.broadcast %mul3A_219 : i32 to vector<16xi32>
        %mul3A_221 = arith.muli %add3A_214, %mul3A_220 : vector<16xi32>
        %xor3A_222 = arith.xori %xor3A_218, %mul3A_221 : vector<16xi32>
        %and3A_223 = arith.constant 524287 : i32
        %and3A_224 = vector.broadcast %and3A_223 : i32 to vector<16xi32>
        %and3A_225 = arith.andi %xor3A_222, %and3A_224 : vector<16xi32>
        %add3A_226 = arith.constant 1572864 : i32
        %add3A_227 = vector.broadcast %add3A_226 : i32 to vector<16xi32>
        %add3A_228 = arith.addi %and3A_225, %add3A_227 : vector<16xi32>
        %add3A_229 = arith.constant 5120 : i32
        %add3A_230 = arith.addi %add3A_229, %mul3A_70 : i32
        %swap3A_231 = arith.index_cast %add3A_230 : i32 to index
        %swap3A_232 = tpu.vector_load %arg16[%swap3A_231] {strides = array<i32>} : memref<8192xi32, #tpu.memory_space<vmem>>, vector<16xi32>,
        tpu.vector_store %arg16[%swap3A_231], %add3A_228 {strides = array<i32>} : memref<8192xi32, #tpu.memory_space<vmem>>, vector<16xi32>,
        %add3A_233 = arith.constant 1 : i32
        %add3A_234 = vector.broadcast %add3A_233 : i32 to vector<16xi32>
        %add3A_235 = arith.addi %convert_element_type3A_94, %add3A_234 : vector<16xi32>
        %add3A_236 = arith.constant 1 : i32
        %add3A_237 = vector.broadcast %add3A_236 : i32 to vector<16xi32>
        %add3A_238 = arith.addi %convert_element_type3A_95, %add3A_237 : vector<16xi32>
        %mul3A_239 = arith.constant -1640531535 : i32
        %mul3A_240 = vector.broadcast %mul3A_239 : i32 to vector<16xi32>
        %mul3A_241 = arith.muli %add3A_235, %mul3A_240 : vector<16xi32>
        %xor3A_242 = arith.xori %convert_element_type3A, %mul3A_241 : vector<16xi32>
        %mul3A_243 = arith.constant 805459861 : i32
        %mul3A_244 = vector.broadcast %mul3A_243 : i32 to vector<16xi32>
        %mul3A_245 = arith.muli %add3A_238, %mul3A_244 : vector<16xi32>
        %xor3A_246 = arith.xori %xor3A_242, %mul3A_245 : vector<16xi32>
        %and3A_247 = arith.constant 524287 : i32
        %and3A_248 = vector.broadcast %and3A_247 : i32 to vector<16xi32>
        %and3A_249 = arith.andi %xor3A_246, %and3A_248 : vector<16xi32>
        %add3A_250 = arith.constant 1572864 : i32
        %add3A_251 = vector.broadcast %add3A_250 : i32 to vector<16xi32>
        %add3A_252 = arith.addi %and3A_249, %add3A_251 : vector<16xi32>
        %add3A_253 = arith.constant 6144 : i32
        %add3A_254 = arith.addi %add3A_253, %mul3A_70 : i32
        %swap3A_255 = arith.index_cast %add3A_254 : i32 to index
        %swap3A_256 = tpu.vector_load %arg16[%swap3A_255] {strides = array<i32>} : memref<8192xi32, #tpu.memory_space<vmem>>, vector<16xi32>,
        tpu.vector_store %arg16[%swap3A_255], %add3A_252 {strides = array<i32>} : memref<8192xi32, #tpu.memory_space<vmem>>, vector<16xi32>,
        %add3A_257 = arith.constant 1 : i32
        %add3A_258 = vector.broadcast %add3A_257 : i32 to vector<16xi32>
        %add3A_259 = arith.addi %convert_element_type3A, %add3A_258 : vector<16xi32>
        %add3A_260 = arith.constant 1 : i32
        %add3A_261 = vector.broadcast %add3A_260 : i32 to vector<16xi32>
        %add3A_262 = arith.addi %convert_element_type3A_94, %add3A_261 : vector<16xi32>
        %add3A_263 = arith.constant 1 : i32
        %add3A_264 = vector.broadcast %add3A_263 : i32 to vector<16xi32>
        %add3A_265 = arith.addi %convert_element_type3A_95, %add3A_264 : vector<16xi32>
        %mul3A_266 = arith.constant -1640531535 : i32
        %mul3A_267 = vector.broadcast %mul3A_266 : i32 to vector<16xi32>
        %mul3A_268 = arith.muli %add3A_262, %mul3A_267 : vector<16xi32>
        %xor3A_269 = arith.xori %add3A_259, %mul3A_268 : vector<16xi32>
        %mul3A_270 = arith.constant 805459861 : i32
        %mul3A_271 = vector.broadcast %mul3A_270 : i32 to vector<16xi32>
        %mul3A_272 = arith.muli %add3A_265, %mul3A_271 : vector<16xi32>
        %xor3A_273 = arith.xori %xor3A_269, %mul3A_272 : vector<16xi32>
        %and3A_274 = arith.constant 524287 : i32
        %and3A_275 = vector.broadcast %and3A_274 : i32 to vector<16xi32>
        %and3A_276 = arith.andi %xor3A_273, %and3A_275 : vector<16xi32>
        %add3A_277 = arith.constant 1572864 : i32
        %add3A_278 = vector.broadcast %add3A_277 : i32 to vector<16xi32>
        %add3A_279 = arith.addi %and3A_276, %add3A_278 : vector<16xi32>
        %add3A_280 = arith.constant 7168 : i32
        %add3A_281 = arith.addi %add3A_280, %mul3A_70 : i32
        %swap3A_282 = arith.index_cast %add3A_281 : i32 to index
        %swap3A_283 = tpu.vector_load %arg16[%swap3A_282] {strides = array<i32>} : memref<8192xi32, #tpu.memory_space<vmem>>, vector<16xi32>,
        tpu.vector_store %arg16[%swap3A_282], %add3A_279 {strides = array<i32>} : memref<8192xi32, #tpu.memory_space<vmem>>, vector<16xi32>,
      }
      %scan3A_44 = arith.constant 64 : i32
      %dma_start3A_45 = arith.constant 0 : i32
      %dma_start3A_46 = tpu.memref_slice %arg3[%dma_start3A_45] : memref<8388608xf32, #tpu.memory_space<hbm>> -> memref<8388608xf32, #tpu.memory_space<hbm>>
      tpu.enqueue_indirect_dma source(%dma_start3A_46 : memref<8388608xf32, #tpu.memory_space<hbm>>) target(%arg18 : memref<8192xf32, #tpu.memory_space<vmem>>) offsets(%arg16 : memref<8192xi32, #tpu.memory_space<vmem>>) semaphore(%arg23 : memref<!tpu.dma_semaphore, #tpu.memory_space<semaphore_mem>>)
      %dma_wait3A = arith.constant 0 : i32
      %dma_wait3A_47 = tpu.memref_slice %arg3[%dma_wait3A] : memref<8388608xf32, #tpu.memory_space<hbm>> -> memref<8388608xf32, #tpu.memory_space<hbm>>
      tpu.wait_indirect_dma semaphore(%arg22 : memref<!tpu.dma_semaphore, #tpu.memory_space<semaphore_mem>>) src(%dma_wait3A_47 : memref<8388608xf32, #tpu.memory_space<hbm>>) dst(%arg17 : memref<8192xf32, #tpu.memory_space<vmem>>)
      %scan3A_48 = arith.constant 0 : i32
      %scan3A_49 = arith.constant 0 : i32
      %scan3A_50 = arith.constant 64 : i32
      %scan3A_51 = arith.addi %scan3A_49, %scan3A_50 : i32
      %scan3A_52 = arith.constant 1 : i32
      scf.for %scan3A_68 = %scan3A_49 to %scan3A_51 step %scan3A_52  : i32 {
        %mul3A_69 = arith.constant 16 : i32
        %mul3A_70 = arith.muli %scan3A_68, %mul3A_69 : i32
        %get3A = arith.index_cast %mul3A_70 : i32 to index
        %get3A_71 = tpu.vector_load %arg9[%get3A] {strides = array<i32>} : memref<1024xf32, #tpu.memory_space<vmem>>, vector<16xf32>,
        %get3A_72 = arith.index_cast %mul3A_70 : i32 to index
        %get3A_73 = tpu.vector_load %arg10[%get3A_72] {strides = array<i32>} : memref<1024xf32, #tpu.memory_space<vmem>>, vector<16xf32>,
        %get3A_74 = arith.index_cast %mul3A_70 : i32 to index
        %get3A_75 = tpu.vector_load %arg11[%get3A_74] {strides = array<i32>} : memref<1024xf32, #tpu.memory_space<vmem>>, vector<16xf32>,
        %sub3A = arith.constant 1.000000e+00 : f32
        %sub3A_76 = vector.broadcast %sub3A : f32 to vector<16xf32>
        %sub3A_77 = arith.subf %sub3A_76, %get3A_71 : vector<16xf32>
        %sub3A_78 = arith.constant 1.000000e+00 : f32
        %sub3A_79 = vector.broadcast %sub3A_78 : f32 to vector<16xf32>
        %sub3A_80 = arith.subf %sub3A_79, %get3A_73 : vector<16xf32>
        %sub3A_81 = arith.constant 1.000000e+00 : f32
        %sub3A_82 = vector.broadcast %sub3A_81 : f32 to vector<16xf32>
        %sub3A_83 = arith.subf %sub3A_82, %get3A_75 : vector<16xf32>
        %broadcast_in_dim3A = arith.constant 0.000000e+00 : f32
        %broadcast_in_dim3A_84 = vector.broadcast %broadcast_in_dim3A : f32 to vector<16xf32>
        %broadcast_in_dim3A_85 = arith.constant 0.000000e+00 : f32
        %broadcast_in_dim3A_86 = vector.broadcast %broadcast_in_dim3A_85 : f32 to vector<16xf32>
        %mul3A_87 = arith.mulf %sub3A_77, %sub3A_80 : vector<16xf32>
        %mul3A_88 = arith.mulf %mul3A_87, %sub3A_83 : vector<16xf32>
        %add3A_89 = arith.constant 0 : i32
        %add3A_90 = arith.addi %add3A_89, %mul3A_70 : i32
        %get3A_91 = arith.index_cast %add3A_90 : i32 to index
        %get3A_92 = tpu.vector_load %arg17[%get3A_91] {strides = array<i32>} : memref<8192xf32, #tpu.memory_space<vmem>>, vector<16xf32>,
        %bitcast_convert_type3A = tpu.bitcast %get3A_92 : vector<16xf32> -> vector<16xi32>
        %shift_left3A = arith.constant 16 : i32
        %shift_left3A_93 = vector.broadcast %shift_left3A : i32 to vector<16xi32>
        %shift_left3A_94 = arith.shli %bitcast_convert_type3A, %shift_left3A_93 : vector<16xi32>
        %bitcast_convert_type3A_95 = tpu.bitcast %shift_left3A_94 : vector<16xi32> -> vector<16xf32>
        %and3A = arith.constant -65536 : i32
        %and3A_96 = vector.broadcast %and3A : i32 to vector<16xi32>
        %and3A_97 = arith.andi %bitcast_convert_type3A, %and3A_96 : vector<16xi32>
        %bitcast_convert_type3A_98 = tpu.bitcast %and3A_97 : vector<16xi32> -> vector<16xf32>
        %mul3A_99 = arith.mulf %mul3A_88, %bitcast_convert_type3A_95 : vector<16xf32>
        %add3A_100 = arith.addf %broadcast_in_dim3A_84, %mul3A_99 : vector<16xf32>
        %mul3A_101 = arith.mulf %mul3A_88, %bitcast_convert_type3A_98 : vector<16xf32>
        %add3A_102 = arith.addf %broadcast_in_dim3A_86, %mul3A_101 : vector<16xf32>
        %mul3A_103 = arith.mulf %get3A_71, %sub3A_80 : vector<16xf32>
        %mul3A_104 = arith.mulf %mul3A_103, %sub3A_83 : vector<16xf32>
        %add3A_105 = arith.constant 1024 : i32
        %add3A_106 = arith.addi %add3A_105, %mul3A_70 : i32
        %get3A_107 = arith.index_cast %add3A_106 : i32 to index
        %get3A_108 = tpu.vector_load %arg17[%get3A_107] {strides = array<i32>} : memref<8192xf32, #tpu.memory_space<vmem>>, vector<16xf32>,
        %bitcast_convert_type3A_109 = tpu.bitcast %get3A_108 : vector<16xf32> -> vector<16xi32>
        %shift_left3A_110 = arith.constant 16 : i32
        %shift_left3A_111 = vector.broadcast %shift_left3A_110 : i32 to vector<16xi32>
        %shift_left3A_112 = arith.shli %bitcast_convert_type3A_109, %shift_left3A_111 : vector<16xi32>
        %bitcast_convert_type3A_113 = tpu.bitcast %shift_left3A_112 : vector<16xi32> -> vector<16xf32>
        %and3A_114 = arith.constant -65536 : i32
        %and3A_115 = vector.broadcast %and3A_114 : i32 to vector<16xi32>
        %and3A_116 = arith.andi %bitcast_convert_type3A_109, %and3A_115 : vector<16xi32>
        %bitcast_convert_type3A_117 = tpu.bitcast %and3A_116 : vector<16xi32> -> vector<16xf32>
        %mul3A_118 = arith.mulf %mul3A_104, %bitcast_convert_type3A_113 : vector<16xf32>
        %add3A_119 = arith.addf %add3A_100, %mul3A_118 : vector<16xf32>
        %mul3A_120 = arith.mulf %mul3A_104, %bitcast_convert_type3A_117 : vector<16xf32>
        %add3A_121 = arith.addf %add3A_102, %mul3A_120 : vector<16xf32>
        %mul3A_122 = arith.mulf %sub3A_77, %get3A_73 : vector<16xf32>
        %mul3A_123 = arith.mulf %mul3A_122, %sub3A_83 : vector<16xf32>
        %add3A_124 = arith.constant 2048 : i32
        %add3A_125 = arith.addi %add3A_124, %mul3A_70 : i32
        %get3A_126 = arith.index_cast %add3A_125 : i32 to index
        %get3A_127 = tpu.vector_load %arg17[%get3A_126] {strides = array<i32>} : memref<8192xf32, #tpu.memory_space<vmem>>, vector<16xf32>,
        %bitcast_convert_type3A_128 = tpu.bitcast %get3A_127 : vector<16xf32> -> vector<16xi32>
        %shift_left3A_129 = arith.constant 16 : i32
        %shift_left3A_130 = vector.broadcast %shift_left3A_129 : i32 to vector<16xi32>
        %shift_left3A_131 = arith.shli %bitcast_convert_type3A_128, %shift_left3A_130 : vector<16xi32>
        %bitcast_convert_type3A_132 = tpu.bitcast %shift_left3A_131 : vector<16xi32> -> vector<16xf32>
        %and3A_133 = arith.constant -65536 : i32
        %and3A_134 = vector.broadcast %and3A_133 : i32 to vector<16xi32>
        %and3A_135 = arith.andi %bitcast_convert_type3A_128, %and3A_134 : vector<16xi32>
        %bitcast_convert_type3A_136 = tpu.bitcast %and3A_135 : vector<16xi32> -> vector<16xf32>
        %mul3A_137 = arith.mulf %mul3A_123, %bitcast_convert_type3A_132 : vector<16xf32>
        %add3A_138 = arith.addf %add3A_119, %mul3A_137 : vector<16xf32>
        %mul3A_139 = arith.mulf %mul3A_123, %bitcast_convert_type3A_136 : vector<16xf32>
        %add3A_140 = arith.addf %add3A_121, %mul3A_139 : vector<16xf32>
        %mul3A_141 = arith.mulf %get3A_71, %get3A_73 : vector<16xf32>
        %mul3A_142 = arith.mulf %mul3A_141, %sub3A_83 : vector<16xf32>
        %add3A_143 = arith.constant 3072 : i32
        %add3A_144 = arith.addi %add3A_143, %mul3A_70 : i32
        %get3A_145 = arith.index_cast %add3A_144 : i32 to index
        %get3A_146 = tpu.vector_load %arg17[%get3A_145] {strides = array<i32>} : memref<8192xf32, #tpu.memory_space<vmem>>, vector<16xf32>,
        %bitcast_convert_type3A_147 = tpu.bitcast %get3A_146 : vector<16xf32> -> vector<16xi32>
        %shift_left3A_148 = arith.constant 16 : i32
        %shift_left3A_149 = vector.broadcast %shift_left3A_148 : i32 to vector<16xi32>
        %shift_left3A_150 = arith.shli %bitcast_convert_type3A_147, %shift_left3A_149 : vector<16xi32>
        %bitcast_convert_type3A_151 = tpu.bitcast %shift_left3A_150 : vector<16xi32> -> vector<16xf32>
        %and3A_152 = arith.constant -65536 : i32
        %and3A_153 = vector.broadcast %and3A_152 : i32 to vector<16xi32>
        %and3A_154 = arith.andi %bitcast_convert_type3A_147, %and3A_153 : vector<16xi32>
        %bitcast_convert_type3A_155 = tpu.bitcast %and3A_154 : vector<16xi32> -> vector<16xf32>
        %mul3A_156 = arith.mulf %mul3A_142, %bitcast_convert_type3A_151 : vector<16xf32>
        %add3A_157 = arith.addf %add3A_138, %mul3A_156 : vector<16xf32>
        %mul3A_158 = arith.mulf %mul3A_142, %bitcast_convert_type3A_155 : vector<16xf32>
        %add3A_159 = arith.addf %add3A_140, %mul3A_158 : vector<16xf32>
        %mul3A_160 = arith.mulf %sub3A_77, %sub3A_80 : vector<16xf32>
        %mul3A_161 = arith.mulf %mul3A_160, %get3A_75 : vector<16xf32>
        %add3A_162 = arith.constant 4096 : i32
        %add3A_163 = arith.addi %add3A_162, %mul3A_70 : i32
        %get3A_164 = arith.index_cast %add3A_163 : i32 to index
        %get3A_165 = tpu.vector_load %arg17[%get3A_164] {strides = array<i32>} : memref<8192xf32, #tpu.memory_space<vmem>>, vector<16xf32>,
        %bitcast_convert_type3A_166 = tpu.bitcast %get3A_165 : vector<16xf32> -> vector<16xi32>
        %shift_left3A_167 = arith.constant 16 : i32
        %shift_left3A_168 = vector.broadcast %shift_left3A_167 : i32 to vector<16xi32>
        %shift_left3A_169 = arith.shli %bitcast_convert_type3A_166, %shift_left3A_168 : vector<16xi32>
        %bitcast_convert_type3A_170 = tpu.bitcast %shift_left3A_169 : vector<16xi32> -> vector<16xf32>
        %and3A_171 = arith.constant -65536 : i32
        %and3A_172 = vector.broadcast %and3A_171 : i32 to vector<16xi32>
        %and3A_173 = arith.andi %bitcast_convert_type3A_166, %and3A_172 : vector<16xi32>
        %bitcast_convert_type3A_174 = tpu.bitcast %and3A_173 : vector<16xi32> -> vector<16xf32>
        %mul3A_175 = arith.mulf %mul3A_161, %bitcast_convert_type3A_170 : vector<16xf32>
        %add3A_176 = arith.addf %add3A_157, %mul3A_175 : vector<16xf32>
        %mul3A_177 = arith.mulf %mul3A_161, %bitcast_convert_type3A_174 : vector<16xf32>
        %add3A_178 = arith.addf %add3A_159, %mul3A_177 : vector<16xf32>
        %mul3A_179 = arith.mulf %get3A_71, %sub3A_80 : vector<16xf32>
        %mul3A_180 = arith.mulf %mul3A_179, %get3A_75 : vector<16xf32>
        %add3A_181 = arith.constant 5120 : i32
        %add3A_182 = arith.addi %add3A_181, %mul3A_70 : i32
        %get3A_183 = arith.index_cast %add3A_182 : i32 to index
        %get3A_184 = tpu.vector_load %arg17[%get3A_183] {strides = array<i32>} : memref<8192xf32, #tpu.memory_space<vmem>>, vector<16xf32>,
        %bitcast_convert_type3A_185 = tpu.bitcast %get3A_184 : vector<16xf32> -> vector<16xi32>
        %shift_left3A_186 = arith.constant 16 : i32
        %shift_left3A_187 = vector.broadcast %shift_left3A_186 : i32 to vector<16xi32>
        %shift_left3A_188 = arith.shli %bitcast_convert_type3A_185, %shift_left3A_187 : vector<16xi32>
        %bitcast_convert_type3A_189 = tpu.bitcast %shift_left3A_188 : vector<16xi32> -> vector<16xf32>
        %and3A_190 = arith.constant -65536 : i32
        %and3A_191 = vector.broadcast %and3A_190 : i32 to vector<16xi32>
        %and3A_192 = arith.andi %bitcast_convert_type3A_185, %and3A_191 : vector<16xi32>
        %bitcast_convert_type3A_193 = tpu.bitcast %and3A_192 : vector<16xi32> -> vector<16xf32>
        %mul3A_194 = arith.mulf %mul3A_180, %bitcast_convert_type3A_189 : vector<16xf32>
        %add3A_195 = arith.addf %add3A_176, %mul3A_194 : vector<16xf32>
        %mul3A_196 = arith.mulf %mul3A_180, %bitcast_convert_type3A_193 : vector<16xf32>
        %add3A_197 = arith.addf %add3A_178, %mul3A_196 : vector<16xf32>
        %mul3A_198 = arith.mulf %sub3A_77, %get3A_73 : vector<16xf32>
        %mul3A_199 = arith.mulf %mul3A_198, %get3A_75 : vector<16xf32>
        %add3A_200 = arith.constant 6144 : i32
        %add3A_201 = arith.addi %add3A_200, %mul3A_70 : i32
        %get3A_202 = arith.index_cast %add3A_201 : i32 to index
        %get3A_203 = tpu.vector_load %arg17[%get3A_202] {strides = array<i32>} : memref<8192xf32, #tpu.memory_space<vmem>>, vector<16xf32>,
        %bitcast_convert_type3A_204 = tpu.bitcast %get3A_203 : vector<16xf32> -> vector<16xi32>
        %shift_left3A_205 = arith.constant 16 : i32
        %shift_left3A_206 = vector.broadcast %shift_left3A_205 : i32 to vector<16xi32>
        %shift_left3A_207 = arith.shli %bitcast_convert_type3A_204, %shift_left3A_206 : vector<16xi32>
        %bitcast_convert_type3A_208 = tpu.bitcast %shift_left3A_207 : vector<16xi32> -> vector<16xf32>
        %and3A_209 = arith.constant -65536 : i32
        %and3A_210 = vector.broadcast %and3A_209 : i32 to vector<16xi32>
        %and3A_211 = arith.andi %bitcast_convert_type3A_204, %and3A_210 : vector<16xi32>
        %bitcast_convert_type3A_212 = tpu.bitcast %and3A_211 : vector<16xi32> -> vector<16xf32>
        %mul3A_213 = arith.mulf %mul3A_199, %bitcast_convert_type3A_208 : vector<16xf32>
        %add3A_214 = arith.addf %add3A_195, %mul3A_213 : vector<16xf32>
        %mul3A_215 = arith.mulf %mul3A_199, %bitcast_convert_type3A_212 : vector<16xf32>
        %add3A_216 = arith.addf %add3A_197, %mul3A_215 : vector<16xf32>
        %mul3A_217 = arith.mulf %get3A_71, %get3A_73 : vector<16xf32>
        %mul3A_218 = arith.mulf %mul3A_217, %get3A_75 : vector<16xf32>
        %add3A_219 = arith.constant 7168 : i32
        %add3A_220 = arith.addi %add3A_219, %mul3A_70 : i32
        %get3A_221 = arith.index_cast %add3A_220 : i32 to index
        %get3A_222 = tpu.vector_load %arg17[%get3A_221] {strides = array<i32>} : memref<8192xf32, #tpu.memory_space<vmem>>, vector<16xf32>,
        %bitcast_convert_type3A_223 = tpu.bitcast %get3A_222 : vector<16xf32> -> vector<16xi32>
        %shift_left3A_224 = arith.constant 16 : i32
        %shift_left3A_225 = vector.broadcast %shift_left3A_224 : i32 to vector<16xi32>
        %shift_left3A_226 = arith.shli %bitcast_convert_type3A_223, %shift_left3A_225 : vector<16xi32>
        %bitcast_convert_type3A_227 = tpu.bitcast %shift_left3A_226 : vector<16xi32> -> vector<16xf32>
        %and3A_228 = arith.constant -65536 : i32
        %and3A_229 = vector.broadcast %and3A_228 : i32 to vector<16xi32>
        %and3A_230 = arith.andi %bitcast_convert_type3A_223, %and3A_229 : vector<16xi32>
        %bitcast_convert_type3A_231 = tpu.bitcast %and3A_230 : vector<16xi32> -> vector<16xf32>
        %mul3A_232 = arith.mulf %mul3A_218, %bitcast_convert_type3A_227 : vector<16xf32>
        %add3A_233 = arith.addf %add3A_214, %mul3A_232 : vector<16xf32>
        %mul3A_234 = arith.mulf %mul3A_218, %bitcast_convert_type3A_231 : vector<16xf32>
        %add3A_235 = arith.addf %add3A_216, %mul3A_234 : vector<16xf32>
        %swap3A = arith.constant 4 : i32
        %swap3A_236 = arith.index_cast %swap3A : i32 to index
        %swap3A_237 = arith.index_cast %mul3A_70 : i32 to index
        %swap3A_238 = tpu.vector_load %arg19[%swap3A_236, %swap3A_237] {strides = array<i32>} : memref<32x1024xf32, #tpu.memory_space<vmem>>, vector<16xf32>,
        tpu.vector_store %arg19[%swap3A_236, %swap3A_237], %add3A_233 {strides = array<i32>} : memref<32x1024xf32, #tpu.memory_space<vmem>>, vector<16xf32>,
        %swap3A_239 = arith.constant 5 : i32
        %swap3A_240 = arith.index_cast %swap3A_239 : i32 to index
        %swap3A_241 = arith.index_cast %mul3A_70 : i32 to index
        %swap3A_242 = tpu.vector_load %arg19[%swap3A_240, %swap3A_241] {strides = array<i32>} : memref<32x1024xf32, #tpu.memory_space<vmem>>, vector<16xf32>,
        tpu.vector_store %arg19[%swap3A_240, %swap3A_241], %add3A_235 {strides = array<i32>} : memref<32x1024xf32, #tpu.memory_space<vmem>>, vector<16xf32>,
      }
      %scan3A_53 = arith.constant 64 : i32
      %scan3A_54 = arith.constant 0 : i32
      %scan3A_55 = arith.constant 0 : i32
      %scan3A_56 = arith.constant 6 : i32
      %scan3A_57 = arith.addi %scan3A_55, %scan3A_56 : i32
      %scan3A_58 = arith.constant 1 : i32
      scf.for %scan3A_68 = %scan3A_55 to %scan3A_57 step %scan3A_58  : i32 {
        %mul3A_69 = arith.constant 2 : i32
        %mul3A_70 = arith.muli %mul3A_69, %scan3A_68 : i32
        %add3A_71 = arith.constant 4 : i32
        %add3A_72 = arith.addi %add3A_71, %mul3A_70 : i32
        %add3A_73 = arith.constant 4 : i32
        %add3A_74 = arith.addi %add3A_72, %add3A_73 : i32
        %shift_left3A = arith.constant 1 : i32
        %shift_left3A_75 = arith.shli %shift_left3A, %add3A_74 : i32
        %convert_element_type3A = arith.sitofp %shift_left3A_75 : i32 to f32
        %sub3A = arith.constant 1.000000e+00 : f32
        %sub3A_76 = arith.subf %convert_element_type3A, %sub3A : f32
        %mul3A_77 = arith.constant 524288 : i32
        %mul3A_78 = arith.muli %add3A_72, %mul3A_77 : i32
        %scan3A_79 = arith.constant 0 : i32
        %scan3A_80 = arith.constant 0 : i32
        %scan3A_81 = arith.constant 64 : i32
        %scan3A_82 = arith.addi %scan3A_80, %scan3A_81 : i32
        %scan3A_83 = arith.constant 1 : i32
        scf.for %scan3A_128 = %scan3A_80 to %scan3A_82 step %scan3A_83  : i32 {
          %mul3A_129 = arith.constant 16 : i32
          %mul3A_130 = arith.muli %scan3A_128, %mul3A_129 : i32
          %get3A = arith.index_cast %mul3A_130 : i32 to index
          %get3A_131 = tpu.vector_load %arg6[%get3A] {strides = array<i32>} : memref<1024xf32, #tpu.memory_space<vmem>>, vector<16xf32>,
          %mul3A_132 = vector.broadcast %sub3A_76 : f32 to vector<16xf32>
          %mul3A_133 = arith.mulf %get3A_131, %mul3A_132 : vector<16xf32>
          %add3A_134 = arith.constant 5.000000e-01 : f32
          %add3A_135 = vector.broadcast %add3A_134 : f32 to vector<16xf32>
          %add3A_136 = arith.addf %mul3A_133, %add3A_135 : vector<16xf32>
          %get3A_137 = arith.index_cast %mul3A_130 : i32 to index
          %get3A_138 = tpu.vector_load %arg7[%get3A_137] {strides = array<i32>} : memref<1024xf32, #tpu.memory_space<vmem>>, vector<16xf32>,
          %mul3A_139 = vector.broadcast %sub3A_76 : f32 to vector<16xf32>
          %mul3A_140 = arith.mulf %get3A_138, %mul3A_139 : vector<16xf32>
          %add3A_141 = arith.constant 5.000000e-01 : f32
          %add3A_142 = vector.broadcast %add3A_141 : f32 to vector<16xf32>
          %add3A_143 = arith.addf %mul3A_140, %add3A_142 : vector<16xf32>
          %get3A_144 = arith.index_cast %mul3A_130 : i32 to index
          %get3A_145 = tpu.vector_load %arg8[%get3A_144] {strides = array<i32>} : memref<1024xf32, #tpu.memory_space<vmem>>, vector<16xf32>,
          %mul3A_146 = vector.broadcast %sub3A_76 : f32 to vector<16xf32>
          %mul3A_147 = arith.mulf %get3A_145, %mul3A_146 : vector<16xf32>
          %add3A_148 = arith.constant 5.000000e-01 : f32
          %add3A_149 = vector.broadcast %add3A_148 : f32 to vector<16xf32>
          %add3A_150 = arith.addf %mul3A_147, %add3A_149 : vector<16xf32>
          %convert_element_type3A_151 = arith.fptoui %add3A_136 : vector<16xf32> to vector<16xi32>
          %convert_element_type3A_152 = arith.fptoui %add3A_143 : vector<16xf32> to vector<16xi32>
          %convert_element_type3A_153 = arith.fptoui %add3A_150 : vector<16xf32> to vector<16xi32>
          %convert_element_type3A_154 = arith.uitofp %convert_element_type3A_151 : vector<16xi32> to vector<16xf32>
          %sub3A_155 = arith.subf %add3A_136, %convert_element_type3A_154 : vector<16xf32>
          %convert_element_type3A_156 = arith.uitofp %convert_element_type3A_152 : vector<16xi32> to vector<16xf32>
          %sub3A_157 = arith.subf %add3A_143, %convert_element_type3A_156 : vector<16xf32>
          %convert_element_type3A_158 = arith.uitofp %convert_element_type3A_153 : vector<16xi32> to vector<16xf32>
          %sub3A_159 = arith.subf %add3A_150, %convert_element_type3A_158 : vector<16xf32>
          %swap3A = arith.index_cast %mul3A_130 : i32 to index
          %swap3A_160 = tpu.vector_load %arg9[%swap3A] {strides = array<i32>} : memref<1024xf32, #tpu.memory_space<vmem>>, vector<16xf32>,
          tpu.vector_store %arg9[%swap3A], %sub3A_155 {strides = array<i32>} : memref<1024xf32, #tpu.memory_space<vmem>>, vector<16xf32>,
          %swap3A_161 = arith.index_cast %mul3A_130 : i32 to index
          %swap3A_162 = tpu.vector_load %arg10[%swap3A_161] {strides = array<i32>} : memref<1024xf32, #tpu.memory_space<vmem>>, vector<16xf32>,
          tpu.vector_store %arg10[%swap3A_161], %sub3A_157 {strides = array<i32>} : memref<1024xf32, #tpu.memory_space<vmem>>, vector<16xf32>,
          %swap3A_163 = arith.index_cast %mul3A_130 : i32 to index
          %swap3A_164 = tpu.vector_load %arg11[%swap3A_163] {strides = array<i32>} : memref<1024xf32, #tpu.memory_space<vmem>>, vector<16xf32>,
          tpu.vector_store %arg11[%swap3A_163], %sub3A_159 {strides = array<i32>} : memref<1024xf32, #tpu.memory_space<vmem>>, vector<16xf32>,
          %mul3A_165 = arith.constant -1640531535 : i32
          %mul3A_166 = vector.broadcast %mul3A_165 : i32 to vector<16xi32>
          %mul3A_167 = arith.muli %convert_element_type3A_152, %mul3A_166 : vector<16xi32>
          %xor3A = arith.xori %convert_element_type3A_151, %mul3A_167 : vector<16xi32>
          %mul3A_168 = arith.constant 805459861 : i32
          %mul3A_169 = vector.broadcast %mul3A_168 : i32 to vector<16xi32>
          %mul3A_170 = arith.muli %convert_element_type3A_153, %mul3A_169 : vector<16xi32>
          %xor3A_171 = arith.xori %xor3A, %mul3A_170 : vector<16xi32>
          %and3A = arith.constant 524287 : i32
          %and3A_172 = vector.broadcast %and3A : i32 to vector<16xi32>
          %and3A_173 = arith.andi %xor3A_171, %and3A_172 : vector<16xi32>
          %add3A_174 = vector.broadcast %mul3A_78 : i32 to vector<16xi32>
          %add3A_175 = arith.addi %and3A_173, %add3A_174 : vector<16xi32>
          %add3A_176 = arith.constant 0 : i32
          %add3A_177 = arith.addi %add3A_176, %mul3A_130 : i32
          %swap3A_178 = arith.index_cast %add3A_177 : i32 to index
          %swap3A_179 = tpu.vector_load %arg15[%swap3A_178] {strides = array<i32>} : memref<8192xi32, #tpu.memory_space<vmem>>, vector<16xi32>,
          tpu.vector_store %arg15[%swap3A_178], %add3A_175 {strides = array<i32>} : memref<8192xi32, #tpu.memory_space<vmem>>, vector<16xi32>,
          %add3A_180 = arith.constant 1 : i32
          %add3A_181 = vector.broadcast %add3A_180 : i32 to vector<16xi32>
          %add3A_182 = arith.addi %convert_element_type3A_151, %add3A_181 : vector<16xi32>
          %mul3A_183 = arith.constant -1640531535 : i32
          %mul3A_184 = vector.broadcast %mul3A_183 : i32 to vector<16xi32>
          %mul3A_185 = arith.muli %convert_element_type3A_152, %mul3A_184 : vector<16xi32>
          %xor3A_186 = arith.xori %add3A_182, %mul3A_185 : vector<16xi32>
          %mul3A_187 = arith.constant 805459861 : i32
          %mul3A_188 = vector.broadcast %mul3A_187 : i32 to vector<16xi32>
          %mul3A_189 = arith.muli %convert_element_type3A_153, %mul3A_188 : vector<16xi32>
          %xor3A_190 = arith.xori %xor3A_186, %mul3A_189 : vector<16xi32>
          %and3A_191 = arith.constant 524287 : i32
          %and3A_192 = vector.broadcast %and3A_191 : i32 to vector<16xi32>
          %and3A_193 = arith.andi %xor3A_190, %and3A_192 : vector<16xi32>
          %add3A_194 = vector.broadcast %mul3A_78 : i32 to vector<16xi32>
          %add3A_195 = arith.addi %and3A_193, %add3A_194 : vector<16xi32>
          %add3A_196 = arith.constant 1024 : i32
          %add3A_197 = arith.addi %add3A_196, %mul3A_130 : i32
          %swap3A_198 = arith.index_cast %add3A_197 : i32 to index
          %swap3A_199 = tpu.vector_load %arg15[%swap3A_198] {strides = array<i32>} : memref<8192xi32, #tpu.memory_space<vmem>>, vector<16xi32>,
          tpu.vector_store %arg15[%swap3A_198], %add3A_195 {strides = array<i32>} : memref<8192xi32, #tpu.memory_space<vmem>>, vector<16xi32>,
          %add3A_200 = arith.constant 1 : i32
          %add3A_201 = vector.broadcast %add3A_200 : i32 to vector<16xi32>
          %add3A_202 = arith.addi %convert_element_type3A_152, %add3A_201 : vector<16xi32>
          %mul3A_203 = arith.constant -1640531535 : i32
          %mul3A_204 = vector.broadcast %mul3A_203 : i32 to vector<16xi32>
          %mul3A_205 = arith.muli %add3A_202, %mul3A_204 : vector<16xi32>
          %xor3A_206 = arith.xori %convert_element_type3A_151, %mul3A_205 : vector<16xi32>
          %mul3A_207 = arith.constant 805459861 : i32
          %mul3A_208 = vector.broadcast %mul3A_207 : i32 to vector<16xi32>
          %mul3A_209 = arith.muli %convert_element_type3A_153, %mul3A_208 : vector<16xi32>
          %xor3A_210 = arith.xori %xor3A_206, %mul3A_209 : vector<16xi32>
          %and3A_211 = arith.constant 524287 : i32
          %and3A_212 = vector.broadcast %and3A_211 : i32 to vector<16xi32>
          %and3A_213 = arith.andi %xor3A_210, %and3A_212 : vector<16xi32>
          %add3A_214 = vector.broadcast %mul3A_78 : i32 to vector<16xi32>
          %add3A_215 = arith.addi %and3A_213, %add3A_214 : vector<16xi32>
          %add3A_216 = arith.constant 2048 : i32
          %add3A_217 = arith.addi %add3A_216, %mul3A_130 : i32
          %swap3A_218 = arith.index_cast %add3A_217 : i32 to index
          %swap3A_219 = tpu.vector_load %arg15[%swap3A_218] {strides = array<i32>} : memref<8192xi32, #tpu.memory_space<vmem>>, vector<16xi32>,
          tpu.vector_store %arg15[%swap3A_218], %add3A_215 {strides = array<i32>} : memref<8192xi32, #tpu.memory_space<vmem>>, vector<16xi32>,
          %add3A_220 = arith.constant 1 : i32
          %add3A_221 = vector.broadcast %add3A_220 : i32 to vector<16xi32>
          %add3A_222 = arith.addi %convert_element_type3A_151, %add3A_221 : vector<16xi32>
          %add3A_223 = arith.constant 1 : i32
          %add3A_224 = vector.broadcast %add3A_223 : i32 to vector<16xi32>
          %add3A_225 = arith.addi %convert_element_type3A_152, %add3A_224 : vector<16xi32>
          %mul3A_226 = arith.constant -1640531535 : i32
          %mul3A_227 = vector.broadcast %mul3A_226 : i32 to vector<16xi32>
          %mul3A_228 = arith.muli %add3A_225, %mul3A_227 : vector<16xi32>
          %xor3A_229 = arith.xori %add3A_222, %mul3A_228 : vector<16xi32>
          %mul3A_230 = arith.constant 805459861 : i32
          %mul3A_231 = vector.broadcast %mul3A_230 : i32 to vector<16xi32>
          %mul3A_232 = arith.muli %convert_element_type3A_153, %mul3A_231 : vector<16xi32>
          %xor3A_233 = arith.xori %xor3A_229, %mul3A_232 : vector<16xi32>
          %and3A_234 = arith.constant 524287 : i32
          %and3A_235 = vector.broadcast %and3A_234 : i32 to vector<16xi32>
          %and3A_236 = arith.andi %xor3A_233, %and3A_235 : vector<16xi32>
          %add3A_237 = vector.broadcast %mul3A_78 : i32 to vector<16xi32>
          %add3A_238 = arith.addi %and3A_236, %add3A_237 : vector<16xi32>
          %add3A_239 = arith.constant 3072 : i32
          %add3A_240 = arith.addi %add3A_239, %mul3A_130 : i32
          %swap3A_241 = arith.index_cast %add3A_240 : i32 to index
          %swap3A_242 = tpu.vector_load %arg15[%swap3A_241] {strides = array<i32>} : memref<8192xi32, #tpu.memory_space<vmem>>, vector<16xi32>,
          tpu.vector_store %arg15[%swap3A_241], %add3A_238 {strides = array<i32>} : memref<8192xi32, #tpu.memory_space<vmem>>, vector<16xi32>,
          %add3A_243 = arith.constant 1 : i32
          %add3A_244 = vector.broadcast %add3A_243 : i32 to vector<16xi32>
          %add3A_245 = arith.addi %convert_element_type3A_153, %add3A_244 : vector<16xi32>
          %mul3A_246 = arith.constant -1640531535 : i32
          %mul3A_247 = vector.broadcast %mul3A_246 : i32 to vector<16xi32>
          %mul3A_248 = arith.muli %convert_element_type3A_152, %mul3A_247 : vector<16xi32>
          %xor3A_249 = arith.xori %convert_element_type3A_151, %mul3A_248 : vector<16xi32>
          %mul3A_250 = arith.constant 805459861 : i32
          %mul3A_251 = vector.broadcast %mul3A_250 : i32 to vector<16xi32>
          %mul3A_252 = arith.muli %add3A_245, %mul3A_251 : vector<16xi32>
          %xor3A_253 = arith.xori %xor3A_249, %mul3A_252 : vector<16xi32>
          %and3A_254 = arith.constant 524287 : i32
          %and3A_255 = vector.broadcast %and3A_254 : i32 to vector<16xi32>
          %and3A_256 = arith.andi %xor3A_253, %and3A_255 : vector<16xi32>
          %add3A_257 = vector.broadcast %mul3A_78 : i32 to vector<16xi32>
          %add3A_258 = arith.addi %and3A_256, %add3A_257 : vector<16xi32>
          %add3A_259 = arith.constant 4096 : i32
          %add3A_260 = arith.addi %add3A_259, %mul3A_130 : i32
          %swap3A_261 = arith.index_cast %add3A_260 : i32 to index
          %swap3A_262 = tpu.vector_load %arg15[%swap3A_261] {strides = array<i32>} : memref<8192xi32, #tpu.memory_space<vmem>>, vector<16xi32>,
          tpu.vector_store %arg15[%swap3A_261], %add3A_258 {strides = array<i32>} : memref<8192xi32, #tpu.memory_space<vmem>>, vector<16xi32>,
          %add3A_263 = arith.constant 1 : i32
          %add3A_264 = vector.broadcast %add3A_263 : i32 to vector<16xi32>
          %add3A_265 = arith.addi %convert_element_type3A_151, %add3A_264 : vector<16xi32>
          %add3A_266 = arith.constant 1 : i32
          %add3A_267 = vector.broadcast %add3A_266 : i32 to vector<16xi32>
          %add3A_268 = arith.addi %convert_element_type3A_153, %add3A_267 : vector<16xi32>
          %mul3A_269 = arith.constant -1640531535 : i32
          %mul3A_270 = vector.broadcast %mul3A_269 : i32 to vector<16xi32>
          %mul3A_271 = arith.muli %convert_element_type3A_152, %mul3A_270 : vector<16xi32>
          %xor3A_272 = arith.xori %add3A_265, %mul3A_271 : vector<16xi32>
          %mul3A_273 = arith.constant 805459861 : i32
          %mul3A_274 = vector.broadcast %mul3A_273 : i32 to vector<16xi32>
          %mul3A_275 = arith.muli %add3A_268, %mul3A_274 : vector<16xi32>
          %xor3A_276 = arith.xori %xor3A_272, %mul3A_275 : vector<16xi32>
          %and3A_277 = arith.constant 524287 : i32
          %and3A_278 = vector.broadcast %and3A_277 : i32 to vector<16xi32>
          %and3A_279 = arith.andi %xor3A_276, %and3A_278 : vector<16xi32>
          %add3A_280 = vector.broadcast %mul3A_78 : i32 to vector<16xi32>
          %add3A_281 = arith.addi %and3A_279, %add3A_280 : vector<16xi32>
          %add3A_282 = arith.constant 5120 : i32
          %add3A_283 = arith.addi %add3A_282, %mul3A_130 : i32
          %swap3A_284 = arith.index_cast %add3A_283 : i32 to index
          %swap3A_285 = tpu.vector_load %arg15[%swap3A_284] {strides = array<i32>} : memref<8192xi32, #tpu.memory_space<vmem>>, vector<16xi32>,
          tpu.vector_store %arg15[%swap3A_284], %add3A_281 {strides = array<i32>} : memref<8192xi32, #tpu.memory_space<vmem>>, vector<16xi32>,
          %add3A_286 = arith.constant 1 : i32
          %add3A_287 = vector.broadcast %add3A_286 : i32 to vector<16xi32>
          %add3A_288 = arith.addi %convert_element_type3A_152, %add3A_287 : vector<16xi32>
          %add3A_289 = arith.constant 1 : i32
          %add3A_290 = vector.broadcast %add3A_289 : i32 to vector<16xi32>
          %add3A_291 = arith.addi %convert_element_type3A_153, %add3A_290 : vector<16xi32>
          %mul3A_292 = arith.constant -1640531535 : i32
          %mul3A_293 = vector.broadcast %mul3A_292 : i32 to vector<16xi32>
          %mul3A_294 = arith.muli %add3A_288, %mul3A_293 : vector<16xi32>
          %xor3A_295 = arith.xori %convert_element_type3A_151, %mul3A_294 : vector<16xi32>
          %mul3A_296 = arith.constant 805459861 : i32
          %mul3A_297 = vector.broadcast %mul3A_296 : i32 to vector<16xi32>
          %mul3A_298 = arith.muli %add3A_291, %mul3A_297 : vector<16xi32>
          %xor3A_299 = arith.xori %xor3A_295, %mul3A_298 : vector<16xi32>
          %and3A_300 = arith.constant 524287 : i32
          %and3A_301 = vector.broadcast %and3A_300 : i32 to vector<16xi32>
          %and3A_302 = arith.andi %xor3A_299, %and3A_301 : vector<16xi32>
          %add3A_303 = vector.broadcast %mul3A_78 : i32 to vector<16xi32>
          %add3A_304 = arith.addi %and3A_302, %add3A_303 : vector<16xi32>
          %add3A_305 = arith.constant 6144 : i32
          %add3A_306 = arith.addi %add3A_305, %mul3A_130 : i32
          %swap3A_307 = arith.index_cast %add3A_306 : i32 to index
          %swap3A_308 = tpu.vector_load %arg15[%swap3A_307] {strides = array<i32>} : memref<8192xi32, #tpu.memory_space<vmem>>, vector<16xi32>,
          tpu.vector_store %arg15[%swap3A_307], %add3A_304 {strides = array<i32>} : memref<8192xi32, #tpu.memory_space<vmem>>, vector<16xi32>,
          %add3A_309 = arith.constant 1 : i32
          %add3A_310 = vector.broadcast %add3A_309 : i32 to vector<16xi32>
          %add3A_311 = arith.addi %convert_element_type3A_151, %add3A_310 : vector<16xi32>
          %add3A_312 = arith.constant 1 : i32
          %add3A_313 = vector.broadcast %add3A_312 : i32 to vector<16xi32>
          %add3A_314 = arith.addi %convert_element_type3A_152, %add3A_313 : vector<16xi32>
          %add3A_315 = arith.constant 1 : i32
          %add3A_316 = vector.broadcast %add3A_315 : i32 to vector<16xi32>
          %add3A_317 = arith.addi %convert_element_type3A_153, %add3A_316 : vector<16xi32>
          %mul3A_318 = arith.constant -1640531535 : i32
          %mul3A_319 = vector.broadcast %mul3A_318 : i32 to vector<16xi32>
          %mul3A_320 = arith.muli %add3A_314, %mul3A_319 : vector<16xi32>
          %xor3A_321 = arith.xori %add3A_311, %mul3A_320 : vector<16xi32>
          %mul3A_322 = arith.constant 805459861 : i32
          %mul3A_323 = vector.broadcast %mul3A_322 : i32 to vector<16xi32>
          %mul3A_324 = arith.muli %add3A_317, %mul3A_323 : vector<16xi32>
          %xor3A_325 = arith.xori %xor3A_321, %mul3A_324 : vector<16xi32>
          %and3A_326 = arith.constant 524287 : i32
          %and3A_327 = vector.broadcast %and3A_326 : i32 to vector<16xi32>
          %and3A_328 = arith.andi %xor3A_325, %and3A_327 : vector<16xi32>
          %add3A_329 = vector.broadcast %mul3A_78 : i32 to vector<16xi32>
          %add3A_330 = arith.addi %and3A_328, %add3A_329 : vector<16xi32>
          %add3A_331 = arith.constant 7168 : i32
          %add3A_332 = arith.addi %add3A_331, %mul3A_130 : i32
          %swap3A_333 = arith.index_cast %add3A_332 : i32 to index
          %swap3A_334 = tpu.vector_load %arg15[%swap3A_333] {strides = array<i32>} : memref<8192xi32, #tpu.memory_space<vmem>>, vector<16xi32>,
          tpu.vector_store %arg15[%swap3A_333], %add3A_330 {strides = array<i32>} : memref<8192xi32, #tpu.memory_space<vmem>>, vector<16xi32>,
        }
        %scan3A_84 = arith.constant 64 : i32
        %dma_start3A_85 = arith.constant 0 : i32
        %dma_start3A_86 = tpu.memref_slice %arg3[%dma_start3A_85] : memref<8388608xf32, #tpu.memory_space<hbm>> -> memref<8388608xf32, #tpu.memory_space<hbm>>
        tpu.enqueue_indirect_dma source(%dma_start3A_86 : memref<8388608xf32, #tpu.memory_space<hbm>>) target(%arg17 : memref<8192xf32, #tpu.memory_space<vmem>>) offsets(%arg15 : memref<8192xi32, #tpu.memory_space<vmem>>) semaphore(%arg22 : memref<!tpu.dma_semaphore, #tpu.memory_space<semaphore_mem>>)
        %dma_wait3A_87 = arith.constant 0 : i32
        %dma_wait3A_88 = tpu.memref_slice %arg3[%dma_wait3A_87] : memref<8388608xf32, #tpu.memory_space<hbm>> -> memref<8388608xf32, #tpu.memory_space<hbm>>
        tpu.wait_indirect_dma semaphore(%arg23 : memref<!tpu.dma_semaphore, #tpu.memory_space<semaphore_mem>>) src(%dma_wait3A_88 : memref<8388608xf32, #tpu.memory_space<hbm>>) dst(%arg18 : memref<8192xf32, #tpu.memory_space<vmem>>)
        %mul3A_89 = arith.constant 2 : i32
        %mul3A_90 = arith.muli %mul3A_89, %add3A_72 : i32
        %sub3A_91 = arith.constant 2 : i32
        %sub3A_92 = arith.subi %mul3A_90, %sub3A_91 : i32
        %scan3A_93 = arith.constant 0 : i32
        %scan3A_94 = arith.constant 0 : i32
        %scan3A_95 = arith.constant 64 : i32
        %scan3A_96 = arith.addi %scan3A_94, %scan3A_95 : i32
        %scan3A_97 = arith.constant 1 : i32
        scf.for %scan3A_128 = %scan3A_94 to %scan3A_96 step %scan3A_97  : i32 {
          %mul3A_129 = arith.constant 16 : i32
          %mul3A_130 = arith.muli %scan3A_128, %mul3A_129 : i32
          %get3A = arith.index_cast %mul3A_130 : i32 to index
          %get3A_131 = tpu.vector_load %arg12[%get3A] {strides = array<i32>} : memref<1024xf32, #tpu.memory_space<vmem>>, vector<16xf32>,
          %get3A_132 = arith.index_cast %mul3A_130 : i32 to index
          %get3A_133 = tpu.vector_load %arg13[%get3A_132] {strides = array<i32>} : memref<1024xf32, #tpu.memory_space<vmem>>, vector<16xf32>,
          %get3A_134 = arith.index_cast %mul3A_130 : i32 to index
          %get3A_135 = tpu.vector_load %arg14[%get3A_134] {strides = array<i32>} : memref<1024xf32, #tpu.memory_space<vmem>>, vector<16xf32>,
          %sub3A_136 = arith.constant 1.000000e+00 : f32
          %sub3A_137 = vector.broadcast %sub3A_136 : f32 to vector<16xf32>
          %sub3A_138 = arith.subf %sub3A_137, %get3A_131 : vector<16xf32>
          %sub3A_139 = arith.constant 1.000000e+00 : f32
          %sub3A_140 = vector.broadcast %sub3A_139 : f32 to vector<16xf32>
          %sub3A_141 = arith.subf %sub3A_140, %get3A_133 : vector<16xf32>
          %sub3A_142 = arith.constant 1.000000e+00 : f32
          %sub3A_143 = vector.broadcast %sub3A_142 : f32 to vector<16xf32>
          %sub3A_144 = arith.subf %sub3A_143, %get3A_135 : vector<16xf32>
          %broadcast_in_dim3A = arith.constant 0.000000e+00 : f32
          %broadcast_in_dim3A_145 = vector.broadcast %broadcast_in_dim3A : f32 to vector<16xf32>
          %broadcast_in_dim3A_146 = arith.constant 0.000000e+00 : f32
          %broadcast_in_dim3A_147 = vector.broadcast %broadcast_in_dim3A_146 : f32 to vector<16xf32>
          %mul3A_148 = arith.mulf %sub3A_138, %sub3A_141 : vector<16xf32>
          %mul3A_149 = arith.mulf %mul3A_148, %sub3A_144 : vector<16xf32>
          %add3A_150 = arith.constant 0 : i32
          %add3A_151 = arith.addi %add3A_150, %mul3A_130 : i32
          %get3A_152 = arith.index_cast %add3A_151 : i32 to index
          %get3A_153 = tpu.vector_load %arg18[%get3A_152] {strides = array<i32>} : memref<8192xf32, #tpu.memory_space<vmem>>, vector<16xf32>,
          %bitcast_convert_type3A = tpu.bitcast %get3A_153 : vector<16xf32> -> vector<16xi32>
          %shift_left3A_154 = arith.constant 16 : i32
          %shift_left3A_155 = vector.broadcast %shift_left3A_154 : i32 to vector<16xi32>
          %shift_left3A_156 = arith.shli %bitcast_convert_type3A, %shift_left3A_155 : vector<16xi32>
          %bitcast_convert_type3A_157 = tpu.bitcast %shift_left3A_156 : vector<16xi32> -> vector<16xf32>
          %and3A = arith.constant -65536 : i32
          %and3A_158 = vector.broadcast %and3A : i32 to vector<16xi32>
          %and3A_159 = arith.andi %bitcast_convert_type3A, %and3A_158 : vector<16xi32>
          %bitcast_convert_type3A_160 = tpu.bitcast %and3A_159 : vector<16xi32> -> vector<16xf32>
          %mul3A_161 = arith.mulf %mul3A_149, %bitcast_convert_type3A_157 : vector<16xf32>
          %add3A_162 = arith.addf %broadcast_in_dim3A_145, %mul3A_161 : vector<16xf32>
          %mul3A_163 = arith.mulf %mul3A_149, %bitcast_convert_type3A_160 : vector<16xf32>
          %add3A_164 = arith.addf %broadcast_in_dim3A_147, %mul3A_163 : vector<16xf32>
          %mul3A_165 = arith.mulf %get3A_131, %sub3A_141 : vector<16xf32>
          %mul3A_166 = arith.mulf %mul3A_165, %sub3A_144 : vector<16xf32>
          %add3A_167 = arith.constant 1024 : i32
          %add3A_168 = arith.addi %add3A_167, %mul3A_130 : i32
          %get3A_169 = arith.index_cast %add3A_168 : i32 to index
          %get3A_170 = tpu.vector_load %arg18[%get3A_169] {strides = array<i32>} : memref<8192xf32, #tpu.memory_space<vmem>>, vector<16xf32>,
          %bitcast_convert_type3A_171 = tpu.bitcast %get3A_170 : vector<16xf32> -> vector<16xi32>
          %shift_left3A_172 = arith.constant 16 : i32
          %shift_left3A_173 = vector.broadcast %shift_left3A_172 : i32 to vector<16xi32>
          %shift_left3A_174 = arith.shli %bitcast_convert_type3A_171, %shift_left3A_173 : vector<16xi32>
          %bitcast_convert_type3A_175 = tpu.bitcast %shift_left3A_174 : vector<16xi32> -> vector<16xf32>
          %and3A_176 = arith.constant -65536 : i32
          %and3A_177 = vector.broadcast %and3A_176 : i32 to vector<16xi32>
          %and3A_178 = arith.andi %bitcast_convert_type3A_171, %and3A_177 : vector<16xi32>
          %bitcast_convert_type3A_179 = tpu.bitcast %and3A_178 : vector<16xi32> -> vector<16xf32>
          %mul3A_180 = arith.mulf %mul3A_166, %bitcast_convert_type3A_175 : vector<16xf32>
          %add3A_181 = arith.addf %add3A_162, %mul3A_180 : vector<16xf32>
          %mul3A_182 = arith.mulf %mul3A_166, %bitcast_convert_type3A_179 : vector<16xf32>
          %add3A_183 = arith.addf %add3A_164, %mul3A_182 : vector<16xf32>
          %mul3A_184 = arith.mulf %sub3A_138, %get3A_133 : vector<16xf32>
          %mul3A_185 = arith.mulf %mul3A_184, %sub3A_144 : vector<16xf32>
          %add3A_186 = arith.constant 2048 : i32
          %add3A_187 = arith.addi %add3A_186, %mul3A_130 : i32
          %get3A_188 = arith.index_cast %add3A_187 : i32 to index
          %get3A_189 = tpu.vector_load %arg18[%get3A_188] {strides = array<i32>} : memref<8192xf32, #tpu.memory_space<vmem>>, vector<16xf32>,
          %bitcast_convert_type3A_190 = tpu.bitcast %get3A_189 : vector<16xf32> -> vector<16xi32>
          %shift_left3A_191 = arith.constant 16 : i32
          %shift_left3A_192 = vector.broadcast %shift_left3A_191 : i32 to vector<16xi32>
          %shift_left3A_193 = arith.shli %bitcast_convert_type3A_190, %shift_left3A_192 : vector<16xi32>
          %bitcast_convert_type3A_194 = tpu.bitcast %shift_left3A_193 : vector<16xi32> -> vector<16xf32>
          %and3A_195 = arith.constant -65536 : i32
          %and3A_196 = vector.broadcast %and3A_195 : i32 to vector<16xi32>
          %and3A_197 = arith.andi %bitcast_convert_type3A_190, %and3A_196 : vector<16xi32>
          %bitcast_convert_type3A_198 = tpu.bitcast %and3A_197 : vector<16xi32> -> vector<16xf32>
          %mul3A_199 = arith.mulf %mul3A_185, %bitcast_convert_type3A_194 : vector<16xf32>
          %add3A_200 = arith.addf %add3A_181, %mul3A_199 : vector<16xf32>
          %mul3A_201 = arith.mulf %mul3A_185, %bitcast_convert_type3A_198 : vector<16xf32>
          %add3A_202 = arith.addf %add3A_183, %mul3A_201 : vector<16xf32>
          %mul3A_203 = arith.mulf %get3A_131, %get3A_133 : vector<16xf32>
          %mul3A_204 = arith.mulf %mul3A_203, %sub3A_144 : vector<16xf32>
          %add3A_205 = arith.constant 3072 : i32
          %add3A_206 = arith.addi %add3A_205, %mul3A_130 : i32
          %get3A_207 = arith.index_cast %add3A_206 : i32 to index
          %get3A_208 = tpu.vector_load %arg18[%get3A_207] {strides = array<i32>} : memref<8192xf32, #tpu.memory_space<vmem>>, vector<16xf32>,
          %bitcast_convert_type3A_209 = tpu.bitcast %get3A_208 : vector<16xf32> -> vector<16xi32>
          %shift_left3A_210 = arith.constant 16 : i32
          %shift_left3A_211 = vector.broadcast %shift_left3A_210 : i32 to vector<16xi32>
          %shift_left3A_212 = arith.shli %bitcast_convert_type3A_209, %shift_left3A_211 : vector<16xi32>
          %bitcast_convert_type3A_213 = tpu.bitcast %shift_left3A_212 : vector<16xi32> -> vector<16xf32>
          %and3A_214 = arith.constant -65536 : i32
          %and3A_215 = vector.broadcast %and3A_214 : i32 to vector<16xi32>
          %and3A_216 = arith.andi %bitcast_convert_type3A_209, %and3A_215 : vector<16xi32>
          %bitcast_convert_type3A_217 = tpu.bitcast %and3A_216 : vector<16xi32> -> vector<16xf32>
          %mul3A_218 = arith.mulf %mul3A_204, %bitcast_convert_type3A_213 : vector<16xf32>
          %add3A_219 = arith.addf %add3A_200, %mul3A_218 : vector<16xf32>
          %mul3A_220 = arith.mulf %mul3A_204, %bitcast_convert_type3A_217 : vector<16xf32>
          %add3A_221 = arith.addf %add3A_202, %mul3A_220 : vector<16xf32>
          %mul3A_222 = arith.mulf %sub3A_138, %sub3A_141 : vector<16xf32>
          %mul3A_223 = arith.mulf %mul3A_222, %get3A_135 : vector<16xf32>
          %add3A_224 = arith.constant 4096 : i32
          %add3A_225 = arith.addi %add3A_224, %mul3A_130 : i32
          %get3A_226 = arith.index_cast %add3A_225 : i32 to index
          %get3A_227 = tpu.vector_load %arg18[%get3A_226] {strides = array<i32>} : memref<8192xf32, #tpu.memory_space<vmem>>, vector<16xf32>,
          %bitcast_convert_type3A_228 = tpu.bitcast %get3A_227 : vector<16xf32> -> vector<16xi32>
          %shift_left3A_229 = arith.constant 16 : i32
          %shift_left3A_230 = vector.broadcast %shift_left3A_229 : i32 to vector<16xi32>
          %shift_left3A_231 = arith.shli %bitcast_convert_type3A_228, %shift_left3A_230 : vector<16xi32>
          %bitcast_convert_type3A_232 = tpu.bitcast %shift_left3A_231 : vector<16xi32> -> vector<16xf32>
          %and3A_233 = arith.constant -65536 : i32
          %and3A_234 = vector.broadcast %and3A_233 : i32 to vector<16xi32>
          %and3A_235 = arith.andi %bitcast_convert_type3A_228, %and3A_234 : vector<16xi32>
          %bitcast_convert_type3A_236 = tpu.bitcast %and3A_235 : vector<16xi32> -> vector<16xf32>
          %mul3A_237 = arith.mulf %mul3A_223, %bitcast_convert_type3A_232 : vector<16xf32>
          %add3A_238 = arith.addf %add3A_219, %mul3A_237 : vector<16xf32>
          %mul3A_239 = arith.mulf %mul3A_223, %bitcast_convert_type3A_236 : vector<16xf32>
          %add3A_240 = arith.addf %add3A_221, %mul3A_239 : vector<16xf32>
          %mul3A_241 = arith.mulf %get3A_131, %sub3A_141 : vector<16xf32>
          %mul3A_242 = arith.mulf %mul3A_241, %get3A_135 : vector<16xf32>
          %add3A_243 = arith.constant 5120 : i32
          %add3A_244 = arith.addi %add3A_243, %mul3A_130 : i32
          %get3A_245 = arith.index_cast %add3A_244 : i32 to index
          %get3A_246 = tpu.vector_load %arg18[%get3A_245] {strides = array<i32>} : memref<8192xf32, #tpu.memory_space<vmem>>, vector<16xf32>,
          %bitcast_convert_type3A_247 = tpu.bitcast %get3A_246 : vector<16xf32> -> vector<16xi32>
          %shift_left3A_248 = arith.constant 16 : i32
          %shift_left3A_249 = vector.broadcast %shift_left3A_248 : i32 to vector<16xi32>
          %shift_left3A_250 = arith.shli %bitcast_convert_type3A_247, %shift_left3A_249 : vector<16xi32>
          %bitcast_convert_type3A_251 = tpu.bitcast %shift_left3A_250 : vector<16xi32> -> vector<16xf32>
          %and3A_252 = arith.constant -65536 : i32
          %and3A_253 = vector.broadcast %and3A_252 : i32 to vector<16xi32>
          %and3A_254 = arith.andi %bitcast_convert_type3A_247, %and3A_253 : vector<16xi32>
          %bitcast_convert_type3A_255 = tpu.bitcast %and3A_254 : vector<16xi32> -> vector<16xf32>
          %mul3A_256 = arith.mulf %mul3A_242, %bitcast_convert_type3A_251 : vector<16xf32>
          %add3A_257 = arith.addf %add3A_238, %mul3A_256 : vector<16xf32>
          %mul3A_258 = arith.mulf %mul3A_242, %bitcast_convert_type3A_255 : vector<16xf32>
          %add3A_259 = arith.addf %add3A_240, %mul3A_258 : vector<16xf32>
          %mul3A_260 = arith.mulf %sub3A_138, %get3A_133 : vector<16xf32>
          %mul3A_261 = arith.mulf %mul3A_260, %get3A_135 : vector<16xf32>
          %add3A_262 = arith.constant 6144 : i32
          %add3A_263 = arith.addi %add3A_262, %mul3A_130 : i32
          %get3A_264 = arith.index_cast %add3A_263 : i32 to index
          %get3A_265 = tpu.vector_load %arg18[%get3A_264] {strides = array<i32>} : memref<8192xf32, #tpu.memory_space<vmem>>, vector<16xf32>,
          %bitcast_convert_type3A_266 = tpu.bitcast %get3A_265 : vector<16xf32> -> vector<16xi32>
          %shift_left3A_267 = arith.constant 16 : i32
          %shift_left3A_268 = vector.broadcast %shift_left3A_267 : i32 to vector<16xi32>
          %shift_left3A_269 = arith.shli %bitcast_convert_type3A_266, %shift_left3A_268 : vector<16xi32>
          %bitcast_convert_type3A_270 = tpu.bitcast %shift_left3A_269 : vector<16xi32> -> vector<16xf32>
          %and3A_271 = arith.constant -65536 : i32
          %and3A_272 = vector.broadcast %and3A_271 : i32 to vector<16xi32>
          %and3A_273 = arith.andi %bitcast_convert_type3A_266, %and3A_272 : vector<16xi32>
          %bitcast_convert_type3A_274 = tpu.bitcast %and3A_273 : vector<16xi32> -> vector<16xf32>
          %mul3A_275 = arith.mulf %mul3A_261, %bitcast_convert_type3A_270 : vector<16xf32>
          %add3A_276 = arith.addf %add3A_257, %mul3A_275 : vector<16xf32>
          %mul3A_277 = arith.mulf %mul3A_261, %bitcast_convert_type3A_274 : vector<16xf32>
          %add3A_278 = arith.addf %add3A_259, %mul3A_277 : vector<16xf32>
          %mul3A_279 = arith.mulf %get3A_131, %get3A_133 : vector<16xf32>
          %mul3A_280 = arith.mulf %mul3A_279, %get3A_135 : vector<16xf32>
          %add3A_281 = arith.constant 7168 : i32
          %add3A_282 = arith.addi %add3A_281, %mul3A_130 : i32
          %get3A_283 = arith.index_cast %add3A_282 : i32 to index
          %get3A_284 = tpu.vector_load %arg18[%get3A_283] {strides = array<i32>} : memref<8192xf32, #tpu.memory_space<vmem>>, vector<16xf32>,
          %bitcast_convert_type3A_285 = tpu.bitcast %get3A_284 : vector<16xf32> -> vector<16xi32>
          %shift_left3A_286 = arith.constant 16 : i32
          %shift_left3A_287 = vector.broadcast %shift_left3A_286 : i32 to vector<16xi32>
          %shift_left3A_288 = arith.shli %bitcast_convert_type3A_285, %shift_left3A_287 : vector<16xi32>
          %bitcast_convert_type3A_289 = tpu.bitcast %shift_left3A_288 : vector<16xi32> -> vector<16xf32>
          %and3A_290 = arith.constant -65536 : i32
          %and3A_291 = vector.broadcast %and3A_290 : i32 to vector<16xi32>
          %and3A_292 = arith.andi %bitcast_convert_type3A_285, %and3A_291 : vector<16xi32>
          %bitcast_convert_type3A_293 = tpu.bitcast %and3A_292 : vector<16xi32> -> vector<16xf32>
          %mul3A_294 = arith.mulf %mul3A_280, %bitcast_convert_type3A_289 : vector<16xf32>
          %add3A_295 = arith.addf %add3A_276, %mul3A_294 : vector<16xf32>
          %mul3A_296 = arith.mulf %mul3A_280, %bitcast_convert_type3A_293 : vector<16xf32>
          %add3A_297 = arith.addf %add3A_278, %mul3A_296 : vector<16xf32>
          %swap3A = arith.index_cast %sub3A_92 : i32 to index
          %swap3A_298 = arith.index_cast %mul3A_130 : i32 to index
          %swap3A_299 = tpu.vector_load %arg19[%swap3A, %swap3A_298] {strides = array<i32>} : memref<32x1024xf32, #tpu.memory_space<vmem>>, vector<16xf32>,
          tpu.vector_store %arg19[%swap3A, %swap3A_298], %add3A_295 {strides = array<i32>} : memref<32x1024xf32, #tpu.memory_space<vmem>>, vector<16xf32>,
          %add3A_300 = arith.constant 1 : i32
          %add3A_301 = arith.addi %sub3A_92, %add3A_300 : i32
          %swap3A_302 = arith.index_cast %add3A_301 : i32 to index
          %swap3A_303 = arith.index_cast %mul3A_130 : i32 to index
          %swap3A_304 = tpu.vector_load %arg19[%swap3A_302, %swap3A_303] {strides = array<i32>} : memref<32x1024xf32, #tpu.memory_space<vmem>>, vector<16xf32>,
          tpu.vector_store %arg19[%swap3A_302, %swap3A_303], %add3A_297 {strides = array<i32>} : memref<32x1024xf32, #tpu.memory_space<vmem>>, vector<16xf32>,
        }
        %scan3A_98 = arith.constant 64 : i32
        %add3A_99 = arith.constant 1 : i32
        %add3A_100 = arith.addi %add3A_72, %add3A_99 : i32
        %add3A_101 = arith.constant 4 : i32
        %add3A_102 = arith.addi %add3A_100, %add3A_101 : i32
        %shift_left3A_103 = arith.constant 1 : i32
        %shift_left3A_104 = arith.shli %shift_left3A_103, %add3A_102 : i32
        %convert_element_type3A_105 = arith.sitofp %shift_left3A_104 : i32 to f32
        %sub3A_106 = arith.constant 1.000000e+00 : f32
        %sub3A_107 = arith.subf %convert_element_type3A_105, %sub3A_106 : f32
        %mul3A_108 = arith.constant 524288 : i32
        %mul3A_109 = arith.muli %add3A_100, %mul3A_108 : i32
        %scan3A_110 = arith.constant 0 : i32
        %scan3A_111 = arith.constant 0 : i32
        %scan3A_112 = arith.constant 64 : i32
        %scan3A_113 = arith.addi %scan3A_111, %scan3A_112 : i32
        %scan3A_114 = arith.constant 1 : i32
        scf.for %scan3A_128 = %scan3A_111 to %scan3A_113 step %scan3A_114  : i32 {
          %mul3A_129 = arith.constant 16 : i32
          %mul3A_130 = arith.muli %scan3A_128, %mul3A_129 : i32
          %get3A = arith.index_cast %mul3A_130 : i32 to index
          %get3A_131 = tpu.vector_load %arg6[%get3A] {strides = array<i32>} : memref<1024xf32, #tpu.memory_space<vmem>>, vector<16xf32>,
          %mul3A_132 = vector.broadcast %sub3A_107 : f32 to vector<16xf32>
          %mul3A_133 = arith.mulf %get3A_131, %mul3A_132 : vector<16xf32>
          %add3A_134 = arith.constant 5.000000e-01 : f32
          %add3A_135 = vector.broadcast %add3A_134 : f32 to vector<16xf32>
          %add3A_136 = arith.addf %mul3A_133, %add3A_135 : vector<16xf32>
          %get3A_137 = arith.index_cast %mul3A_130 : i32 to index
          %get3A_138 = tpu.vector_load %arg7[%get3A_137] {strides = array<i32>} : memref<1024xf32, #tpu.memory_space<vmem>>, vector<16xf32>,
          %mul3A_139 = vector.broadcast %sub3A_107 : f32 to vector<16xf32>
          %mul3A_140 = arith.mulf %get3A_138, %mul3A_139 : vector<16xf32>
          %add3A_141 = arith.constant 5.000000e-01 : f32
          %add3A_142 = vector.broadcast %add3A_141 : f32 to vector<16xf32>
          %add3A_143 = arith.addf %mul3A_140, %add3A_142 : vector<16xf32>
          %get3A_144 = arith.index_cast %mul3A_130 : i32 to index
          %get3A_145 = tpu.vector_load %arg8[%get3A_144] {strides = array<i32>} : memref<1024xf32, #tpu.memory_space<vmem>>, vector<16xf32>,
          %mul3A_146 = vector.broadcast %sub3A_107 : f32 to vector<16xf32>
          %mul3A_147 = arith.mulf %get3A_145, %mul3A_146 : vector<16xf32>
          %add3A_148 = arith.constant 5.000000e-01 : f32
          %add3A_149 = vector.broadcast %add3A_148 : f32 to vector<16xf32>
          %add3A_150 = arith.addf %mul3A_147, %add3A_149 : vector<16xf32>
          %convert_element_type3A_151 = arith.fptoui %add3A_136 : vector<16xf32> to vector<16xi32>
          %convert_element_type3A_152 = arith.fptoui %add3A_143 : vector<16xf32> to vector<16xi32>
          %convert_element_type3A_153 = arith.fptoui %add3A_150 : vector<16xf32> to vector<16xi32>
          %convert_element_type3A_154 = arith.uitofp %convert_element_type3A_151 : vector<16xi32> to vector<16xf32>
          %sub3A_155 = arith.subf %add3A_136, %convert_element_type3A_154 : vector<16xf32>
          %convert_element_type3A_156 = arith.uitofp %convert_element_type3A_152 : vector<16xi32> to vector<16xf32>
          %sub3A_157 = arith.subf %add3A_143, %convert_element_type3A_156 : vector<16xf32>
          %convert_element_type3A_158 = arith.uitofp %convert_element_type3A_153 : vector<16xi32> to vector<16xf32>
          %sub3A_159 = arith.subf %add3A_150, %convert_element_type3A_158 : vector<16xf32>
          %swap3A = arith.index_cast %mul3A_130 : i32 to index
          %swap3A_160 = tpu.vector_load %arg12[%swap3A] {strides = array<i32>} : memref<1024xf32, #tpu.memory_space<vmem>>, vector<16xf32>,
          tpu.vector_store %arg12[%swap3A], %sub3A_155 {strides = array<i32>} : memref<1024xf32, #tpu.memory_space<vmem>>, vector<16xf32>,
          %swap3A_161 = arith.index_cast %mul3A_130 : i32 to index
          %swap3A_162 = tpu.vector_load %arg13[%swap3A_161] {strides = array<i32>} : memref<1024xf32, #tpu.memory_space<vmem>>, vector<16xf32>,
          tpu.vector_store %arg13[%swap3A_161], %sub3A_157 {strides = array<i32>} : memref<1024xf32, #tpu.memory_space<vmem>>, vector<16xf32>,
          %swap3A_163 = arith.index_cast %mul3A_130 : i32 to index
          %swap3A_164 = tpu.vector_load %arg14[%swap3A_163] {strides = array<i32>} : memref<1024xf32, #tpu.memory_space<vmem>>, vector<16xf32>,
          tpu.vector_store %arg14[%swap3A_163], %sub3A_159 {strides = array<i32>} : memref<1024xf32, #tpu.memory_space<vmem>>, vector<16xf32>,
          %mul3A_165 = arith.constant -1640531535 : i32
          %mul3A_166 = vector.broadcast %mul3A_165 : i32 to vector<16xi32>
          %mul3A_167 = arith.muli %convert_element_type3A_152, %mul3A_166 : vector<16xi32>
          %xor3A = arith.xori %convert_element_type3A_151, %mul3A_167 : vector<16xi32>
          %mul3A_168 = arith.constant 805459861 : i32
          %mul3A_169 = vector.broadcast %mul3A_168 : i32 to vector<16xi32>
          %mul3A_170 = arith.muli %convert_element_type3A_153, %mul3A_169 : vector<16xi32>
          %xor3A_171 = arith.xori %xor3A, %mul3A_170 : vector<16xi32>
          %and3A = arith.constant 524287 : i32
          %and3A_172 = vector.broadcast %and3A : i32 to vector<16xi32>
          %and3A_173 = arith.andi %xor3A_171, %and3A_172 : vector<16xi32>
          %add3A_174 = vector.broadcast %mul3A_109 : i32 to vector<16xi32>
          %add3A_175 = arith.addi %and3A_173, %add3A_174 : vector<16xi32>
          %add3A_176 = arith.constant 0 : i32
          %add3A_177 = arith.addi %add3A_176, %mul3A_130 : i32
          %swap3A_178 = arith.index_cast %add3A_177 : i32 to index
          %swap3A_179 = tpu.vector_load %arg16[%swap3A_178] {strides = array<i32>} : memref<8192xi32, #tpu.memory_space<vmem>>, vector<16xi32>,
          tpu.vector_store %arg16[%swap3A_178], %add3A_175 {strides = array<i32>} : memref<8192xi32, #tpu.memory_space<vmem>>, vector<16xi32>,
          %add3A_180 = arith.constant 1 : i32
          %add3A_181 = vector.broadcast %add3A_180 : i32 to vector<16xi32>
          %add3A_182 = arith.addi %convert_element_type3A_151, %add3A_181 : vector<16xi32>
          %mul3A_183 = arith.constant -1640531535 : i32
          %mul3A_184 = vector.broadcast %mul3A_183 : i32 to vector<16xi32>
          %mul3A_185 = arith.muli %convert_element_type3A_152, %mul3A_184 : vector<16xi32>
          %xor3A_186 = arith.xori %add3A_182, %mul3A_185 : vector<16xi32>
          %mul3A_187 = arith.constant 805459861 : i32
          %mul3A_188 = vector.broadcast %mul3A_187 : i32 to vector<16xi32>
          %mul3A_189 = arith.muli %convert_element_type3A_153, %mul3A_188 : vector<16xi32>
          %xor3A_190 = arith.xori %xor3A_186, %mul3A_189 : vector<16xi32>
          %and3A_191 = arith.constant 524287 : i32
          %and3A_192 = vector.broadcast %and3A_191 : i32 to vector<16xi32>
          %and3A_193 = arith.andi %xor3A_190, %and3A_192 : vector<16xi32>
          %add3A_194 = vector.broadcast %mul3A_109 : i32 to vector<16xi32>
          %add3A_195 = arith.addi %and3A_193, %add3A_194 : vector<16xi32>
          %add3A_196 = arith.constant 1024 : i32
          %add3A_197 = arith.addi %add3A_196, %mul3A_130 : i32
          %swap3A_198 = arith.index_cast %add3A_197 : i32 to index
          %swap3A_199 = tpu.vector_load %arg16[%swap3A_198] {strides = array<i32>} : memref<8192xi32, #tpu.memory_space<vmem>>, vector<16xi32>,
          tpu.vector_store %arg16[%swap3A_198], %add3A_195 {strides = array<i32>} : memref<8192xi32, #tpu.memory_space<vmem>>, vector<16xi32>,
          %add3A_200 = arith.constant 1 : i32
          %add3A_201 = vector.broadcast %add3A_200 : i32 to vector<16xi32>
          %add3A_202 = arith.addi %convert_element_type3A_152, %add3A_201 : vector<16xi32>
          %mul3A_203 = arith.constant -1640531535 : i32
          %mul3A_204 = vector.broadcast %mul3A_203 : i32 to vector<16xi32>
          %mul3A_205 = arith.muli %add3A_202, %mul3A_204 : vector<16xi32>
          %xor3A_206 = arith.xori %convert_element_type3A_151, %mul3A_205 : vector<16xi32>
          %mul3A_207 = arith.constant 805459861 : i32
          %mul3A_208 = vector.broadcast %mul3A_207 : i32 to vector<16xi32>
          %mul3A_209 = arith.muli %convert_element_type3A_153, %mul3A_208 : vector<16xi32>
          %xor3A_210 = arith.xori %xor3A_206, %mul3A_209 : vector<16xi32>
          %and3A_211 = arith.constant 524287 : i32
          %and3A_212 = vector.broadcast %and3A_211 : i32 to vector<16xi32>
          %and3A_213 = arith.andi %xor3A_210, %and3A_212 : vector<16xi32>
          %add3A_214 = vector.broadcast %mul3A_109 : i32 to vector<16xi32>
          %add3A_215 = arith.addi %and3A_213, %add3A_214 : vector<16xi32>
          %add3A_216 = arith.constant 2048 : i32
          %add3A_217 = arith.addi %add3A_216, %mul3A_130 : i32
          %swap3A_218 = arith.index_cast %add3A_217 : i32 to index
          %swap3A_219 = tpu.vector_load %arg16[%swap3A_218] {strides = array<i32>} : memref<8192xi32, #tpu.memory_space<vmem>>, vector<16xi32>,
          tpu.vector_store %arg16[%swap3A_218], %add3A_215 {strides = array<i32>} : memref<8192xi32, #tpu.memory_space<vmem>>, vector<16xi32>,
          %add3A_220 = arith.constant 1 : i32
          %add3A_221 = vector.broadcast %add3A_220 : i32 to vector<16xi32>
          %add3A_222 = arith.addi %convert_element_type3A_151, %add3A_221 : vector<16xi32>
          %add3A_223 = arith.constant 1 : i32
          %add3A_224 = vector.broadcast %add3A_223 : i32 to vector<16xi32>
          %add3A_225 = arith.addi %convert_element_type3A_152, %add3A_224 : vector<16xi32>
          %mul3A_226 = arith.constant -1640531535 : i32
          %mul3A_227 = vector.broadcast %mul3A_226 : i32 to vector<16xi32>
          %mul3A_228 = arith.muli %add3A_225, %mul3A_227 : vector<16xi32>
          %xor3A_229 = arith.xori %add3A_222, %mul3A_228 : vector<16xi32>
          %mul3A_230 = arith.constant 805459861 : i32
          %mul3A_231 = vector.broadcast %mul3A_230 : i32 to vector<16xi32>
          %mul3A_232 = arith.muli %convert_element_type3A_153, %mul3A_231 : vector<16xi32>
          %xor3A_233 = arith.xori %xor3A_229, %mul3A_232 : vector<16xi32>
          %and3A_234 = arith.constant 524287 : i32
          %and3A_235 = vector.broadcast %and3A_234 : i32 to vector<16xi32>
          %and3A_236 = arith.andi %xor3A_233, %and3A_235 : vector<16xi32>
          %add3A_237 = vector.broadcast %mul3A_109 : i32 to vector<16xi32>
          %add3A_238 = arith.addi %and3A_236, %add3A_237 : vector<16xi32>
          %add3A_239 = arith.constant 3072 : i32
          %add3A_240 = arith.addi %add3A_239, %mul3A_130 : i32
          %swap3A_241 = arith.index_cast %add3A_240 : i32 to index
          %swap3A_242 = tpu.vector_load %arg16[%swap3A_241] {strides = array<i32>} : memref<8192xi32, #tpu.memory_space<vmem>>, vector<16xi32>,
          tpu.vector_store %arg16[%swap3A_241], %add3A_238 {strides = array<i32>} : memref<8192xi32, #tpu.memory_space<vmem>>, vector<16xi32>,
          %add3A_243 = arith.constant 1 : i32
          %add3A_244 = vector.broadcast %add3A_243 : i32 to vector<16xi32>
          %add3A_245 = arith.addi %convert_element_type3A_153, %add3A_244 : vector<16xi32>
          %mul3A_246 = arith.constant -1640531535 : i32
          %mul3A_247 = vector.broadcast %mul3A_246 : i32 to vector<16xi32>
          %mul3A_248 = arith.muli %convert_element_type3A_152, %mul3A_247 : vector<16xi32>
          %xor3A_249 = arith.xori %convert_element_type3A_151, %mul3A_248 : vector<16xi32>
          %mul3A_250 = arith.constant 805459861 : i32
          %mul3A_251 = vector.broadcast %mul3A_250 : i32 to vector<16xi32>
          %mul3A_252 = arith.muli %add3A_245, %mul3A_251 : vector<16xi32>
          %xor3A_253 = arith.xori %xor3A_249, %mul3A_252 : vector<16xi32>
          %and3A_254 = arith.constant 524287 : i32
          %and3A_255 = vector.broadcast %and3A_254 : i32 to vector<16xi32>
          %and3A_256 = arith.andi %xor3A_253, %and3A_255 : vector<16xi32>
          %add3A_257 = vector.broadcast %mul3A_109 : i32 to vector<16xi32>
          %add3A_258 = arith.addi %and3A_256, %add3A_257 : vector<16xi32>
          %add3A_259 = arith.constant 4096 : i32
          %add3A_260 = arith.addi %add3A_259, %mul3A_130 : i32
          %swap3A_261 = arith.index_cast %add3A_260 : i32 to index
          %swap3A_262 = tpu.vector_load %arg16[%swap3A_261] {strides = array<i32>} : memref<8192xi32, #tpu.memory_space<vmem>>, vector<16xi32>,
          tpu.vector_store %arg16[%swap3A_261], %add3A_258 {strides = array<i32>} : memref<8192xi32, #tpu.memory_space<vmem>>, vector<16xi32>,
          %add3A_263 = arith.constant 1 : i32
          %add3A_264 = vector.broadcast %add3A_263 : i32 to vector<16xi32>
          %add3A_265 = arith.addi %convert_element_type3A_151, %add3A_264 : vector<16xi32>
          %add3A_266 = arith.constant 1 : i32
          %add3A_267 = vector.broadcast %add3A_266 : i32 to vector<16xi32>
          %add3A_268 = arith.addi %convert_element_type3A_153, %add3A_267 : vector<16xi32>
          %mul3A_269 = arith.constant -1640531535 : i32
          %mul3A_270 = vector.broadcast %mul3A_269 : i32 to vector<16xi32>
          %mul3A_271 = arith.muli %convert_element_type3A_152, %mul3A_270 : vector<16xi32>
          %xor3A_272 = arith.xori %add3A_265, %mul3A_271 : vector<16xi32>
          %mul3A_273 = arith.constant 805459861 : i32
          %mul3A_274 = vector.broadcast %mul3A_273 : i32 to vector<16xi32>
          %mul3A_275 = arith.muli %add3A_268, %mul3A_274 : vector<16xi32>
          %xor3A_276 = arith.xori %xor3A_272, %mul3A_275 : vector<16xi32>
          %and3A_277 = arith.constant 524287 : i32
          %and3A_278 = vector.broadcast %and3A_277 : i32 to vector<16xi32>
          %and3A_279 = arith.andi %xor3A_276, %and3A_278 : vector<16xi32>
          %add3A_280 = vector.broadcast %mul3A_109 : i32 to vector<16xi32>
          %add3A_281 = arith.addi %and3A_279, %add3A_280 : vector<16xi32>
          %add3A_282 = arith.constant 5120 : i32
          %add3A_283 = arith.addi %add3A_282, %mul3A_130 : i32
          %swap3A_284 = arith.index_cast %add3A_283 : i32 to index
          %swap3A_285 = tpu.vector_load %arg16[%swap3A_284] {strides = array<i32>} : memref<8192xi32, #tpu.memory_space<vmem>>, vector<16xi32>,
          tpu.vector_store %arg16[%swap3A_284], %add3A_281 {strides = array<i32>} : memref<8192xi32, #tpu.memory_space<vmem>>, vector<16xi32>,
          %add3A_286 = arith.constant 1 : i32
          %add3A_287 = vector.broadcast %add3A_286 : i32 to vector<16xi32>
          %add3A_288 = arith.addi %convert_element_type3A_152, %add3A_287 : vector<16xi32>
          %add3A_289 = arith.constant 1 : i32
          %add3A_290 = vector.broadcast %add3A_289 : i32 to vector<16xi32>
          %add3A_291 = arith.addi %convert_element_type3A_153, %add3A_290 : vector<16xi32>
          %mul3A_292 = arith.constant -1640531535 : i32
          %mul3A_293 = vector.broadcast %mul3A_292 : i32 to vector<16xi32>
          %mul3A_294 = arith.muli %add3A_288, %mul3A_293 : vector<16xi32>
          %xor3A_295 = arith.xori %convert_element_type3A_151, %mul3A_294 : vector<16xi32>
          %mul3A_296 = arith.constant 805459861 : i32
          %mul3A_297 = vector.broadcast %mul3A_296 : i32 to vector<16xi32>
          %mul3A_298 = arith.muli %add3A_291, %mul3A_297 : vector<16xi32>
          %xor3A_299 = arith.xori %xor3A_295, %mul3A_298 : vector<16xi32>
          %and3A_300 = arith.constant 524287 : i32
          %and3A_301 = vector.broadcast %and3A_300 : i32 to vector<16xi32>
          %and3A_302 = arith.andi %xor3A_299, %and3A_301 : vector<16xi32>
          %add3A_303 = vector.broadcast %mul3A_109 : i32 to vector<16xi32>
          %add3A_304 = arith.addi %and3A_302, %add3A_303 : vector<16xi32>
          %add3A_305 = arith.constant 6144 : i32
          %add3A_306 = arith.addi %add3A_305, %mul3A_130 : i32
          %swap3A_307 = arith.index_cast %add3A_306 : i32 to index
          %swap3A_308 = tpu.vector_load %arg16[%swap3A_307] {strides = array<i32>} : memref<8192xi32, #tpu.memory_space<vmem>>, vector<16xi32>,
          tpu.vector_store %arg16[%swap3A_307], %add3A_304 {strides = array<i32>} : memref<8192xi32, #tpu.memory_space<vmem>>, vector<16xi32>,
          %add3A_309 = arith.constant 1 : i32
          %add3A_310 = vector.broadcast %add3A_309 : i32 to vector<16xi32>
          %add3A_311 = arith.addi %convert_element_type3A_151, %add3A_310 : vector<16xi32>
          %add3A_312 = arith.constant 1 : i32
          %add3A_313 = vector.broadcast %add3A_312 : i32 to vector<16xi32>
          %add3A_314 = arith.addi %convert_element_type3A_152, %add3A_313 : vector<16xi32>
          %add3A_315 = arith.constant 1 : i32
          %add3A_316 = vector.broadcast %add3A_315 : i32 to vector<16xi32>
          %add3A_317 = arith.addi %convert_element_type3A_153, %add3A_316 : vector<16xi32>
          %mul3A_318 = arith.constant -1640531535 : i32
          %mul3A_319 = vector.broadcast %mul3A_318 : i32 to vector<16xi32>
          %mul3A_320 = arith.muli %add3A_314, %mul3A_319 : vector<16xi32>
          %xor3A_321 = arith.xori %add3A_311, %mul3A_320 : vector<16xi32>
          %mul3A_322 = arith.constant 805459861 : i32
          %mul3A_323 = vector.broadcast %mul3A_322 : i32 to vector<16xi32>
          %mul3A_324 = arith.muli %add3A_317, %mul3A_323 : vector<16xi32>
          %xor3A_325 = arith.xori %xor3A_321, %mul3A_324 : vector<16xi32>
          %and3A_326 = arith.constant 524287 : i32
          %and3A_327 = vector.broadcast %and3A_326 : i32 to vector<16xi32>
          %and3A_328 = arith.andi %xor3A_325, %and3A_327 : vector<16xi32>
          %add3A_329 = vector.broadcast %mul3A_109 : i32 to vector<16xi32>
          %add3A_330 = arith.addi %and3A_328, %add3A_329 : vector<16xi32>
          %add3A_331 = arith.constant 7168 : i32
          %add3A_332 = arith.addi %add3A_331, %mul3A_130 : i32
          %swap3A_333 = arith.index_cast %add3A_332 : i32 to index
          %swap3A_334 = tpu.vector_load %arg16[%swap3A_333] {strides = array<i32>} : memref<8192xi32, #tpu.memory_space<vmem>>, vector<16xi32>,
          tpu.vector_store %arg16[%swap3A_333], %add3A_330 {strides = array<i32>} : memref<8192xi32, #tpu.memory_space<vmem>>, vector<16xi32>,
        }
        %scan3A_115 = arith.constant 64 : i32
        %dma_start3A_116 = arith.constant 0 : i32
        %dma_start3A_117 = tpu.memref_slice %arg3[%dma_start3A_116] : memref<8388608xf32, #tpu.memory_space<hbm>> -> memref<8388608xf32, #tpu.memory_space<hbm>>
        tpu.enqueue_indirect_dma source(%dma_start3A_117 : memref<8388608xf32, #tpu.memory_space<hbm>>) target(%arg18 : memref<8192xf32, #tpu.memory_space<vmem>>) offsets(%arg16 : memref<8192xi32, #tpu.memory_space<vmem>>) semaphore(%arg23 : memref<!tpu.dma_semaphore, #tpu.memory_space<semaphore_mem>>)
        %dma_wait3A_118 = arith.constant 0 : i32
        %dma_wait3A_119 = tpu.memref_slice %arg3[%dma_wait3A_118] : memref<8388608xf32, #tpu.memory_space<hbm>> -> memref<8388608xf32, #tpu.memory_space<hbm>>
        tpu.wait_indirect_dma semaphore(%arg22 : memref<!tpu.dma_semaphore, #tpu.memory_space<semaphore_mem>>) src(%dma_wait3A_119 : memref<8388608xf32, #tpu.memory_space<hbm>>) dst(%arg17 : memref<8192xf32, #tpu.memory_space<vmem>>)
        %mul3A_120 = arith.constant 2 : i32
        %mul3A_121 = arith.muli %mul3A_120, %add3A_72 : i32
        %scan3A_122 = arith.constant 0 : i32
        %scan3A_123 = arith.constant 0 : i32
        %scan3A_124 = arith.constant 64 : i32
        %scan3A_125 = arith.addi %scan3A_123, %scan3A_124 : i32
        %scan3A_126 = arith.constant 1 : i32
        scf.for %scan3A_128 = %scan3A_123 to %scan3A_125 step %scan3A_126  : i32 {
          %mul3A_129 = arith.constant 16 : i32
          %mul3A_130 = arith.muli %scan3A_128, %mul3A_129 : i32
          %get3A = arith.index_cast %mul3A_130 : i32 to index
          %get3A_131 = tpu.vector_load %arg9[%get3A] {strides = array<i32>} : memref<1024xf32, #tpu.memory_space<vmem>>, vector<16xf32>,
          %get3A_132 = arith.index_cast %mul3A_130 : i32 to index
          %get3A_133 = tpu.vector_load %arg10[%get3A_132] {strides = array<i32>} : memref<1024xf32, #tpu.memory_space<vmem>>, vector<16xf32>,
          %get3A_134 = arith.index_cast %mul3A_130 : i32 to index
          %get3A_135 = tpu.vector_load %arg11[%get3A_134] {strides = array<i32>} : memref<1024xf32, #tpu.memory_space<vmem>>, vector<16xf32>,
          %sub3A_136 = arith.constant 1.000000e+00 : f32
          %sub3A_137 = vector.broadcast %sub3A_136 : f32 to vector<16xf32>
          %sub3A_138 = arith.subf %sub3A_137, %get3A_131 : vector<16xf32>
          %sub3A_139 = arith.constant 1.000000e+00 : f32
          %sub3A_140 = vector.broadcast %sub3A_139 : f32 to vector<16xf32>
          %sub3A_141 = arith.subf %sub3A_140, %get3A_133 : vector<16xf32>
          %sub3A_142 = arith.constant 1.000000e+00 : f32
          %sub3A_143 = vector.broadcast %sub3A_142 : f32 to vector<16xf32>
          %sub3A_144 = arith.subf %sub3A_143, %get3A_135 : vector<16xf32>
          %broadcast_in_dim3A = arith.constant 0.000000e+00 : f32
          %broadcast_in_dim3A_145 = vector.broadcast %broadcast_in_dim3A : f32 to vector<16xf32>
          %broadcast_in_dim3A_146 = arith.constant 0.000000e+00 : f32
          %broadcast_in_dim3A_147 = vector.broadcast %broadcast_in_dim3A_146 : f32 to vector<16xf32>
          %mul3A_148 = arith.mulf %sub3A_138, %sub3A_141 : vector<16xf32>
          %mul3A_149 = arith.mulf %mul3A_148, %sub3A_144 : vector<16xf32>
          %add3A_150 = arith.constant 0 : i32
          %add3A_151 = arith.addi %add3A_150, %mul3A_130 : i32
          %get3A_152 = arith.index_cast %add3A_151 : i32 to index
          %get3A_153 = tpu.vector_load %arg17[%get3A_152] {strides = array<i32>} : memref<8192xf32, #tpu.memory_space<vmem>>, vector<16xf32>,
          %bitcast_convert_type3A = tpu.bitcast %get3A_153 : vector<16xf32> -> vector<16xi32>
          %shift_left3A_154 = arith.constant 16 : i32
          %shift_left3A_155 = vector.broadcast %shift_left3A_154 : i32 to vector<16xi32>
          %shift_left3A_156 = arith.shli %bitcast_convert_type3A, %shift_left3A_155 : vector<16xi32>
          %bitcast_convert_type3A_157 = tpu.bitcast %shift_left3A_156 : vector<16xi32> -> vector<16xf32>
          %and3A = arith.constant -65536 : i32
          %and3A_158 = vector.broadcast %and3A : i32 to vector<16xi32>
          %and3A_159 = arith.andi %bitcast_convert_type3A, %and3A_158 : vector<16xi32>
          %bitcast_convert_type3A_160 = tpu.bitcast %and3A_159 : vector<16xi32> -> vector<16xf32>
          %mul3A_161 = arith.mulf %mul3A_149, %bitcast_convert_type3A_157 : vector<16xf32>
          %add3A_162 = arith.addf %broadcast_in_dim3A_145, %mul3A_161 : vector<16xf32>
          %mul3A_163 = arith.mulf %mul3A_149, %bitcast_convert_type3A_160 : vector<16xf32>
          %add3A_164 = arith.addf %broadcast_in_dim3A_147, %mul3A_163 : vector<16xf32>
          %mul3A_165 = arith.mulf %get3A_131, %sub3A_141 : vector<16xf32>
          %mul3A_166 = arith.mulf %mul3A_165, %sub3A_144 : vector<16xf32>
          %add3A_167 = arith.constant 1024 : i32
          %add3A_168 = arith.addi %add3A_167, %mul3A_130 : i32
          %get3A_169 = arith.index_cast %add3A_168 : i32 to index
          %get3A_170 = tpu.vector_load %arg17[%get3A_169] {strides = array<i32>} : memref<8192xf32, #tpu.memory_space<vmem>>, vector<16xf32>,
          %bitcast_convert_type3A_171 = tpu.bitcast %get3A_170 : vector<16xf32> -> vector<16xi32>
          %shift_left3A_172 = arith.constant 16 : i32
          %shift_left3A_173 = vector.broadcast %shift_left3A_172 : i32 to vector<16xi32>
          %shift_left3A_174 = arith.shli %bitcast_convert_type3A_171, %shift_left3A_173 : vector<16xi32>
          %bitcast_convert_type3A_175 = tpu.bitcast %shift_left3A_174 : vector<16xi32> -> vector<16xf32>
          %and3A_176 = arith.constant -65536 : i32
          %and3A_177 = vector.broadcast %and3A_176 : i32 to vector<16xi32>
          %and3A_178 = arith.andi %bitcast_convert_type3A_171, %and3A_177 : vector<16xi32>
          %bitcast_convert_type3A_179 = tpu.bitcast %and3A_178 : vector<16xi32> -> vector<16xf32>
          %mul3A_180 = arith.mulf %mul3A_166, %bitcast_convert_type3A_175 : vector<16xf32>
          %add3A_181 = arith.addf %add3A_162, %mul3A_180 : vector<16xf32>
          %mul3A_182 = arith.mulf %mul3A_166, %bitcast_convert_type3A_179 : vector<16xf32>
          %add3A_183 = arith.addf %add3A_164, %mul3A_182 : vector<16xf32>
          %mul3A_184 = arith.mulf %sub3A_138, %get3A_133 : vector<16xf32>
          %mul3A_185 = arith.mulf %mul3A_184, %sub3A_144 : vector<16xf32>
          %add3A_186 = arith.constant 2048 : i32
          %add3A_187 = arith.addi %add3A_186, %mul3A_130 : i32
          %get3A_188 = arith.index_cast %add3A_187 : i32 to index
          %get3A_189 = tpu.vector_load %arg17[%get3A_188] {strides = array<i32>} : memref<8192xf32, #tpu.memory_space<vmem>>, vector<16xf32>,
          %bitcast_convert_type3A_190 = tpu.bitcast %get3A_189 : vector<16xf32> -> vector<16xi32>
          %shift_left3A_191 = arith.constant 16 : i32
          %shift_left3A_192 = vector.broadcast %shift_left3A_191 : i32 to vector<16xi32>
          %shift_left3A_193 = arith.shli %bitcast_convert_type3A_190, %shift_left3A_192 : vector<16xi32>
          %bitcast_convert_type3A_194 = tpu.bitcast %shift_left3A_193 : vector<16xi32> -> vector<16xf32>
          %and3A_195 = arith.constant -65536 : i32
          %and3A_196 = vector.broadcast %and3A_195 : i32 to vector<16xi32>
          %and3A_197 = arith.andi %bitcast_convert_type3A_190, %and3A_196 : vector<16xi32>
          %bitcast_convert_type3A_198 = tpu.bitcast %and3A_197 : vector<16xi32> -> vector<16xf32>
          %mul3A_199 = arith.mulf %mul3A_185, %bitcast_convert_type3A_194 : vector<16xf32>
          %add3A_200 = arith.addf %add3A_181, %mul3A_199 : vector<16xf32>
          %mul3A_201 = arith.mulf %mul3A_185, %bitcast_convert_type3A_198 : vector<16xf32>
          %add3A_202 = arith.addf %add3A_183, %mul3A_201 : vector<16xf32>
          %mul3A_203 = arith.mulf %get3A_131, %get3A_133 : vector<16xf32>
          %mul3A_204 = arith.mulf %mul3A_203, %sub3A_144 : vector<16xf32>
          %add3A_205 = arith.constant 3072 : i32
          %add3A_206 = arith.addi %add3A_205, %mul3A_130 : i32
          %get3A_207 = arith.index_cast %add3A_206 : i32 to index
          %get3A_208 = tpu.vector_load %arg17[%get3A_207] {strides = array<i32>} : memref<8192xf32, #tpu.memory_space<vmem>>, vector<16xf32>,
          %bitcast_convert_type3A_209 = tpu.bitcast %get3A_208 : vector<16xf32> -> vector<16xi32>
          %shift_left3A_210 = arith.constant 16 : i32
          %shift_left3A_211 = vector.broadcast %shift_left3A_210 : i32 to vector<16xi32>
          %shift_left3A_212 = arith.shli %bitcast_convert_type3A_209, %shift_left3A_211 : vector<16xi32>
          %bitcast_convert_type3A_213 = tpu.bitcast %shift_left3A_212 : vector<16xi32> -> vector<16xf32>
          %and3A_214 = arith.constant -65536 : i32
          %and3A_215 = vector.broadcast %and3A_214 : i32 to vector<16xi32>
          %and3A_216 = arith.andi %bitcast_convert_type3A_209, %and3A_215 : vector<16xi32>
          %bitcast_convert_type3A_217 = tpu.bitcast %and3A_216 : vector<16xi32> -> vector<16xf32>
          %mul3A_218 = arith.mulf %mul3A_204, %bitcast_convert_type3A_213 : vector<16xf32>
          %add3A_219 = arith.addf %add3A_200, %mul3A_218 : vector<16xf32>
          %mul3A_220 = arith.mulf %mul3A_204, %bitcast_convert_type3A_217 : vector<16xf32>
          %add3A_221 = arith.addf %add3A_202, %mul3A_220 : vector<16xf32>
          %mul3A_222 = arith.mulf %sub3A_138, %sub3A_141 : vector<16xf32>
          %mul3A_223 = arith.mulf %mul3A_222, %get3A_135 : vector<16xf32>
          %add3A_224 = arith.constant 4096 : i32
          %add3A_225 = arith.addi %add3A_224, %mul3A_130 : i32
          %get3A_226 = arith.index_cast %add3A_225 : i32 to index
          %get3A_227 = tpu.vector_load %arg17[%get3A_226] {strides = array<i32>} : memref<8192xf32, #tpu.memory_space<vmem>>, vector<16xf32>,
          %bitcast_convert_type3A_228 = tpu.bitcast %get3A_227 : vector<16xf32> -> vector<16xi32>
          %shift_left3A_229 = arith.constant 16 : i32
          %shift_left3A_230 = vector.broadcast %shift_left3A_229 : i32 to vector<16xi32>
          %shift_left3A_231 = arith.shli %bitcast_convert_type3A_228, %shift_left3A_230 : vector<16xi32>
          %bitcast_convert_type3A_232 = tpu.bitcast %shift_left3A_231 : vector<16xi32> -> vector<16xf32>
          %and3A_233 = arith.constant -65536 : i32
          %and3A_234 = vector.broadcast %and3A_233 : i32 to vector<16xi32>
          %and3A_235 = arith.andi %bitcast_convert_type3A_228, %and3A_234 : vector<16xi32>
          %bitcast_convert_type3A_236 = tpu.bitcast %and3A_235 : vector<16xi32> -> vector<16xf32>
          %mul3A_237 = arith.mulf %mul3A_223, %bitcast_convert_type3A_232 : vector<16xf32>
          %add3A_238 = arith.addf %add3A_219, %mul3A_237 : vector<16xf32>
          %mul3A_239 = arith.mulf %mul3A_223, %bitcast_convert_type3A_236 : vector<16xf32>
          %add3A_240 = arith.addf %add3A_221, %mul3A_239 : vector<16xf32>
          %mul3A_241 = arith.mulf %get3A_131, %sub3A_141 : vector<16xf32>
          %mul3A_242 = arith.mulf %mul3A_241, %get3A_135 : vector<16xf32>
          %add3A_243 = arith.constant 5120 : i32
          %add3A_244 = arith.addi %add3A_243, %mul3A_130 : i32
          %get3A_245 = arith.index_cast %add3A_244 : i32 to index
          %get3A_246 = tpu.vector_load %arg17[%get3A_245] {strides = array<i32>} : memref<8192xf32, #tpu.memory_space<vmem>>, vector<16xf32>,
          %bitcast_convert_type3A_247 = tpu.bitcast %get3A_246 : vector<16xf32> -> vector<16xi32>
          %shift_left3A_248 = arith.constant 16 : i32
          %shift_left3A_249 = vector.broadcast %shift_left3A_248 : i32 to vector<16xi32>
          %shift_left3A_250 = arith.shli %bitcast_convert_type3A_247, %shift_left3A_249 : vector<16xi32>
          %bitcast_convert_type3A_251 = tpu.bitcast %shift_left3A_250 : vector<16xi32> -> vector<16xf32>
          %and3A_252 = arith.constant -65536 : i32
          %and3A_253 = vector.broadcast %and3A_252 : i32 to vector<16xi32>
          %and3A_254 = arith.andi %bitcast_convert_type3A_247, %and3A_253 : vector<16xi32>
          %bitcast_convert_type3A_255 = tpu.bitcast %and3A_254 : vector<16xi32> -> vector<16xf32>
          %mul3A_256 = arith.mulf %mul3A_242, %bitcast_convert_type3A_251 : vector<16xf32>
          %add3A_257 = arith.addf %add3A_238, %mul3A_256 : vector<16xf32>
          %mul3A_258 = arith.mulf %mul3A_242, %bitcast_convert_type3A_255 : vector<16xf32>
          %add3A_259 = arith.addf %add3A_240, %mul3A_258 : vector<16xf32>
          %mul3A_260 = arith.mulf %sub3A_138, %get3A_133 : vector<16xf32>
          %mul3A_261 = arith.mulf %mul3A_260, %get3A_135 : vector<16xf32>
          %add3A_262 = arith.constant 6144 : i32
          %add3A_263 = arith.addi %add3A_262, %mul3A_130 : i32
          %get3A_264 = arith.index_cast %add3A_263 : i32 to index
          %get3A_265 = tpu.vector_load %arg17[%get3A_264] {strides = array<i32>} : memref<8192xf32, #tpu.memory_space<vmem>>, vector<16xf32>,
          %bitcast_convert_type3A_266 = tpu.bitcast %get3A_265 : vector<16xf32> -> vector<16xi32>
          %shift_left3A_267 = arith.constant 16 : i32
          %shift_left3A_268 = vector.broadcast %shift_left3A_267 : i32 to vector<16xi32>
          %shift_left3A_269 = arith.shli %bitcast_convert_type3A_266, %shift_left3A_268 : vector<16xi32>
          %bitcast_convert_type3A_270 = tpu.bitcast %shift_left3A_269 : vector<16xi32> -> vector<16xf32>
          %and3A_271 = arith.constant -65536 : i32
          %and3A_272 = vector.broadcast %and3A_271 : i32 to vector<16xi32>
          %and3A_273 = arith.andi %bitcast_convert_type3A_266, %and3A_272 : vector<16xi32>
          %bitcast_convert_type3A_274 = tpu.bitcast %and3A_273 : vector<16xi32> -> vector<16xf32>
          %mul3A_275 = arith.mulf %mul3A_261, %bitcast_convert_type3A_270 : vector<16xf32>
          %add3A_276 = arith.addf %add3A_257, %mul3A_275 : vector<16xf32>
          %mul3A_277 = arith.mulf %mul3A_261, %bitcast_convert_type3A_274 : vector<16xf32>
          %add3A_278 = arith.addf %add3A_259, %mul3A_277 : vector<16xf32>
          %mul3A_279 = arith.mulf %get3A_131, %get3A_133 : vector<16xf32>
          %mul3A_280 = arith.mulf %mul3A_279, %get3A_135 : vector<16xf32>
          %add3A_281 = arith.constant 7168 : i32
          %add3A_282 = arith.addi %add3A_281, %mul3A_130 : i32
          %get3A_283 = arith.index_cast %add3A_282 : i32 to index
          %get3A_284 = tpu.vector_load %arg17[%get3A_283] {strides = array<i32>} : memref<8192xf32, #tpu.memory_space<vmem>>, vector<16xf32>,
          %bitcast_convert_type3A_285 = tpu.bitcast %get3A_284 : vector<16xf32> -> vector<16xi32>
          %shift_left3A_286 = arith.constant 16 : i32
          %shift_left3A_287 = vector.broadcast %shift_left3A_286 : i32 to vector<16xi32>
          %shift_left3A_288 = arith.shli %bitcast_convert_type3A_285, %shift_left3A_287 : vector<16xi32>
          %bitcast_convert_type3A_289 = tpu.bitcast %shift_left3A_288 : vector<16xi32> -> vector<16xf32>
          %and3A_290 = arith.constant -65536 : i32
          %and3A_291 = vector.broadcast %and3A_290 : i32 to vector<16xi32>
          %and3A_292 = arith.andi %bitcast_convert_type3A_285, %and3A_291 : vector<16xi32>
          %bitcast_convert_type3A_293 = tpu.bitcast %and3A_292 : vector<16xi32> -> vector<16xf32>
          %mul3A_294 = arith.mulf %mul3A_280, %bitcast_convert_type3A_289 : vector<16xf32>
          %add3A_295 = arith.addf %add3A_276, %mul3A_294 : vector<16xf32>
          %mul3A_296 = arith.mulf %mul3A_280, %bitcast_convert_type3A_293 : vector<16xf32>
          %add3A_297 = arith.addf %add3A_278, %mul3A_296 : vector<16xf32>
          %swap3A = arith.index_cast %mul3A_121 : i32 to index
          %swap3A_298 = arith.index_cast %mul3A_130 : i32 to index
          %swap3A_299 = tpu.vector_load %arg19[%swap3A, %swap3A_298] {strides = array<i32>} : memref<32x1024xf32, #tpu.memory_space<vmem>>, vector<16xf32>,
          tpu.vector_store %arg19[%swap3A, %swap3A_298], %add3A_295 {strides = array<i32>} : memref<32x1024xf32, #tpu.memory_space<vmem>>, vector<16xf32>,
          %add3A_300 = arith.constant 1 : i32
          %add3A_301 = arith.addi %mul3A_121, %add3A_300 : i32
          %swap3A_302 = arith.index_cast %add3A_301 : i32 to index
          %swap3A_303 = arith.index_cast %mul3A_130 : i32 to index
          %swap3A_304 = tpu.vector_load %arg19[%swap3A_302, %swap3A_303] {strides = array<i32>} : memref<32x1024xf32, #tpu.memory_space<vmem>>, vector<16xf32>,
          tpu.vector_store %arg19[%swap3A_302, %swap3A_303], %add3A_297 {strides = array<i32>} : memref<32x1024xf32, #tpu.memory_space<vmem>>, vector<16xf32>,
        }
        %scan3A_127 = arith.constant 64 : i32
      }
      %scan3A_59 = arith.constant 6 : i32
      %dma_wait3A_60 = arith.constant 0 : i32
      %dma_wait3A_61 = tpu.memref_slice %arg3[%dma_wait3A_60] : memref<8388608xf32, #tpu.memory_space<hbm>> -> memref<8388608xf32, #tpu.memory_space<hbm>>
      tpu.wait_indirect_dma semaphore(%arg23 : memref<!tpu.dma_semaphore, #tpu.memory_space<semaphore_mem>>) src(%dma_wait3A_61 : memref<8388608xf32, #tpu.memory_space<hbm>>) dst(%arg18 : memref<8192xf32, #tpu.memory_space<vmem>>)
      %scan3A_62 = arith.constant 0 : i32
      %scan3A_63 = arith.constant 0 : i32
      %scan3A_64 = arith.constant 64 : i32
      %scan3A_65 = arith.addi %scan3A_63, %scan3A_64 : i32
      %scan3A_66 = arith.constant 1 : i32
      scf.for %scan3A_68 = %scan3A_63 to %scan3A_65 step %scan3A_66  : i32 {
        %mul3A_69 = arith.constant 16 : i32
        %mul3A_70 = arith.muli %scan3A_68, %mul3A_69 : i32
        %get3A = arith.index_cast %mul3A_70 : i32 to index
        %get3A_71 = tpu.vector_load %arg12[%get3A] {strides = array<i32>} : memref<1024xf32, #tpu.memory_space<vmem>>, vector<16xf32>,
        %get3A_72 = arith.index_cast %mul3A_70 : i32 to index
        %get3A_73 = tpu.vector_load %arg13[%get3A_72] {strides = array<i32>} : memref<1024xf32, #tpu.memory_space<vmem>>, vector<16xf32>,
        %get3A_74 = arith.index_cast %mul3A_70 : i32 to index
        %get3A_75 = tpu.vector_load %arg14[%get3A_74] {strides = array<i32>} : memref<1024xf32, #tpu.memory_space<vmem>>, vector<16xf32>,
        %sub3A = arith.constant 1.000000e+00 : f32
        %sub3A_76 = vector.broadcast %sub3A : f32 to vector<16xf32>
        %sub3A_77 = arith.subf %sub3A_76, %get3A_71 : vector<16xf32>
        %sub3A_78 = arith.constant 1.000000e+00 : f32
        %sub3A_79 = vector.broadcast %sub3A_78 : f32 to vector<16xf32>
        %sub3A_80 = arith.subf %sub3A_79, %get3A_73 : vector<16xf32>
        %sub3A_81 = arith.constant 1.000000e+00 : f32
        %sub3A_82 = vector.broadcast %sub3A_81 : f32 to vector<16xf32>
        %sub3A_83 = arith.subf %sub3A_82, %get3A_75 : vector<16xf32>
        %broadcast_in_dim3A = arith.constant 0.000000e+00 : f32
        %broadcast_in_dim3A_84 = vector.broadcast %broadcast_in_dim3A : f32 to vector<16xf32>
        %broadcast_in_dim3A_85 = arith.constant 0.000000e+00 : f32
        %broadcast_in_dim3A_86 = vector.broadcast %broadcast_in_dim3A_85 : f32 to vector<16xf32>
        %mul3A_87 = arith.mulf %sub3A_77, %sub3A_80 : vector<16xf32>
        %mul3A_88 = arith.mulf %mul3A_87, %sub3A_83 : vector<16xf32>
        %add3A_89 = arith.constant 0 : i32
        %add3A_90 = arith.addi %add3A_89, %mul3A_70 : i32
        %get3A_91 = arith.index_cast %add3A_90 : i32 to index
        %get3A_92 = tpu.vector_load %arg18[%get3A_91] {strides = array<i32>} : memref<8192xf32, #tpu.memory_space<vmem>>, vector<16xf32>,
        %bitcast_convert_type3A = tpu.bitcast %get3A_92 : vector<16xf32> -> vector<16xi32>
        %shift_left3A = arith.constant 16 : i32
        %shift_left3A_93 = vector.broadcast %shift_left3A : i32 to vector<16xi32>
        %shift_left3A_94 = arith.shli %bitcast_convert_type3A, %shift_left3A_93 : vector<16xi32>
        %bitcast_convert_type3A_95 = tpu.bitcast %shift_left3A_94 : vector<16xi32> -> vector<16xf32>
        %and3A = arith.constant -65536 : i32
        %and3A_96 = vector.broadcast %and3A : i32 to vector<16xi32>
        %and3A_97 = arith.andi %bitcast_convert_type3A, %and3A_96 : vector<16xi32>
        %bitcast_convert_type3A_98 = tpu.bitcast %and3A_97 : vector<16xi32> -> vector<16xf32>
        %mul3A_99 = arith.mulf %mul3A_88, %bitcast_convert_type3A_95 : vector<16xf32>
        %add3A_100 = arith.addf %broadcast_in_dim3A_84, %mul3A_99 : vector<16xf32>
        %mul3A_101 = arith.mulf %mul3A_88, %bitcast_convert_type3A_98 : vector<16xf32>
        %add3A_102 = arith.addf %broadcast_in_dim3A_86, %mul3A_101 : vector<16xf32>
        %mul3A_103 = arith.mulf %get3A_71, %sub3A_80 : vector<16xf32>
        %mul3A_104 = arith.mulf %mul3A_103, %sub3A_83 : vector<16xf32>
        %add3A_105 = arith.constant 1024 : i32
        %add3A_106 = arith.addi %add3A_105, %mul3A_70 : i32
        %get3A_107 = arith.index_cast %add3A_106 : i32 to index
        %get3A_108 = tpu.vector_load %arg18[%get3A_107] {strides = array<i32>} : memref<8192xf32, #tpu.memory_space<vmem>>, vector<16xf32>,
        %bitcast_convert_type3A_109 = tpu.bitcast %get3A_108 : vector<16xf32> -> vector<16xi32>
        %shift_left3A_110 = arith.constant 16 : i32
        %shift_left3A_111 = vector.broadcast %shift_left3A_110 : i32 to vector<16xi32>
        %shift_left3A_112 = arith.shli %bitcast_convert_type3A_109, %shift_left3A_111 : vector<16xi32>
        %bitcast_convert_type3A_113 = tpu.bitcast %shift_left3A_112 : vector<16xi32> -> vector<16xf32>
        %and3A_114 = arith.constant -65536 : i32
        %and3A_115 = vector.broadcast %and3A_114 : i32 to vector<16xi32>
        %and3A_116 = arith.andi %bitcast_convert_type3A_109, %and3A_115 : vector<16xi32>
        %bitcast_convert_type3A_117 = tpu.bitcast %and3A_116 : vector<16xi32> -> vector<16xf32>
        %mul3A_118 = arith.mulf %mul3A_104, %bitcast_convert_type3A_113 : vector<16xf32>
        %add3A_119 = arith.addf %add3A_100, %mul3A_118 : vector<16xf32>
        %mul3A_120 = arith.mulf %mul3A_104, %bitcast_convert_type3A_117 : vector<16xf32>
        %add3A_121 = arith.addf %add3A_102, %mul3A_120 : vector<16xf32>
        %mul3A_122 = arith.mulf %sub3A_77, %get3A_73 : vector<16xf32>
        %mul3A_123 = arith.mulf %mul3A_122, %sub3A_83 : vector<16xf32>
        %add3A_124 = arith.constant 2048 : i32
        %add3A_125 = arith.addi %add3A_124, %mul3A_70 : i32
        %get3A_126 = arith.index_cast %add3A_125 : i32 to index
        %get3A_127 = tpu.vector_load %arg18[%get3A_126] {strides = array<i32>} : memref<8192xf32, #tpu.memory_space<vmem>>, vector<16xf32>,
        %bitcast_convert_type3A_128 = tpu.bitcast %get3A_127 : vector<16xf32> -> vector<16xi32>
        %shift_left3A_129 = arith.constant 16 : i32
        %shift_left3A_130 = vector.broadcast %shift_left3A_129 : i32 to vector<16xi32>
        %shift_left3A_131 = arith.shli %bitcast_convert_type3A_128, %shift_left3A_130 : vector<16xi32>
        %bitcast_convert_type3A_132 = tpu.bitcast %shift_left3A_131 : vector<16xi32> -> vector<16xf32>
        %and3A_133 = arith.constant -65536 : i32
        %and3A_134 = vector.broadcast %and3A_133 : i32 to vector<16xi32>
        %and3A_135 = arith.andi %bitcast_convert_type3A_128, %and3A_134 : vector<16xi32>
        %bitcast_convert_type3A_136 = tpu.bitcast %and3A_135 : vector<16xi32> -> vector<16xf32>
        %mul3A_137 = arith.mulf %mul3A_123, %bitcast_convert_type3A_132 : vector<16xf32>
        %add3A_138 = arith.addf %add3A_119, %mul3A_137 : vector<16xf32>
        %mul3A_139 = arith.mulf %mul3A_123, %bitcast_convert_type3A_136 : vector<16xf32>
        %add3A_140 = arith.addf %add3A_121, %mul3A_139 : vector<16xf32>
        %mul3A_141 = arith.mulf %get3A_71, %get3A_73 : vector<16xf32>
        %mul3A_142 = arith.mulf %mul3A_141, %sub3A_83 : vector<16xf32>
        %add3A_143 = arith.constant 3072 : i32
        %add3A_144 = arith.addi %add3A_143, %mul3A_70 : i32
        %get3A_145 = arith.index_cast %add3A_144 : i32 to index
        %get3A_146 = tpu.vector_load %arg18[%get3A_145] {strides = array<i32>} : memref<8192xf32, #tpu.memory_space<vmem>>, vector<16xf32>,
        %bitcast_convert_type3A_147 = tpu.bitcast %get3A_146 : vector<16xf32> -> vector<16xi32>
        %shift_left3A_148 = arith.constant 16 : i32
        %shift_left3A_149 = vector.broadcast %shift_left3A_148 : i32 to vector<16xi32>
        %shift_left3A_150 = arith.shli %bitcast_convert_type3A_147, %shift_left3A_149 : vector<16xi32>
        %bitcast_convert_type3A_151 = tpu.bitcast %shift_left3A_150 : vector<16xi32> -> vector<16xf32>
        %and3A_152 = arith.constant -65536 : i32
        %and3A_153 = vector.broadcast %and3A_152 : i32 to vector<16xi32>
        %and3A_154 = arith.andi %bitcast_convert_type3A_147, %and3A_153 : vector<16xi32>
        %bitcast_convert_type3A_155 = tpu.bitcast %and3A_154 : vector<16xi32> -> vector<16xf32>
        %mul3A_156 = arith.mulf %mul3A_142, %bitcast_convert_type3A_151 : vector<16xf32>
        %add3A_157 = arith.addf %add3A_138, %mul3A_156 : vector<16xf32>
        %mul3A_158 = arith.mulf %mul3A_142, %bitcast_convert_type3A_155 : vector<16xf32>
        %add3A_159 = arith.addf %add3A_140, %mul3A_158 : vector<16xf32>
        %mul3A_160 = arith.mulf %sub3A_77, %sub3A_80 : vector<16xf32>
        %mul3A_161 = arith.mulf %mul3A_160, %get3A_75 : vector<16xf32>
        %add3A_162 = arith.constant 4096 : i32
        %add3A_163 = arith.addi %add3A_162, %mul3A_70 : i32
        %get3A_164 = arith.index_cast %add3A_163 : i32 to index
        %get3A_165 = tpu.vector_load %arg18[%get3A_164] {strides = array<i32>} : memref<8192xf32, #tpu.memory_space<vmem>>, vector<16xf32>,
        %bitcast_convert_type3A_166 = tpu.bitcast %get3A_165 : vector<16xf32> -> vector<16xi32>
        %shift_left3A_167 = arith.constant 16 : i32
        %shift_left3A_168 = vector.broadcast %shift_left3A_167 : i32 to vector<16xi32>
        %shift_left3A_169 = arith.shli %bitcast_convert_type3A_166, %shift_left3A_168 : vector<16xi32>
        %bitcast_convert_type3A_170 = tpu.bitcast %shift_left3A_169 : vector<16xi32> -> vector<16xf32>
        %and3A_171 = arith.constant -65536 : i32
        %and3A_172 = vector.broadcast %and3A_171 : i32 to vector<16xi32>
        %and3A_173 = arith.andi %bitcast_convert_type3A_166, %and3A_172 : vector<16xi32>
        %bitcast_convert_type3A_174 = tpu.bitcast %and3A_173 : vector<16xi32> -> vector<16xf32>
        %mul3A_175 = arith.mulf %mul3A_161, %bitcast_convert_type3A_170 : vector<16xf32>
        %add3A_176 = arith.addf %add3A_157, %mul3A_175 : vector<16xf32>
        %mul3A_177 = arith.mulf %mul3A_161, %bitcast_convert_type3A_174 : vector<16xf32>
        %add3A_178 = arith.addf %add3A_159, %mul3A_177 : vector<16xf32>
        %mul3A_179 = arith.mulf %get3A_71, %sub3A_80 : vector<16xf32>
        %mul3A_180 = arith.mulf %mul3A_179, %get3A_75 : vector<16xf32>
        %add3A_181 = arith.constant 5120 : i32
        %add3A_182 = arith.addi %add3A_181, %mul3A_70 : i32
        %get3A_183 = arith.index_cast %add3A_182 : i32 to index
        %get3A_184 = tpu.vector_load %arg18[%get3A_183] {strides = array<i32>} : memref<8192xf32, #tpu.memory_space<vmem>>, vector<16xf32>,
        %bitcast_convert_type3A_185 = tpu.bitcast %get3A_184 : vector<16xf32> -> vector<16xi32>
        %shift_left3A_186 = arith.constant 16 : i32
        %shift_left3A_187 = vector.broadcast %shift_left3A_186 : i32 to vector<16xi32>
        %shift_left3A_188 = arith.shli %bitcast_convert_type3A_185, %shift_left3A_187 : vector<16xi32>
        %bitcast_convert_type3A_189 = tpu.bitcast %shift_left3A_188 : vector<16xi32> -> vector<16xf32>
        %and3A_190 = arith.constant -65536 : i32
        %and3A_191 = vector.broadcast %and3A_190 : i32 to vector<16xi32>
        %and3A_192 = arith.andi %bitcast_convert_type3A_185, %and3A_191 : vector<16xi32>
        %bitcast_convert_type3A_193 = tpu.bitcast %and3A_192 : vector<16xi32> -> vector<16xf32>
        %mul3A_194 = arith.mulf %mul3A_180, %bitcast_convert_type3A_189 : vector<16xf32>
        %add3A_195 = arith.addf %add3A_176, %mul3A_194 : vector<16xf32>
        %mul3A_196 = arith.mulf %mul3A_180, %bitcast_convert_type3A_193 : vector<16xf32>
        %add3A_197 = arith.addf %add3A_178, %mul3A_196 : vector<16xf32>
        %mul3A_198 = arith.mulf %sub3A_77, %get3A_73 : vector<16xf32>
        %mul3A_199 = arith.mulf %mul3A_198, %get3A_75 : vector<16xf32>
        %add3A_200 = arith.constant 6144 : i32
        %add3A_201 = arith.addi %add3A_200, %mul3A_70 : i32
        %get3A_202 = arith.index_cast %add3A_201 : i32 to index
        %get3A_203 = tpu.vector_load %arg18[%get3A_202] {strides = array<i32>} : memref<8192xf32, #tpu.memory_space<vmem>>, vector<16xf32>,
        %bitcast_convert_type3A_204 = tpu.bitcast %get3A_203 : vector<16xf32> -> vector<16xi32>
        %shift_left3A_205 = arith.constant 16 : i32
        %shift_left3A_206 = vector.broadcast %shift_left3A_205 : i32 to vector<16xi32>
        %shift_left3A_207 = arith.shli %bitcast_convert_type3A_204, %shift_left3A_206 : vector<16xi32>
        %bitcast_convert_type3A_208 = tpu.bitcast %shift_left3A_207 : vector<16xi32> -> vector<16xf32>
        %and3A_209 = arith.constant -65536 : i32
        %and3A_210 = vector.broadcast %and3A_209 : i32 to vector<16xi32>
        %and3A_211 = arith.andi %bitcast_convert_type3A_204, %and3A_210 : vector<16xi32>
        %bitcast_convert_type3A_212 = tpu.bitcast %and3A_211 : vector<16xi32> -> vector<16xf32>
        %mul3A_213 = arith.mulf %mul3A_199, %bitcast_convert_type3A_208 : vector<16xf32>
        %add3A_214 = arith.addf %add3A_195, %mul3A_213 : vector<16xf32>
        %mul3A_215 = arith.mulf %mul3A_199, %bitcast_convert_type3A_212 : vector<16xf32>
        %add3A_216 = arith.addf %add3A_197, %mul3A_215 : vector<16xf32>
        %mul3A_217 = arith.mulf %get3A_71, %get3A_73 : vector<16xf32>
        %mul3A_218 = arith.mulf %mul3A_217, %get3A_75 : vector<16xf32>
        %add3A_219 = arith.constant 7168 : i32
        %add3A_220 = arith.addi %add3A_219, %mul3A_70 : i32
        %get3A_221 = arith.index_cast %add3A_220 : i32 to index
        %get3A_222 = tpu.vector_load %arg18[%get3A_221] {strides = array<i32>} : memref<8192xf32, #tpu.memory_space<vmem>>, vector<16xf32>,
        %bitcast_convert_type3A_223 = tpu.bitcast %get3A_222 : vector<16xf32> -> vector<16xi32>
        %shift_left3A_224 = arith.constant 16 : i32
        %shift_left3A_225 = vector.broadcast %shift_left3A_224 : i32 to vector<16xi32>
        %shift_left3A_226 = arith.shli %bitcast_convert_type3A_223, %shift_left3A_225 : vector<16xi32>
        %bitcast_convert_type3A_227 = tpu.bitcast %shift_left3A_226 : vector<16xi32> -> vector<16xf32>
        %and3A_228 = arith.constant -65536 : i32
        %and3A_229 = vector.broadcast %and3A_228 : i32 to vector<16xi32>
        %and3A_230 = arith.andi %bitcast_convert_type3A_223, %and3A_229 : vector<16xi32>
        %bitcast_convert_type3A_231 = tpu.bitcast %and3A_230 : vector<16xi32> -> vector<16xf32>
        %mul3A_232 = arith.mulf %mul3A_218, %bitcast_convert_type3A_227 : vector<16xf32>
        %add3A_233 = arith.addf %add3A_214, %mul3A_232 : vector<16xf32>
        %mul3A_234 = arith.mulf %mul3A_218, %bitcast_convert_type3A_231 : vector<16xf32>
        %add3A_235 = arith.addf %add3A_216, %mul3A_234 : vector<16xf32>
        %swap3A = arith.constant 30 : i32
        %swap3A_236 = arith.index_cast %swap3A : i32 to index
        %swap3A_237 = arith.index_cast %mul3A_70 : i32 to index
        %swap3A_238 = tpu.vector_load %arg19[%swap3A_236, %swap3A_237] {strides = array<i32>} : memref<32x1024xf32, #tpu.memory_space<vmem>>, vector<16xf32>,
        tpu.vector_store %arg19[%swap3A_236, %swap3A_237], %add3A_233 {strides = array<i32>} : memref<32x1024xf32, #tpu.memory_space<vmem>>, vector<16xf32>,
        %swap3A_239 = arith.constant 31 : i32
        %swap3A_240 = arith.index_cast %swap3A_239 : i32 to index
        %swap3A_241 = arith.index_cast %mul3A_70 : i32 to index
        %swap3A_242 = tpu.vector_load %arg19[%swap3A_240, %swap3A_241] {strides = array<i32>} : memref<32x1024xf32, #tpu.memory_space<vmem>>, vector<16xf32>,
        tpu.vector_store %arg19[%swap3A_240, %swap3A_241], %add3A_235 {strides = array<i32>} : memref<32x1024xf32, #tpu.memory_space<vmem>>, vector<16xf32>,
      }
      %scan3A_67 = arith.constant 64 : i32
      "tpu.region"() ({
        %run_scoped3A = tpu.sem_alloc : memref<!tpu.dma_semaphore, #tpu.memory_space<semaphore_mem>>
        %dma_start3A_68 = arith.constant 0 : i32
        %dma_start3A_69 = tpu.memref_slice %arg4[%dma_start3A_68, %add3A_11] : memref<32x262144xf32, #tpu.memory_space<hbm>> -> memref<32x1024xf32, #tpu.memory_space<hbm>>
        %dma_start3A_70 = arith.constant 0 : i32
        %dma_start3A_71 = tpu.memref_slice %arg4[%dma_start3A_70, %add3A_11] : memref<32x262144xf32, #tpu.memory_space<hbm>> -> memref<32x1024xf32, #tpu.memory_space<hbm>>
        tpu.enqueue_dma source(%arg19 : memref<32x1024xf32, #tpu.memory_space<vmem>>) target(%dma_start3A_71 : memref<32x1024xf32, #tpu.memory_space<hbm>>) target_semaphore(%run_scoped3A : memref<!tpu.dma_semaphore, #tpu.memory_space<semaphore_mem>>)
        %dma_wait3A_72 = arith.constant 0 : i32
        %dma_wait3A_73 = tpu.memref_slice %arg4[%dma_wait3A_72, %add3A_11] : memref<32x262144xf32, #tpu.memory_space<hbm>> -> memref<32x1024xf32, #tpu.memory_space<hbm>>
        %dma_wait3A_74 = arith.constant 0 : i32
        %dma_wait3A_75 = tpu.memref_slice %arg4[%dma_wait3A_74, %add3A_11] : memref<32x262144xf32, #tpu.memory_space<hbm>> -> memref<32x1024xf32, #tpu.memory_space<hbm>>
        tpu.wait_dma2 semaphore(%run_scoped3A : memref<!tpu.dma_semaphore, #tpu.memory_space<semaphore_mem>>) src(%arg19 : memref<32x1024xf32, #tpu.memory_space<vmem>>) dst(%dma_wait3A_75 : memref<32x1024xf32, #tpu.memory_space<hbm>>)
        tpu.yield
      }) : () -> ()
    }
    %scan3A_5 = arith.constant 8 : i32
    return
  }
}

module attributes {stable_mosaic.version = 14 : i64} {
  func.func @_mlp_body(%arg0: i32, %arg1: memref<32x2048xf32, #tpu.memory_space<vmem>>, %arg2: memref<32x64xf32, #tpu.memory_space<vmem>>, %arg3: memref<64x16xf32, #tpu.memory_space<vmem>>, %arg4: memref<2048x16xf32, #tpu.memory_space<vmem>>) attributes {dimension_semantics = [#tpu.dimension_semantics<arbitrary>], iteration_bounds = array<i64: 128>, scalar_prefetch = 0 : i64, scratch_operands = 0 : i64, tpu.core_type = #tpu.core_type<tc>, window_params = [{transform_indices = @transform_0, window_bounds = array<i64: 32, 2048>}, {pipeline_mode = #tpu.pipeline_mode<synchronous>, transform_indices = @transform_1, window_bounds = array<i64: 32, 64>}, {pipeline_mode = #tpu.pipeline_mode<synchronous>, transform_indices = @transform_2, window_bounds = array<i64: 64, 16>}, {transform_indices = @transform_3, window_bounds = array<i64: 2048, 16>}]} {
    %get3A = arith.constant 0 : index
    %get3A_0 = arith.constant 0 : index
    %get3A_1 = vector.load %arg2[%get3A, %get3A_0] : memref<32x64xf32, #tpu.memory_space<vmem>>, vector<32x64xf32>
    %get3A_2 = arith.constant 0 : index
    %get3A_3 = arith.constant 0 : index
    %get3A_4 = vector.load %arg1[%get3A_2, %get3A_3] : memref<32x2048xf32, #tpu.memory_space<vmem>>, vector<32x2048xf32>
    %dot_general3A = arith.constant dense<0.000000e+00> : vector<64x2048xf32>
    %dot_general3A_5 = tpu.matmul %get3A_1, %get3A_4, %dot_general3A {dimension_numbers = #tpu.dot_dimension_numbers<[0], [0], [1], [1], [0, 1, 1, 1], [], []>, transpose_lhs_hint = false} : vector<32x64xf32>, vector<32x2048xf32>, vector<64x2048xf32> -> vector<64x2048xf32>
    %max3A = arith.constant 0.000000e+00 : f32
    %max3A_6 = vector.broadcast %max3A : f32 to vector<64x2048xf32>
    %max3A_7 = arith.maximumf %dot_general3A_5, %max3A_6 : vector<64x2048xf32>
    %get3A_8 = arith.constant 0 : index
    %get3A_9 = arith.constant 0 : index
    %get3A_10 = vector.load %arg3[%get3A_8, %get3A_9] : memref<64x16xf32, #tpu.memory_space<vmem>>, vector<64x16xf32>
    %dot_general3A_11 = arith.constant dense<0.000000e+00> : vector<2048x16xf32>
    %dot_general3A_12 = tpu.matmul %max3A_7, %get3A_10, %dot_general3A_11 {dimension_numbers = #tpu.dot_dimension_numbers<[0], [0], [1], [1], [0, 1, 1, 1], [], []>, transpose_lhs_hint = false} : vector<64x2048xf32>, vector<64x16xf32>, vector<2048x16xf32> -> vector<2048x16xf32>
    %swap3A = arith.constant 0 : index
    %swap3A_13 = arith.constant 0 : index
    %swap3A_14 = vector.load %arg4[%swap3A, %swap3A_13] : memref<2048x16xf32, #tpu.memory_space<vmem>>, vector<2048x16xf32>
    tpu.vector_store %arg4[%swap3A, %swap3A_13], %dot_general3A_12 {strides = array<i32>} : memref<2048x16xf32, #tpu.memory_space<vmem>>, vector<2048x16xf32>,
    return
  }
  func.func @transform_0(%arg0: i32) -> (i32, i32) {
    %c0_i32 = arith.constant 0 : i32
    %c0_i32_0 = arith.constant 0 : i32
    return %c0_i32, %arg0 : i32, i32
  }
  func.func @transform_1(%arg0: i32) -> (i32, i32) {
    %c0_i32 = arith.constant 0 : i32
    %c0_i32_0 = arith.constant 0 : i32
    %c0_i32_1 = arith.constant 0 : i32
    return %c0_i32, %c0_i32_0 : i32, i32
  }
  func.func @transform_2(%arg0: i32) -> (i32, i32) {
    %c0_i32 = arith.constant 0 : i32
    %c0_i32_0 = arith.constant 0 : i32
    %c0_i32_1 = arith.constant 0 : i32
    return %c0_i32, %c0_i32_0 : i32, i32
  }
  func.func @transform_3(%arg0: i32) -> (i32, i32) {
    %c0_i32 = arith.constant 0 : i32
    %c0_i32_0 = arith.constant 0 : i32
    return %arg0, %c0_i32 : i32, i32
  }
}

</mosaic_0001>

<sc_bundles>
// kernel: kernel.4.cloned.1.call-start
scs
__scs_entry_jumppad:
0x0: {  	(pc) =	sbr.rel $0x88, $3  }
0x1: {  	(tag) =	ssettag $0x0;
	lr =	simm.s32 $0x1  }
0x2: {  	[smem:$0x3F9D] =	sst lr;
	_ =	strace $0xD0000000  }
0x3: {  	_ = 	snop  }
0x4: {  	_ = 	snop  }
0x5: {  	_ = 	snop  }
0x6: {  	_ = 	snop  }
0x7: {  	_ = 	snop  }
__scs_overlays_trampoline_lowered:
0x8: {  	[smem:$0x3FAC] =	sst s0  }
0x9: {  	[smem:$0x3FAD] =	sst s1  }
0xa: {  	[smem:$0x3FAE] =	sst s2  }
0xb: {  	[smem:$0x3FAF] =	sst s3  }
0xc: {  	[smem:$0x3FB0] =	sst s4  }
0xd: {  	[smem:$0x3FB1] =	sst s5  }
0xe: {  	[smem:$0x3FB2] =	sst s6  }
0xf: {  	[smem:$0x3FB3] =	sst s7  }
0x10: {  	[smem:$0x3FB4] =	sst s8  }
0x11: {  	[smem:$0x3FB5] =	sst s9;
	s0 =	simm.s32 @!p0 $0x0  }
0x12: {  	s1 =	sld [smem:$0x3F9B];
	s0 =	simm.s32 @p0 $0x1  }
0x13: {  	[smem:$0x3FB6] =	sst s0;
	s0 =	simm.s32 @!p1 $0x0  }
0x14: {  	s2 =	sld [smem:$0x3F9A];
	s0 =	simm.s32 @p1 $0x1  }
0x15: {  	[smem:$0x3FB7] =	sst s0;
	s0 =	simm.s32 @!p2 $0x0  }
0x16: {  	s3 =	sld [smem:$0x3FDB];
	s0 =	simm.s32 @p2 $0x1  }
0x17: {  	s4 =	simm.s32 $0x1BF5;
	[smem:$0x3FB9] =	sst s0  }
0x18: {  	s0 =	sld [smem:$0x3F9C];
	_ =	swait.ge [sflag:s4], $0x0  }
0x19: {  	s7 =	sld [smem:$0x3F9D]  }
0x1a: {  	s8 =	sadd.s32 $0xFFFFE003, lr  }
0x1b: {  	s9 =	sadd.s32 $0xFFFFFEF7, lr;
	s5 =	simm.s32 $0xFFFFFFFF;
	p2 =	slt.u32 s8, $0xFFFFF086  }
0x1c: {  	p1 =	slt.u32 s9, $0xF7A;
	s5 =	simm.s32 @!p2 $0x0  }
0x1d: {  	s5 =	simm.s32 @p1 $0x1;
	p0 =	seq.s32 s7, s2  }
0x1e: {  	s7 =	smul.u32 @!p0 $0xF7A, s2;
	p2 =	seq.s32 @!p0 s5, $0x0  }
0x1f: {  	s9 =	smul.u32 $0xF7A, s1;
	s8 =	simm.s32 @!p0 $0x1BF5;
	p2 =	por !p2, p0  }
0x20: {  	[sflag:s8] =	ssyncset.s32 @!p0 $0xFFFFF086;
	s6 =	sadd.s32 @!p0 s3, s7;
	s7 =	simm.s32 @!p0 $0x108  }
0x21: {  	s3 =	sadd.s32 s3, s9;
	s6 =	sadd.s32 @!p0 $0x88, s6;
	s7 =	simm.s32 @p2 $0x1082  }
0x22: {  	[simem:s7], [sflag:s8] =	dma.local @!p0 [hbm:s6], $0xF7A  }
0x23: {  	s9 =	sor.u32 $0xD0000000, s2;
	s6 =	simm.s32 $0x108;
	_ =	swait.ge @!p0 [sflag:s8], $0x0  }
0x24: {  	s3 =	sadd.s32 $0x88, s3;
	s6 =	simm.s32 @!p1 $0x1082;
	[sflag:s4] =	ssyncset.s32 $0xFFFFF086  }
0x25: {  	[simem:s6], [sflag:s4] =	dma.local [hbm:s3], $0xF7A  }
0x26: {  	[smem:$0x3F9D] =	sst s1;
	(tag) =	ssettag s2;
	_ =	strace s9  }
0x27: {  	s1 =	sld [smem:$0x3FAD]  }
0x28: {  	s2 =	sld [smem:$0x3FAE]  }
0x29: {  	s4 =	sld [smem:$0x3FB0]  }
0x2a: {  	p0 =	seq.s32 s5, $0x0;
	s5 =	sld [smem:$0x3FB1]  }
0x2b: {  	s6 =	sld [smem:$0x3FB2]  }
0x2c: {  	s7 =	sld [smem:$0x3FB3]  }
0x2d: {  	s3 =	simm.s32 $0x108;
	s8 =	sld [smem:$0x3FB4]  }
0x2e: {  	s3 =	simm.s32 @!p0 $0x1082;
	s9 =	sld [smem:$0x3FB5]  }
0x2f: {  	lr =	sadd.s32 s0, s3;
	s0 =	sld [smem:$0x3FAC]  }
0x30: {  	s3 =	sld [smem:$0x3FAF]  }
0x31: {  	[smem:$0x3FB8] =	sst s10  }
0x32: {  	s10 =	sld [smem:$0x3FB6];
	_ =	sdelay $0x3  }
0x33: {  	p0 =	seq.s32 s10, $0x1;
	s10 =	sld [smem:$0x3FB8];
	_ =	sdelay $0x3  }
0x34: {  	[smem:$0x3FB8] =	sst s10  }
0x35: {  	s10 =	sld [smem:$0x3FB7];
	_ =	sdelay $0x3  }
0x36: {  	p1 =	seq.s32 s10, $0x1;
	s10 =	sld [smem:$0x3FB8];
	_ =	sdelay $0x3  }
0x37: {  	[smem:$0x3FB8] =	sst s10  }
0x38: {  	s10 =	sld [smem:$0x3FB9]  }
0x39: {  	_ = 	snop;
	(pc) =	sbr.ind lr, $3  }
0x3a: {  	_ = 	snop  }
0x3b: {  	_ = 	snop  }
0x3c: {  	p2 =	seq.s32 s10, $0x1;
	s10 =	sld [smem:$0x3FB8]  }
0x3d: {  	_ =	shalt  }
0x3e: {  	_ =	shalt  }
0x3f: {  	_ =	shalt  }
0x40: {  	_ =	shalt  }
0x41: {  	_ =	shalt  }
0x42: {  	_ =	shalt  }
0x43: {  	_ =	shalt  }
0x44: {  	_ =	shalt  }
0x45: {  	_ =	shalt  }
0x46: {  	_ =	shalt  }
0x47: {  	_ =	shalt  }
0x48: {  	_ =	shalt  }
0x49: {  	_ =	shalt  }
0x4a: {  	_ =	shalt  }
0x4b: {  	_ =	shalt  }
0x4c: {  	_ =	shalt  }
0x4d: {  	_ =	shalt  }
0x4e: {  	_ =	shalt  }
0x4f: {  	_ =	shalt  }
0x50: {  	_ =	shalt  }
0x51: {  	_ =	shalt  }
0x52: {  	_ =	shalt  }
0x53: {  	_ =	shalt  }
0x54: {  	_ =	shalt  }
0x55: {  	_ =	shalt  }
0x56: {  	_ =	shalt  }
0x57: {  	_ =	shalt  }
0x58: {  	_ =	shalt  }
0x59: {  	_ =	shalt  }
0x5a: {  	_ =	shalt  }
0x5b: {  	_ =	shalt  }
0x5c: {  	_ =	shalt  }
0x5d: {  	_ =	shalt  }
0x5e: {  	_ =	shalt  }
0x5f: {  	_ =	shalt  }
0x60: {  	_ =	shalt  }
0x61: {  	_ =	shalt  }
0x62: {  	_ =	shalt  }
0x63: {  	_ =	shalt  }
0x64: {  	_ =	shalt  }
0x65: {  	_ =	shalt  }
0x66: {  	_ =	shalt  }
0x67: {  	_ =	shalt  }
0x68: {  	_ =	shalt  }
0x69: {  	_ =	shalt  }
0x6a: {  	_ =	shalt  }
0x6b: {  	_ =	shalt  }
0x6c: {  	_ =	shalt  }
0x6d: {  	_ =	shalt  }
0x6e: {  	_ =	shalt  }
0x6f: {  	_ =	shalt  }
0x70: {  	_ =	shalt  }
0x71: {  	_ =	shalt  }
0x72: {  	_ =	shalt  }
0x73: {  	_ =	shalt  }
0x74: {  	_ =	shalt  }
0x75: {  	_ =	shalt  }
0x76: {  	_ =	shalt  }
0x77: {  	_ =	shalt  }
0x78: {  	_ =	shalt  }
0x79: {  	_ =	shalt  }
0x7a: {  	_ =	shalt  }
0x7b: {  	_ =	shalt  }
0x7c: {  	_ =	shalt  }
0x7d: {  	_ =	shalt  }
0x7e: {  	_ =	shalt  }
0x7f: {  	_ =	shalt  }
0x80: {  	_ =	shalt  }
0x81: {  	_ =	shalt  }
0x82: {  	_ =	shalt  }
0x83: {  	_ =	shalt  }
0x84: {  	_ =	shalt  }
0x85: {  	_ =	shalt  }
0x86: {  	_ =	shalt  }
0x87: {  	_ =	shalt  }
.Lfunc_end0:
.L_simem_size_0:
called_computation.1_lowered:
.L_overlay_start_0:
0x88: {  	s2 =	sld [smem:$0x3FD9]  }
0x89: {  	s3 =	sld [smem:$0x3FFE];
	_ =	sdelay $0x1  }
0x8a: {  	s1 =	srdreg.scid  }
0x8b: {  	s0 =	sand.u32 $0x1, s1  }
0x8c: {  	s17 =	sshll.u32 s0, $0xA;
	s2 =	sadd.s32 s3, s2  }
0x8d: {  	s2 =	sadd.s32 s2, s17  }
0x8e: {  	[smem:$0x3FC4] =	sst s2  }
0x8f: {  	_ = 	snop  }
0x90: {  	s2 =	sld [smem:$0x3FD0];
	(tm) =	ssettm $0x1  }
0x91: {  	s18 =	sld [smem:$0x3FFB];
	_ =	sdelay $0x3  }
0x92: {  	_ =	strace s18  }
0x93: {  	s3 =	sld [smem:$0x3FFC];
	_ =	sdelay $0x3  }
0x94: {  	_ =	strace s3  }
0x95: {  	s3 =	sld [smem:$0x3FFD];
	_ =	sdelay $0x3  }
0x96: {  	_ =	strace s3  }
0x97: {  	_ =	strace $0x8FFFFFFF  }
0x98: {  	s19 =	sld [smem:$0x3FDB];
	_ =	sdelay $0x1  }
0x99: {  	s4 =	simm.s32 $_scs_section_size  }
0x9a: {  	s5 =	simm.s32 $_size__tile_overlayer_lowered;
	s6 =	simm.s32 $_tile_overlayer_lowered  }
0x9b: {  	s22 =	simm.s32 $0x1BFF;
	s21 =	sshll.u32 s6, $0x1;
	s3 =	sadd.s32 s4, s19  }
0x9c: {  	s7 =	simm.s32 $0x0;
	s20 =	sshll.u32 s5, $0x1;
	s5 =	sadd.s32 s21, s3  }
0x9d: {  	[timem:s7], [sflag:s22] =	dma.local [hbm:s5], s20  }
0x9e: {  	_ =	swait.ge [sflag:s22], s20  }
0x9f: {  	s4 =	ssub.s32 $0x0, s20;
	[sflag:s22] =	ssyncset.done $0x0  }
0xa0: {  	[sflag:s22] =	ssyncadd.s32 s4;
	_ =	sdelay $0x1  }
0xa1: {  	s23 =	simm.s32 $0x1B8B  }
0xa2: {  	_ =	swait.ge [sflag:s23], $0x1  }
0xa3: {  	[sflag:s23] =	ssyncset.done $0x0  }
0xa4: {  	s25 =	simm.s32 $0x1B8E;
	s24 =	sld [smem:$0x3FFE];
	[sflag:s23] =	ssyncadd.s32 $0xFFFFFFFF  }
0xa5: {  	s26 =	simm.s32 $execute0_lowered;
	[smem:$0x3FD2] =	sst s25  }
0xa6: {  	s5 =	sshll.u32 s26, $0x1;
	_ =	strace $0x80000049;
	[dreg:$0x1] =	wrdreg $0xFFFFFFFF  }
0xa7: {  	s28 =	simm.s32 $_size_execute0_lowered;
	s3 =	sadd.s32 s3, s5;
	[dreg:$0x0] =	wrdreg $0x0  }
0xa8: {  	s5 =	sshll.u32 s28, $0x1;
	[dreg:$0x2] =	wrdreg s3  }
0xa9: {  	[dreg:$0x3] =	wrdreg s5  }
0xaa: {  	[dreg:$0x4] =	wrdreg $0xC0  }
0xab: {  	_ =	task [dreg:s7], $0x5FFFF  }
0xac: {  	[dreg:$0x1] =	wrdreg $0xFFFFFFFF  }
0xad: {  	[dreg:$0x0] =	wrdreg $0x60  }
0xae: {  	[dreg:$0x2] =	wrdreg s2  }
0xaf: {  	[dreg:$0x3] =	wrdreg s24  }
0xb0: {  	[dreg:$0x4] =	wrdreg $0x9  }
0xb1: {  	_ =	task.clear_ibuf [dreg:s7], $0x5FFFF;
	_ =	strace $0x90000049  }
0xb2: {  	s29 =	simm.s32 $0x9;
	_ =	strace $0x8000004B  }
0xb3: {  	_ =	swait.ge [sflag:s29], $0x1  }
0xb4: {  	[sflag:s29] =	ssyncadd.s32 $0xFFFFFFFF  }
0xb5: {  	_ =	strace $0x9000004B  }
0xb6: {  	_ =	sfence  }
0xb7: {  	s30 =	sld [smem:$0x0];
	_ =	sdelay $0x2  }
0xb8: {  	s31 =	sshll.u32 s1, $0xD;
	s1 =	sshrl.u32 s1, $0x2  }
0xb9: {  	s3 =	sand.u32 $0x4000, s31;
	s1 =	sadd.s32 s1, s30  }
0xba: {  	s0 =	sor.u32 s3, s0;
	s1 =	sshll.u32 s1, $0x11  }
0xbb: {  	s0 =	sor.u32 s1, s0  }
0xbc: {  	s0 =	sadd.s32 $0x8F2B, s0  }
0xbd: {  	[sflag:s0] =	ssyncadd.remote.s32 $0x1  }
0xbe: {  	_ =	sfence.sel $0xFFFF  }
0xbf: {  	[dreg:$0x0] =	wrdreg $0xFFFFFFFF;
	(pc) =	sbr.abs _section_cstart, $3  }
0xc0: {  	[dreg:$0x1] =	wrdreg $0xFFFFFFFF  }
0xc1: {  	_ =	task.clear_ibuf [dreg:s7], $0x2FFFF;
	_ =	strace $0x9FFFFFFF  }
0xc2: {  	(tm) =	ssettm $0x7FFFFFFF  }
0xc3: {  	_ =	shalt  }
tec
execute0_lowered:
.L_overlay_start_1:
0x0: {  	(tag) =	ssettag $0x1  }
0x1: {  	s0 =	rddreg [dreg:$0x1]  }
0x2: {  	s2 =	simm.s32 $0x0;
	s1 =	srdreg.scid;
	s5 =	stileid.u32  }
0x3: {  	s9 =	simm.s32 $0x13000;
	s11 =	simm.s32 $0x14180;
	s12 =	simm.s32 $0x2000  }
0x4: {  	s13 =	simm.s32 $0x3000;
	s14 =	simm.s32 $0x7000;
	s15 =	simm.s32 $0x5000  }
0x5: {  	s16 =	simm.s32 $0x9000;
	s17 =	simm.s32 $0x1;
	s18 =	simm.s32 $0x100  }
0x6: {  	s19 =	simm.s32 $0x2;
	[smem:$0x7FF] =	sst s2;
	s1 =	sand.u32 $0x1, s1  }
0x7: {  	s4 =	sadd.s32 $0x100A00, s0;
	s3 =	sadd.s32 $0xA00, s0;
	s29 =	sshll.u32 s5, $0xE  }
0x8: {  	s0 =	sadd.s32 $0x110A00, s0;
	_ =	strace $0x8000004A;
	s26 =	ssub.s32 $0x2, s1  }
0x9: {  	v0 =	vlaneseq.u32;
	[dreg:$0x3] =	wrdreg s3;
	s1 =	sshll.u32 s1, $0xD;
	s28 =	sshrl.u32 s26, $0x1  }
0xa: {  	v0 =	vmul.u32 $0x3, v0;
	[dreg:$0x4] =	wrdreg s0;
	s30 =	sor.u32 s1, s29;
	s2 =	ssub.s32 s26, s28  }
0xb: {  	s20 =	simm.s32 $0x200;
	[dreg:$0x5] =	wrdreg s30;
	s31 =	smax.u32 s2, $0x1  }
0xc: {  	v3 =	vimm.f32 $2.147483650e+09;
	v1 =	vadd.s32 $0x1, v0;
	v2 =	vadd.s32 $0x2, v0;
	s1 =	simm.s32 $0x0;
	s2 =	simm.s32 $0x3;
	[dreg:$0x6] =	wrdreg s31  }
.LBB2_1:
0xd: {  	[dreg:$0x7] =	wrdreg s1;
	s0 =	simm.s32 $0x0  }
0xe: {  	[tilespmem:s9], [sflag:$0x3] =	stream.linear.gather [hbm4b:s4+s0], $0x1180, $0x38;
	[tilespmem:$0x1C600] =	vst v63  }
0xf: {  	_ =	swait.ge [sflag:s2], $0x1180  }
0x10: {  	[sflag:s2] =	ssyncset.done $0x0  }
0x11: {  	s31 =	rddreg [dreg:$0x4];
	[sflag:s2] =	ssyncadd.s32 $0xFFFFEE80  }
0x12: {  	[tilespmem:s11], [sflag:$0x3] =	stream.linear.gather [hbm4b:s31+s0], $0x8480, $0x38;
	[tilespmem:$0x1C600] =	vst v63  }
0x13: {  	_ =	swait.ge [sflag:s2], $0x8480  }
0x14: {  	[sflag:s2] =	ssyncset.done $0x0  }
0x15: {  	s0 =	simm.s32 $0x0;
	[sflag:s2] =	ssyncadd.s32 $0xFFFF7B80  }
.LBB2_2:
0x16: {  	s24 =	sshll.u32 s0, $0xA;
	s1 =	rddreg [dreg:$0x5]  }
0x17: {  	[dreg:$0x8] =	wrdreg s0;
	s0 =	sadd.s32 s1, s24  }
0x18: {  	[dreg:$0x9] =	wrdreg s0;
	s0 =	smul.u32 $0x3, s0  }
0x19: {  	_ = 	snop  }
0x1a: {  	s26 =	simm.s32 $0x0;
	s25 =	rddreg [dreg:$0x0];
	s0 =	sshrl.u32 s0, $0x3  }
0x1b: {  	v4 =	vadd.s32 s26, v0;
	s0 =	sadd.s32 s25, s0  }
0x1c: {  	[tilespmem:s26], [sflag:$0x3] =	stream.linear.gather [hbm4b:s0+s26], $0xC00, $0x38;
	[tilespmem:$0x1C600] =	vst v63  }
0x1d: {  	_ =	swait.ge [sflag:s2], $0xC00  }
0x1e: {  	[sflag:s2] =	ssyncset.done $0x0  }
0x1f: {  	[sflag:s2] =	ssyncadd.s32 $0xFFFFF400  }
0x20: {  	v4 =	vld.idx.msk [tilespmem:v4+s26+$0x0], $0xffff  }
0x21: {  	v5 =	vadd.s32 s26, v1;
	_ =	sdelay $0x2  }
0x22: {  	s28 =	simm.s32 $0xC00  }
0x23: {  	[tilespmem:s28+$0x0] =	vst v4  }
0x24: {  	v4 =	vld.idx.msk [tilespmem:v5+s26+$0x0], $0xffff  }
0x25: {  	v5 =	vadd.s32 s26, v2;
	_ =	sdelay $0x2  }
0x26: {  	s29 =	simm.s32 $0x1000  }
0x27: {  	[tilespmem:s29+$0x0] =	vst v4  }
0x28: {  	s31 =	simm.s32 $0x30;
	v4 =	vld.idx.msk [tilespmem:v5+s26+$0x0], $0xffff  }
0x29: {  	v5 =	vadd.s32 s31, v0;
	_ =	sdelay $0x2  }
0x2a: {  	s30 =	simm.s32 $0x1400  }
0x2b: {  	[tilespmem:s30+$0x0] =	vst v4  }
0x2c: {  	v4 =	vld.idx.msk [tilespmem:v5+s26+$0x0], $0xffff  }
0x2d: {  	v5 =	vadd.s32 s31, v1;
	_ =	sdelay $0x2  }
0x2e: {  	s0 =	simm.s32 $0xC10  }
0x2f: {  	[tilespmem:s0+$0x0] =	vst v4  }
0x30: {  	v4 =	vld.idx.msk [tilespmem:v5+s26+$0x0], $0xffff  }
0x31: {  	v5 =	vadd.s32 s31, v2;
	_ =	sdelay $0x2  }
0x32: {  	s1 =	simm.s32 $0x1010  }
0x33: {  	[tilespmem:s1+$0x0] =	vst v4  }
0x34: {  	s2 =	simm.s32 $0x60;
	v4 =	vld.idx.msk [tilespmem:v5+s26+$0x0], $0xffff  }
0x35: {  	s5 =	simm.s32 $0x90;
	s3 =	simm.s32 $0x1400;
	v5 =	vadd.s32 s2, v0  }
.LBB2_3:
0x36: {  	p0 =	sne.s32 s5, $0xBD0;
	_ =	sdelay $0x1  }
0x37: {  	s3 =	sadd.s32 $0x10, s3  }
0x38: {  	[tilespmem:s3+$0x0] =	vst v4  }
0x39: {  	v4 =	vld.idx.msk [tilespmem:v5+s26+$0x0], $0xffff;
	_ =	sdelay $0x1  }
0x3a: {  	v5 =	vadd.s32 s2, v1;
	_ =	sdelay $0x2  }
0x3b: {  	s0 =	sadd.s32 $0x10, s0  }
0x3c: {  	[tilespmem:s0+$0x0] =	vst v4  }
0x3d: {  	v4 =	vld.idx.msk [tilespmem:v5+s26+$0x0], $0xffff;
	_ =	sdelay $0x1  }
0x3e: {  	v5 =	vadd.s32 s2, v2;
	s2 =	smov.u32 s5;
	_ =	sdelay $0x2  }
.Ltmp0:
0x3f: {  	s1 =	sadd.s32 $0x10, s1;
	(pc) =	sbr.rel @p0 .LBB2_3-.Ltmp0, $3  }
0x40: {  	[tilespmem:s1+$0x0] =	vst v4  }
0x41: {  	v4 =	vld.idx.msk [tilespmem:v5+s26+$0x0], $0xffff;
	_ =	sdelay $0x1  }
0x42: {  	s5 =	sadd.s32 $0x30, s5;
	v5 =	vadd.s32 s2, v0  }
0x43: {  	_ =	sdelay $0x1  }
0x44: {  	s3 =	sadd.s32 $0x10, s3  }
0x45: {  	[tilespmem:s3+$0x0] =	vst v4  }
0x46: {  	v4 =	vld.idx.msk [tilespmem:v5+s26+$0x0], $0xffff  }
0x47: {  	v5 =	vadd.s32 s2, v1;
	_ =	sdelay $0x2  }
0x48: {  	s0 =	sadd.s32 $0x10, s0  }
0x49: {  	[tilespmem:s0+$0x0] =	vst v4  }
0x4a: {  	v4 =	vld.idx.msk [tilespmem:v5+s26+$0x0], $0xffff  }
0x4b: {  	v5 =	vadd.s32 s2, v2;
	_ =	sdelay $0x2  }
0x4c: {  	s25 =	sadd.s32 $0x10, s1  }
0x4d: {  	[tilespmem:s25+$0x0] =	vst v4  }
0x4e: {  	v4 =	vld.idx.msk [tilespmem:v5+s26+$0x0], $0xffff;
	_ =	sdelay $0x3  }
0x4f: {  	s31 =	sadd.s32 $0x10, s3  }
0x50: {  	[tilespmem:s31+$0x0] =	vst v4  }
0x51: {  	v4 =	vld [tilespmem:s28+$0x0]  }
0x52: {  	v5 =	vld [tilespmem:s30+$0x0]  }
0x53: {  	v6 =	vld [tilespmem:s29+$0x0];
	_ =	sdelay $0x3  }
0x54: {  	v4 =	vmul.f32 $6.300000000e+01, v4;
	v7 =	vmul.f32 $6.300000000e+01, v5  }
0x55: {  	v6 =	vmul.f32 $6.300000000e+01, v6  }
0x56: {  	v5 =	vadd.f32 $5.000000000e-01, v4;
	v4 =	vadd.f32 $5.000000000e-01, v7  }
0x57: {  	v6 =	vadd.f32 $5.000000000e-01, v6  }
0x58: {  	v7 =	vsub.f32 v5, v3;
	v8 =	vtrunc.f32 v5;
	v9 =	vsub.f32 v4, v3  }
0x59: {  	v10 =	vtrunc.f32 v4;
	v11 =	vtrunc.f32 v6;
	v12 =	vsub.f32 v6, v3  }
0x5a: {  	vm0 =	vlt.f32 v5, $2.147483650e+09;
	v10 =	vcvt.f32.s32 v10;
	v9 =	vtrunc.f32 v9  }
0x5b: {  	vm1 =	vlt.f32 v4, $2.147483650e+09;
	v7 =	vtrunc.f32 v7;
	v9 =	vcvt.f32.s32 v9  }
0x5c: {  	vm2 =	vlt.f32 v6, $2.147483650e+09;
	v12 =	vtrunc.f32 v12;
	v7 =	vcvt.f32.s32 v7  }
0x5d: {  	v8 =	vcvt.f32.s32 v8;
	v12 =	vcvt.f32.s32 v12;
	v9 =	vxor.u32 $0x80000000, v9  }
0x5e: {  	s6 =	simm.s32 $0x1800;
	s1 =	simm.s32 $0x10;
	s5 =	simm.s32 $0x3010;
	v11 =	vcvt.f32.s32 v11;
	v7 =	vxor.u32 $0x80000000, v7;
	v9 =	vsel vm1, v10, v9  }
0x5f: {  	s7 =	simm.s32 $0x1810;
	s8 =	simm.s32 $0x1C10;
	s21 =	simm.s32 $0x2010;
	v7 =	vsel vm0, v8, v7;
	v8 =	vxor.u32 $0x80000000, v12;
	v10 =	vshrl.u32 v9, $0x10  }
0x60: {  	s3 =	simm.s32 $0x1C00;
	s0 =	simm.s32 $0x2000;
	s2 =	simm.s32 $0x3000;
	v8 =	vsel vm2, v11, v8;
	v11 =	vshrl.u32 v7, $0x10;
	v10 =	vcvt.s32.f32 v10  }
.LBB2_5:
0x61: {  	v11 =	vcvt.s32.f32 v11;
	v12 =	vshrl.u32 v8, $0x10;
	v13 =	vand.u32 $0xFFFF, v9;
	s28 =	sadd.s32 $0x10, s28;
	s29 =	sadd.s32 $0x10, s29;
	s30 =	sadd.s32 $0x10, s30  }
0x62: {  	p0 =	sne.s32 s1, $0x3F0;
	v14 =	vand.u32 $0xFFFF, v7;
	s22 =	smov.u32 s1;
	s1 =	sadd.s32 $0x10, s1;
	v12 =	vcvt.s32.f32 v12;
	v10 =	vmul.f32 $6.553600000e+04, v10  }
0x63: {  	v15 =	vand.u32 $0xFFFF, v8;
	v14 =	vcvt.s32.f32 v14;
	v11 =	vmul.f32 $6.553600000e+04, v11  }
0x64: {  	v9 =	vshll.u32 v9, $0xC;
	v15 =	vcvt.s32.f32 v15;
	v12 =	vmul.f32 $6.553600000e+04, v12  }
0x65: {  	v13 =	vcvt.s32.f32 v13;
	v11 =	vadd.f32 v14, v11  }
0x66: {  	v12 =	vadd.f32 v15, v12  }
0x67: {  	v10 =	vadd.f32 v13, v10;
	v5 =	vsub.f32 v5, v11  }
0x68: {  	v11 =	vadd.s32 $0x100000, v9;
	v6 =	vsub.f32 v6, v12;
	v12 =	vadd.s32 $0x1, v7  }
0x69: {  	v4 =	vsub.f32 v4, v10;
	[tilespmem:s6+$0x0] =	vst v5;
	v5 =	vshll.u32 v8, $0x6;
	v8 =	vadd.s32 $0x101000, v9;
	s6 =	smov.u32 s7  }
0x6a: {  	[tilespmem:s3+$0x0] =	vst v6;
	v6 =	vadd.s32 v7, v5;
	v9 =	vadd.s32 v12, v5;
	v5 =	vadd.s32 $0x40, v5;
	s3 =	smov.u32 s8  }
0x6b: {  	[tilespmem:s0+$0x0] =	vst v4;
	v4 =	vadd.s32 v6, v11;
	v7 =	vadd.s32 v7, v5;
	v5 =	vadd.s32 v12, v5;
	s0 =	smov.u32 s21  }
0x6c: {  	s23 =	sand.u32 $0x3F0, s26;
	s26 =	smov.u32 s22;
	[tilespmem:s2+$0x0] =	vst v4;
	v4 =	vadd.s32 v5, v8;
	s2 =	smov.u32 s5  }
0x6d: {  	v10 =	vadd.s32 v9, v11;
	[tilespmem:s23+$0x4C00] =	vst v4  }
0x6e: {  	v4 =	vadd.s32 v7, v11;
	[tilespmem:s23+$0x3400] =	vst v10  }
0x6f: {  	[tilespmem:s23+$0x3800] =	vst v4;
	v4 =	vadd.s32 v5, v11  }
0x70: {  	[tilespmem:s23+$0x3C00] =	vst v4;
	v4 =	vadd.s32 v6, v8  }
0x71: {  	[tilespmem:s23+$0x4000] =	vst v4;
	v4 =	vadd.s32 v9, v8  }
0x72: {  	[tilespmem:s23+$0x4400] =	vst v4;
	v4 =	vadd.s32 v7, v8  }
0x73: {  	[tilespmem:s23+$0x4800] =	vst v4  }
0x74: {  	v4 =	vld [tilespmem:s28+$0x0]  }
0x75: {  	v5 =	vld [tilespmem:s30+$0x0]  }
0x76: {  	v6 =	vld [tilespmem:s29+$0x0];
	_ =	sdelay $0x2  }
0x77: {  	v4 =	vmul.f32 $6.300000000e+01, v4  }
0x78: {  	v7 =	vmul.f32 $6.300000000e+01, v5  }
0x79: {  	v5 =	vadd.f32 $5.000000000e-01, v4;
	v6 =	vmul.f32 $6.300000000e+01, v6  }
0x7a: {  	v4 =	vadd.f32 $5.000000000e-01, v7  }
0x7b: {  	v6 =	vadd.f32 $5.000000000e-01, v6;
	v7 =	vsub.f32 v5, v3;
	v8 =	vtrunc.f32 v5  }
0x7c: {  	v9 =	vsub.f32 v4, v3;
	v10 =	vtrunc.f32 v4  }
0x7d: {  	v7 =	vtrunc.f32 v7;
	v11 =	vsub.f32 v6, v3;
	v12 =	vtrunc.f32 v6  }
0x7e: {  	vm0 =	vlt.f32 v5, $2.147483650e+09;
	v8 =	vcvt.f32.s32 v8;
	v9 =	vtrunc.f32 v9  }
0x7f: {  	vm1 =	vlt.f32 v4, $2.147483650e+09;
	v7 =	vcvt.f32.s32 v7;
	v9 =	vcvt.f32.s32 v9  }
.Ltmp1:
0x80: {  	v10 =	vcvt.f32.s32 v10;
	v11 =	vtrunc.f32 v11;
	(pc) =	sbr.rel @p0 .LBB2_5-.Ltmp1, $4  }
0x81: {  	v12 =	vcvt.f32.s32 v12;
	v11 =	vcvt.f32.s32 v11;
	v9 =	vxor.u32 $0x80000000, v9  }
0x82: {  	vm2 =	vlt.f32 v6, $2.147483650e+09;
	v7 =	vxor.u32 $0x80000000, v7;
	v9 =	vsel vm1, v10, v9  }
0x83: {  	s5 =	sadd.s32 $0x10, s5;
	v7 =	vsel vm0, v8, v7;
	v8 =	vxor.u32 $0x80000000, v11;
	v10 =	vshrl.u32 v9, $0x10  }
0x84: {  	s7 =	sadd.s32 $0x10, s7;
	s8 =	sadd.s32 $0x10, s8;
	s21 =	sadd.s32 $0x10, s21;
	v11 =	vshrl.u32 v7, $0x10;
	v8 =	vsel vm2, v12, v8;
	v10 =	vcvt.s32.f32 v10  }
0x85: {  	v11 =	vcvt.s32.f32 v11;
	v12 =	vshrl.u32 v8, $0x10  }
0x86: {  	v13 =	vand.u32 $0xFFFF, v7;
	v12 =	vcvt.s32.f32 v12  }
0x87: {  	v14 =	vand.u32 $0xFFFF, v8;
	v13 =	vcvt.s32.f32 v13;
	v11 =	vmul.f32 $6.553600000e+04, v11  }
0x88: {  	v15 =	vand.u32 $0xFFFF, v9;
	v14 =	vcvt.s32.f32 v14;
	v12 =	vmul.f32 $6.553600000e+04, v12  }
0x89: {  	v10 =	vmul.f32 $6.553600000e+04, v10;
	v41 =	vcvt.s32.f32 v15;
	v11 =	vadd.f32 v13, v11  }
0x8a: {  	v12 =	vadd.f32 v14, v12  }
0x8b: {  	v10 =	vadd.f32 v41, v10;
	v5 =	vsub.f32 v5, v11  }
0x8c: {  	v9 =	vshll.u32 v9, $0xC;
	v6 =	vsub.f32 v6, v12  }
0x8d: {  	v4 =	vsub.f32 v4, v10;
	v11 =	vadd.s32 $0x100000, v9;
	[tilespmem:s6+$0x0] =	vst v5;
	v5 =	vshll.u32 v8, $0x6  }
0x8e: {  	v8 =	vadd.s32 $0x1, v7;
	[tilespmem:s3+$0x0] =	vst v6;
	v6 =	vadd.s32 v7, v5;
	v10 =	vadd.s32 $0x40, v5  }
0x8f: {  	v9 =	vadd.s32 $0x101000, v9;
	[tilespmem:s0+$0x0] =	vst v4;
	v4 =	vadd.s32 v6, v11;
	v42 =	vadd.s32 v8, v10  }
0x90: {  	s26 =	sand.u32 $0x3F0, s26;
	v5 =	vadd.s32 v8, v5;
	[tilespmem:s2+$0x0] =	vst v4;
	v4 =	vadd.s32 v42, v9  }
0x91: {  	v7 =	vadd.s32 v7, v10;
	v8 =	vadd.s32 v5, v11;
	[tilespmem:s26+$0x4C00] =	vst v4  }
0x92: {  	[tilespmem:s26+$0x3400] =	vst v8;
	v4 =	vadd.s32 v7, v11  }
0x93: {  	[tilespmem:s26+$0x3800] =	vst v4;
	v4 =	vadd.s32 v42, v11  }
0x94: {  	[tilespmem:s26+$0x3C00] =	vst v4;
	v4 =	vadd.s32 v6, v9  }
0x95: {  	[tilespmem:s26+$0x4000] =	vst v4;
	v4 =	vadd.s32 v5, v9  }
0x96: {  	[tilespmem:s26+$0x4400] =	vst v4;
	v4 =	vadd.s32 v7, v9  }
0x97: {  	[tilespmem:s26+$0x4800] =	vst v4;
	s26 =	simm.s32 $0x1000  }
0x98: {  	[tilespmem:s14], [sflag:$0x1] =	stream.indirect.gather [hbm4b:s4+s12], $0x1, s13, s12, $0xb8;
	[tilespmem:$0x1C600] =	vst v63  }
0x99: {  	s28 =	simm.s32 $0x1400;
	v4 =	vld [tilespmem:s26+$0x0]  }
0x9a: {  	s29 =	simm.s32 $0xC00;
	v5 =	vld [tilespmem:s28+$0x0]  }
0x9b: {  	v6 =	vld [tilespmem:s29+$0x0];
	_ =	sdelay $0x2  }
0x9c: {  	v4 =	vmul.f32 $1.500000000e+01, v4  }
0x9d: {  	v5 =	vmul.f32 $1.500000000e+01, v5  }
0x9e: {  	v6 =	vmul.f32 $1.500000000e+01, v6;
	v4 =	vadd.f32 $5.000000000e-01, v4  }
0x9f: {  	v5 =	vadd.f32 $5.000000000e-01, v5  }
0xa0: {  	v6 =	vadd.f32 $5.000000000e-01, v6;
	v7 =	vsub.f32 v4, v3  }
0xa1: {  	v8 =	vtrunc.f32 v4;
	v9 =	vsub.f32 v5, v3;
	v10 =	vtrunc.f32 v5  }
0xa2: {  	v11 =	vsub.f32 v6, v3;
	v43 =	vtrunc.f32 v6;
	v10 =	vcvt.f32.s32 v10  }
0xa3: {  	vm0 =	vlt.f32 v6, $2.147483650e+09;
	v7 =	vtrunc.f32 v7;
	v9 =	vtrunc.f32 v9  }
0xa4: {  	vm1 =	vlt.f32 v4, $2.147483650e+09;
	v11 =	vtrunc.f32 v11;
	v9 =	vcvt.f32.s32 v9  }
0xa5: {  	vm2 =	vlt.f32 v5, $2.147483650e+09;
	v11 =	vcvt.f32.s32 v11;
	v7 =	vcvt.f32.s32 v7  }
0xa6: {  	v8 =	vcvt.f32.s32 v8;
	v12 =	vcvt.f32.s32 v43;
	v9 =	vxor.u32 $0x80000000, v9  }
0xa7: {  	v11 =	vxor.u32 $0x80000000, v11;
	v7 =	vxor.u32 $0x80000000, v7;
	v9 =	vsel vm2, v10, v9  }
0xa8: {  	v10 =	vsel vm0, v12, v11;
	v7 =	vsel vm1, v8, v7;
	v11 =	vand.u32 $0xFFFF, v9  }
0xa9: {  	v8 =	vshll.u32 v9, $0x8;
	v12 =	vshrl.u32 v10, $0x10;
	v44 =	vshrl.u32 v7, $0x10  }
0xaa: {  	v9 =	vshrl.u32 v9, $0x10;
	v45 =	vand.u32 $0xFFFF, v10;
	v46 =	vshll.u32 v7, $0x4  }
0xab: {  	v7 =	vand.u32 $0xFFFF, v7;
	v16 =	vadd.s32 $0x1, v10;
	v12 =	vcvt.s32.f32 v12  }
0xac: {  	v13 =	vcvt.s32.f32 v44;
	v14 =	vcvt.s32.f32 v45;
	v17 =	vadd.s32 v10, v46  }
0xad: {  	v18 =	vadd.s32 v16, v46;
	v9 =	vcvt.s32.f32 v9;
	v7 =	vcvt.s32.f32 v7  }
0xae: {  	v47 =	vadd.s32 v8, v17;
	v12 =	vmul.f32 $6.553600000e+04, v12;
	v13 =	vmul.f32 $6.553600000e+04, v13  }
0xaf: {  	v11 =	vcvt.s32.f32 v11;
	v15 =	vadd.s32 $0x10, v46;
	v9 =	vmul.f32 $6.553600000e+04, v9  }
0xb0: {  	v19 =	vadd.s32 v8, v18;
	v12 =	vadd.f32 v14, v12;
	v7 =	vadd.f32 v7, v13  }
0xb1: {  	v10 =	vadd.s32 v10, v15;
	v9 =	vadd.f32 v11, v9  }
0xb2: {  	v11 =	vadd.s32 v8, v10;
	v6 =	vsub.f32 v6, v12;
	v4 =	vsub.f32 v4, v7  }
0xb3: {  	v48 =	vadd.s32 v16, v15;
	v7 =	vadd.s32 $0x100, v8;
	v5 =	vsub.f32 v5, v9;
	v9 =	vld.idx.msk [tilespmem:v47+s9+$0x0], $0xffff  }
0xb4: {  	v8 =	vadd.s32 v8, v48;
	v49 =	vsub.f32 $1.000000000e+00, v6;
	v50 =	vsub.f32 $1.000000000e+00, v4  }
0xb5: {  	v51 =	vld.idx.msk [tilespmem:v19+s9+$0x0], $0xffff;
	v52 =	vadd.s32 v17, v7;
	v10 =	vadd.s32 v7, v10;
	v54 =	vmul.f32 v4, v6  }
0xb6: {  	v53 =	vmul.f32 v4, v49;
	v4 =	vsub.f32 $1.000000000e+00, v5;
	v13 =	vmul.f32 v50, v49  }
0xb7: {  	v12 =	vadd.s32 v7, v48;
	v7 =	vadd.s32 v18, v7;
	v11 =	vld.idx.msk [tilespmem:v11+s9+$0x0], $0xffff;
	v6 =	vmul.f32 v50, v6  }
0xb8: {  	v20 =	vshll.u32 v9, $0x10;
	v55 =	vmul.f32 v5, v53;
	v56 =	vmul.f32 v4, v13  }
0xb9: {  	v9 =	vand.u32 $0xFFFF0000, v9;
	v13 =	vmul.f32 v13, v5;
	v21 =	vmul.f32 v4, v6  }
0xba: {  	v8 =	vld.idx.msk [tilespmem:v8+s9+$0x0], $0xffff;
	v57 =	vshll.u32 v51, $0x10;
	v17 =	vmul.f32 v4, v53;
	v20 =	vmul.f32 v20, v56  }
0xbb: {  	v15 =	vand.u32 $0xFFFF0000, v51;
	v4 =	vmul.f32 v4, v54;
	v9 =	vmul.f32 v9, v56  }
0xbc: {  	v16 =	vld.idx.msk [tilespmem:v52+s9+$0x0], $0xffff;
	v18 =	vmul.f32 v57, v21;
	v22 =	vand.u32 $0xFFFF0000, v11;
	v20 =	vadd.f32 $0.0e+00, v20  }
0xbd: {  	v15 =	vmul.f32 v15, v21;
	v11 =	vshll.u32 v11, $0x10;
	v9 =	vadd.f32 $0.0e+00, v9  }
0xbe: {  	v7 =	vld.idx.msk [tilespmem:v7+s9+$0x0], $0xffff;
	v6 =	vmul.f32 v6, v5;
	v11 =	vmul.f32 v11, v17;
	v18 =	vadd.f32 v20, v18  }
0xbf: {  	v58 =	vmul.f32 v22, v17;
	v59 =	vshll.u32 v8, $0x10;
	v9 =	vadd.f32 v9, v15  }
0xc0: {  	v10 =	vld.idx.msk [tilespmem:v10+s9+$0x0], $0xffff;
	v8 =	vand.u32 $0xFFFF0000, v8;
	v15 =	vmul.f32 v59, v4;
	v11 =	vadd.f32 v18, v11  }
0xc1: {  	v8 =	vmul.f32 v8, v4;
	v60 =	vshll.u32 v16, $0x10;
	v9 =	vadd.f32 v9, v58  }
0xc2: {  	v61 =	vand.u32 $0xFFFF0000, v16;
	v4 =	vld.idx.msk [tilespmem:v12+s9+$0x0], $0xffff;
	v62 =	vmul.f32 v60, v13;
	v11 =	vadd.f32 v11, v15  }
0xc3: {  	v63 =	vshll.u32 v7, $0x10;
	v8 =	vadd.f32 v9, v8;
	v9 =	vmul.f32 v61, v13  }
0xc4: {  	v7 =	vand.u32 $0xFFFF0000, v7;
	v12 =	vmul.f32 v63, v6;
	v11 =	vadd.f32 v11, v62  }
0xc5: {  	v6 =	vmul.f32 v7, v6;
	v7 =	vshll.u32 v10, $0x10;
	v8 =	vadd.f32 v8, v9  }
0xc6: {  	s30 =	simm.s32 $0x0;
	s8 =	simm.s32 $0x1000;
	v5 =	vmul.f32 v5, v54;
	v7 =	vmul.f32 v7, v55;
	v9 =	vadd.f32 v11, v12  }
0xc7: {  	s31 =	sand.u32 $0x1C00, s30;
	s1 =	sand.u32 $0x70, s30;
	s6 =	simm.s32 $0xC00;
	v6 =	vadd.f32 v8, v6;
	v8 =	vand.u32 $0xFFFF0000, v10;
	v10 =	vshll.u32 v4, $0x10  }
0xc8: {  	s3 =	simm.s32 $0x0;
	s0 =	simm.s32 $0x10;
	s2 =	simm.s32 $0x1410;
	v7 =	vadd.f32 v9, v7;
	v9 =	vmul.f32 v8, v55;
	v8 =	vmul.f32 v10, v5  }
.LBB2_7:
0xc9: {  	s3 =	sadd.s32 $0x80, s3  }
0xca: {  	v4 =	vand.u32 $0xFFFF0000, v4;
	s6 =	sadd.s32 $0x10, s6;
	s8 =	sadd.s32 $0x10, s8;
	s23 =	smov.u32 s0  }
0xcb: {  	p0 =	sne.s32 s0, $0x3F0;
	s0 =	sadd.s32 $0x10, s0;
	s5 =	sand.u32 $0x1C00, s3;
	v6 =	vadd.f32 v6, v9;
	v7 =	vadd.f32 v7, v8;
	v4 =	vmul.f32 v4, v5  }
0xcc: {  	s1 =	sor.u32 s1, s31;
	s31 =	smov.u32 s5  }
0xcd: {  	v4 =	vadd.f32 v6, v4;
	[tilespmem:s1+$0xB000] =	vst v7;
	_ =	sdelay $0x1  }
0xce: {  	[tilespmem:s1+$0xB080] =	vst v4;
	_ =	sdelay $0x1  }
0xcf: {  	v4 =	vld [tilespmem:s8+$0x0]  }
0xd0: {  	v5 =	vld [tilespmem:s2+$0x0]  }
0xd1: {  	v6 =	vld [tilespmem:s6+$0x0];
	_ =	sdelay $0x2  }
0xd2: {  	v4 =	vmul.f32 $1.500000000e+01, v4  }
0xd3: {  	v5 =	vmul.f32 $1.500000000e+01, v5  }
0xd4: {  	v6 =	vmul.f32 $1.500000000e+01, v6;
	v4 =	vadd.f32 $5.000000000e-01, v4  }
0xd5: {  	v5 =	vadd.f32 $5.000000000e-01, v5  }
0xd6: {  	v6 =	vadd.f32 $5.000000000e-01, v6;
	v7 =	vsub.f32 v4, v3;
	v8 =	vtrunc.f32 v4  }
0xd7: {  	v8 =	vcvt.f32.s32 v8;
	v9 =	vsub.f32 v5, v3;
	v10 =	vtrunc.f32 v5  }
0xd8: {  	v11 =	vsub.f32 v6, v3;
	v12 =	vtrunc.f32 v6;
	v10 =	vcvt.f32.s32 v10  }
0xd9: {  	v7 =	vtrunc.f32 v7;
	v9 =	vtrunc.f32 v9  }
0xda: {  	vm0 =	vlt.f32 v6, $2.147483650e+09;
	v11 =	vtrunc.f32 v11;
	v9 =	vcvt.f32.s32 v9  }
0xdb: {  	vm1 =	vlt.f32 v4, $2.147483650e+09;
	v7 =	vcvt.f32.s32 v7;
	v11 =	vcvt.f32.s32 v11  }
0xdc: {  	vm2 =	vlt.f32 v5, $2.147483650e+09;
	v12 =	vcvt.f32.s32 v12;
	v9 =	vxor.u32 $0x80000000, v9  }
0xdd: {  	v7 =	vxor.u32 $0x80000000, v7;
	v11 =	vxor.u32 $0x80000000, v11;
	v9 =	vsel vm2, v10, v9  }
0xde: {  	v10 =	vsel vm0, v12, v11;
	v11 =	vand.u32 $0xFFFF, v9;
	v12 =	vshll.u32 v9, $0x8  }
0xdf: {  	v7 =	vsel vm1, v8, v7;
	v8 =	vshrl.u32 v10, $0x10;
	v13 =	vadd.s32 $0x100, v12  }
0xe0: {  	v14 =	vshrl.u32 v7, $0x10;
	v15 =	vshll.u32 v7, $0x4;
	v9 =	vshrl.u32 v9, $0x10  }
0xe1: {  	v14 =	vcvt.s32.f32 v14;
	v16 =	vand.u32 $0xFFFF, v10;
	v8 =	vcvt.s32.f32 v8  }
0xe2: {  	v7 =	vand.u32 $0xFFFF, v7;
	v17 =	vadd.s32 $0x1, v10;
	v16 =	vcvt.s32.f32 v16  }
0xe3: {  	v18 =	vadd.s32 v10, v15;
	v19 =	vadd.s32 v17, v15;
	v8 =	vmul.f32 $6.553600000e+04, v8  }
0xe4: {  	v9 =	vcvt.s32.f32 v9;
	v14 =	vmul.f32 $6.553600000e+04, v14;
	v20 =	vadd.s32 v12, v19  }
0xe5: {  	v7 =	vcvt.s32.f32 v7;
	v8 =	vadd.f32 v16, v8;
	v16 =	vadd.s32 v12, v18  }
0xe6: {  	v11 =	vcvt.s32.f32 v11;
	v15 =	vadd.s32 $0x10, v15;
	v9 =	vmul.f32 $6.553600000e+04, v9  }
0xe7: {  	v7 =	vadd.f32 v7, v14;
	v6 =	vsub.f32 v6, v8;
	v8 =	vadd.s32 v10, v15  }
0xe8: {  	v9 =	vadd.f32 v11, v9;
	v11 =	vadd.s32 v17, v15;
	v10 =	vadd.s32 v12, v8  }
0xe9: {  	v14 =	vadd.s32 v18, v13;
	v4 =	vsub.f32 v4, v7;
	v12 =	vadd.s32 v12, v11;
	v7 =	vld.idx.msk [tilespmem:v20+s9+$0x0], $0xffff  }
0xea: {  	v5 =	vsub.f32 v5, v9;
	v8 =	vadd.s32 v13, v8;
	v9 =	vsub.f32 $1.000000000e+00, v6;
	v15 =	vld.idx.msk [tilespmem:v16+s9+$0x0], $0xffff  }
0xeb: {  	v11 =	vadd.s32 v13, v11;
	v17 =	vmul.f32 v4, v6;
	v16 =	vsub.f32 $1.000000000e+00, v4  }
0xec: {  	v13 =	vadd.s32 v19, v13;
	v4 =	vmul.f32 v4, v9  }
0xed: {  	v18 =	vsub.f32 $1.000000000e+00, v5;
	v9 =	vmul.f32 v16, v9;
	v6 =	vmul.f32 v16, v6;
	v10 =	vld.idx.msk [tilespmem:v10+s9+$0x0], $0xffff  }
0xee: {  	v16 =	vmul.f32 v5, v4  }
0xef: {  	v19 =	vmul.f32 v18, v9;
	v9 =	vmul.f32 v9, v5  }
0xf0: {  	v21 =	vmul.f32 v18, v6;
	v20 =	vshll.u32 v15, $0x10;
	v15 =	vand.u32 $0xFFFF0000, v15;
	v12 =	vld.idx.msk [tilespmem:v12+s9+$0x0], $0xffff  }
0xf1: {  	v20 =	vmul.f32 v20, v19;
	v15 =	vmul.f32 v15, v19;
	v19 =	vshll.u32 v7, $0x10  }
0xf2: {  	v4 =	vmul.f32 v18, v4;
	v7 =	vand.u32 $0xFFFF0000, v7;
	v19 =	vmul.f32 v19, v21;
	v14 =	vld.idx.msk [tilespmem:v14+s9+$0x0], $0xffff  }
0xf3: {  	v20 =	vadd.f32 $0.0e+00, v20;
	v15 =	vadd.f32 $0.0e+00, v15;
	v22 =	vand.u32 $0xFFFF0000, v10  }
0xf4: {  	v7 =	vmul.f32 v7, v21;
	v10 =	vshll.u32 v10, $0x10;
	v21 =	vmul.f32 v22, v4;
	v13 =	vld.idx.msk [tilespmem:v13+s9+$0x0], $0xffff  }
0xf5: {  	v4 =	vmul.f32 v10, v4;
	v10 =	vmul.f32 v18, v17;
	v19 =	vadd.f32 v20, v19  }
0xf6: {  	v7 =	vadd.f32 v15, v7;
	v15 =	vshll.u32 v12, $0x10;
	v12 =	vand.u32 $0xFFFF0000, v12;
	v8 =	vld.idx.msk [tilespmem:v8+s9+$0x0], $0xffff  }
0xf7: {  	v6 =	vmul.f32 v6, v5;
	v18 =	vadd.f32 v19, v4;
	v15 =	vmul.f32 v15, v10  }
0xf8: {  	v7 =	vadd.f32 v7, v21;
	v10 =	vmul.f32 v12, v10;
	v12 =	vshll.u32 v14, $0x10;
	v4 =	vld.idx.msk [tilespmem:v11+s9+$0x0], $0xffff  }
0xf9: {  	v14 =	vand.u32 $0xFFFF0000, v14;
	v11 =	vadd.f32 v18, v15;
	v12 =	vmul.f32 v12, v9  }
0xfa: {  	v7 =	vadd.f32 v7, v10;
	v9 =	vmul.f32 v14, v9;
	v10 =	vshll.u32 v13, $0x10  }
.Ltmp2:
0xfb: {  	v11 =	vadd.f32 v11, v12;
	v12 =	vand.u32 $0xFFFF0000, v13;
	v10 =	vmul.f32 v10, v6;
	(pc) =	sbr.rel @p0 .LBB2_7-.Ltmp2, $4  }
0xfc: {  	v7 =	vadd.f32 v7, v9;
	v6 =	vmul.f32 v12, v6;
	v9 =	vshll.u32 v8, $0x10  }
0xfd: {  	v5 =	vmul.f32 v5, v17;
	v10 =	vadd.f32 v11, v10;
	v9 =	vmul.f32 v9, v16  }
0xfe: {  	v8 =	vand.u32 $0xFFFF0000, v8;
	v6 =	vadd.f32 v7, v6;
	v11 =	vshll.u32 v4, $0x10  }
0xff: {  	s1 =	sand.u32 $0x70, s23;
	s2 =	sadd.s32 $0x10, s2;
	v7 =	vadd.f32 v10, v9;
	v9 =	vmul.f32 v8, v16;
	v8 =	vmul.f32 v11, v5  }
0x100: {  	v4 =	vand.u32 $0xFFFF0000, v4  }
0x101: {  	v6 =	vadd.f32 v6, v9;
	v4 =	vmul.f32 v4, v5  }
0x102: {  	v5 =	vadd.f32 v7, v8  }
0x103: {  	s0 =	sor.u32 s1, s31;
	v4 =	vadd.f32 v6, v4  }
0x104: {  	[tilespmem:s0+$0xB000] =	vst v5  }
0x105: {  	[tilespmem:s0+$0xB080] =	vst v4;
	s0 =	simm.s32 $0x0  }
.LBB2_9:
0x106: {  	v4 =	vld [tilespmem:s29+$0x0]  }
0x107: {  	v5 =	vld [tilespmem:s26+$0x0]  }
0x108: {  	v6 =	vld [tilespmem:s28+$0x0];
	_ =	sdelay $0x2  }
0x109: {  	v4 =	vmul.f32 $3.100000000e+01, v4  }
0x10a: {  	v5 =	vmul.f32 $3.100000000e+01, v5  }
0x10b: {  	v6 =	vmul.f32 $3.100000000e+01, v6;
	v4 =	vadd.f32 $5.000000000e-01, v4  }
0x10c: {  	v5 =	vadd.f32 $5.000000000e-01, v5  }
0x10d: {  	v6 =	vadd.f32 $5.000000000e-01, v6;
	v7 =	vsub.f32 v4, v3  }
0x10e: {  	v8 =	vsub.f32 v5, v3;
	v9 =	vtrunc.f32 v4;
	v11 =	vtrunc.f32 v5  }
0x10f: {  	v10 =	vsub.f32 v6, v3;
	v31 =	vtrunc.f32 v6;
	v9 =	vcvt.f32.s32 v9  }
0x110: {  	vm0 =	vlt.f32 v4, $2.147483650e+09;
	v7 =	vtrunc.f32 v7;
	v8 =	vtrunc.f32 v8  }
0x111: {  	vm15 =	vlt.f32 v5, $2.147483650e+09;
	v10 =	vtrunc.f32 v10;
	v7 =	vcvt.f32.s32 v7  }
0x112: {  	vm1 =	vlt.f32 v6, $2.147483650e+09;
	v8 =	vcvt.f32.s32 v8;
	v30 =	vcvt.f32.s32 v10  }
0x113: {  	v11 =	vcvt.f32.s32 v11;
	v10 =	vcvt.f32.s32 v31;
	v7 =	vxor.u32 $0x80000000, v7  }
0x114: {  	v8 =	vxor.u32 $0x80000000, v8;
	v7 =	vsel vm0, v9, v7;
	v9 =	vxor.u32 $0x80000000, v30  }
0x115: {  	v8 =	vsel vm15, v11, v8;
	v9 =	vsel vm1, v10, v9  }
0x116: {  	v32 =	vshrl.u32 v7, $0x10;
	v33 =	vand.u32 $0xFFFF, v7;
	v12 =	vshrl.u32 v8, $0x10  }
0x117: {  	v13 =	vand.u32 $0xFFFF, v8;
	v8 =	vshll.u32 v8, $0x5;
	v10 =	vcvt.s32.f32 v32  }
0x118: {  	v36 =	vadd.s32 $0x1, v7;
	v11 =	vcvt.s32.f32 v33;
	v12 =	vcvt.s32.f32 v12  }
0x119: {  	v13 =	vcvt.s32.f32 v13;
	v14 =	vshrl.u32 v9, $0x10;
	v15 =	vand.u32 $0xFFFF, v9  }
0x11a: {  	v16 =	vadd.s32 v7, v8;
	v9 =	vshll.u32 v9, $0xA;
	v37 =	vadd.s32 v36, v8  }
0x11b: {  	v8 =	vadd.s32 $0x20, v8;
	v14 =	vcvt.s32.f32 v14;
	v17 =	vadd.s32 v9, v16  }
0x11c: {  	v38 =	vadd.s32 v9, v37;
	v10 =	vmul.f32 $6.553600000e+04, v10;
	v12 =	vmul.f32 $6.553600000e+04, v12  }
0x11d: {  	v15 =	vcvt.s32.f32 v15;
	v7 =	vadd.s32 v7, v8;
	v14 =	vmul.f32 $6.553600000e+04, v14  }
0x11e: {  	v19 =	vadd.s32 v9, v7;
	v10 =	vadd.f32 v11, v10;
	v34 =	vadd.f32 v13, v12  }
0x11f: {  	v35 =	vadd.f32 v15, v14  }
0x120: {  	v8 =	vadd.s32 v36, v8;
	v4 =	vsub.f32 v4, v10;
	v5 =	vsub.f32 v5, v34;
	v41 =	vld.idx.msk [tilespmem:v17+s11+$0x0], $0xffff  }
0x121: {  	v21 =	vadd.s32 v9, v8;
	v9 =	vadd.s32 $0x400, v9;
	v11 =	vld.idx.msk [tilespmem:v38+s11+$0x0], $0xffff;
	v6 =	vsub.f32 v6, v35  }
0x122: {  	v16 =	vadd.s32 v16, v9;
	v39 =	vsub.f32 $1.000000000e+00, v4;
	v40 =	vsub.f32 $1.000000000e+00, v5  }
0x123: {  	v7 =	vadd.s32 v9, v7;
	v8 =	vadd.s32 v9, v8;
	v10 =	vadd.s32 v37, v9;
	v19 =	vld.idx.msk [tilespmem:v19+s11+$0x0], $0xffff  }
0x124: {  	v42 =	vsub.f32 $1.000000000e+00, v6;
	v18 =	vmul.f32 v40, v39;
	v14 =	vmul.f32 v40, v4  }
0x125: {  	v12 =	vmul.f32 v5, v39;
	v4 =	vmul.f32 v5, v4;
	v43 =	vshll.u32 v41, $0x10  }
0x126: {  	v21 =	vld.idx.msk [tilespmem:v21+s11+$0x0], $0xffff;
	v15 =	vand.u32 $0xFFFF0000, v41;
	v44 =	vshll.u32 v11, $0x10;
	v20 =	vmul.f32 v42, v18  }
0x127: {  	v11 =	vand.u32 $0xFFFF0000, v11;
	v22 =	vmul.f32 v42, v14;
	v45 =	vmul.f32 v42, v12  }
0x128: {  	v46 =	vshll.u32 v19, $0x10;
	v13 =	vmul.f32 v43, v20;
	v15 =	vmul.f32 v15, v20  }
0x129: {  	v48 =	vand.u32 $0xFFFF0000, v19;
	v17 =	vmul.f32 v42, v4;
	v20 =	vmul.f32 v44, v22  }
0x12a: {  	v47 =	vld.idx.msk [tilespmem:v16+s11+$0x0], $0xffff;
	v11 =	vmul.f32 v11, v22;
	v13 =	vadd.f32 $0.0e+00, v13;
	v15 =	vadd.f32 $0.0e+00, v15  }
0x12b: {  	v49 =	vshll.u32 v21, $0x10;
	v53 =	vmul.f32 v18, v6;
	v14 =	vmul.f32 v14, v6  }
0x12c: {  	v10 =	vld.idx.msk [tilespmem:v10+s11+$0x0], $0xffff;
	v13 =	vadd.f32 v13, v20;
	v5 =	vadd.f32 v15, v11;
	v11 =	vmul.f32 v46, v45  }
0x12d: {  	v52 =	vand.u32 $0xFFFF0000, v21;
	v59 =	vmul.f32 v6, v12;
	v16 =	vmul.f32 v48, v45  }
0x12e: {  	v7 =	vld.idx.msk [tilespmem:v7+s11+$0x0], $0xffff;
	v4 =	vmul.f32 v6, v4;
	v51 =	vmul.f32 v49, v17;
	v50 =	vadd.f32 v13, v11  }
0x12f: {  	v55 =	vshll.u32 v47, $0x10;
	v54 =	vmul.f32 v52, v17;
	v5 =	vadd.f32 v5, v16  }
0x130: {  	v8 =	vld.idx.msk [tilespmem:v8+s11+$0x0], $0xffff;
	v15 =	vand.u32 $0xFFFF0000, v47;
	v13 =	vmul.f32 v55, v53;
	v9 =	vadd.f32 v50, v51  }
0x131: {  	v57 =	vshll.u32 v10, $0x10;
	v56 =	vmul.f32 v15, v53;
	v5 =	vadd.f32 v5, v54  }
0x132: {  	v10 =	vand.u32 $0xFFFF0000, v10;
	v58 =	vmul.f32 v57, v14;
	v9 =	vadd.f32 v9, v13  }
0x133: {  	v60 =	vshll.u32 v7, $0x10;
	v10 =	vmul.f32 v10, v14;
	v5 =	vadd.f32 v5, v56  }
0x134: {  	v7 =	vand.u32 $0xFFFF0000, v7;
	v12 =	vmul.f32 v60, v59;
	v9 =	vadd.f32 v9, v58  }
0x135: {  	v62 =	vshll.u32 v8, $0x10;
	v61 =	vmul.f32 v7, v59;
	v5 =	vadd.f32 v5, v10  }
0x136: {  	p0 =	sne.s32 s0, $0x3F0;
	v8 =	vand.u32 $0xFFFF0000, v8;
	v7 =	vmul.f32 v62, v4;
	v9 =	vadd.f32 v9, v12  }
.Ltmp3:
0x137: {  	v4 =	vmul.f32 v8, v4;
	v5 =	vadd.f32 v5, v61;
	(pc) =	sbr.rel @p0 .LBB2_9-.Ltmp3, $4  }
0x138: {  	s1 =	sand.u32 $0x70, s0;
	s2 =	sand.u32 $0x1C00, s30;
	v63 =	vadd.f32 v9, v7  }
0x139: {  	s1 =	sor.u32 s1, s2;
	v4 =	vadd.f32 v5, v4  }
0x13a: {  	s30 =	sadd.s32 $0x80, s30;
	s29 =	sadd.s32 $0x10, s29;
	[tilespmem:s1+$0xB100] =	vst v63  }
0x13b: {  	s26 =	sadd.s32 $0x10, s26;
	s28 =	sadd.s32 $0x10, s28;
	s0 =	sadd.s32 $0x10, s0;
	[tilespmem:s1+$0xB180] =	vst v4  }
0x13c: {  	s6 =	simm.s32 $0xC00  }
0x13d: {  	s8 =	simm.s32 $0x1000;
	v4 =	vld [tilespmem:s6+$0x0]  }
0x13e: {  	s23 =	simm.s32 $0x1400;
	v5 =	vld [tilespmem:s8+$0x0]  }
0x13f: {  	v7 =	vld [tilespmem:s23+$0x0];
	_ =	sdelay $0x2  }
0x140: {  	v4 =	vmul.f32 $1.270000000e+02, v4  }
0x141: {  	s26 =	simm.s32 $0x0;
	v5 =	vmul.f32 $1.270000000e+02, v5  }
0x142: {  	s28 =	simm.s32 $0x2400;
	s3 =	simm.s32 $0x2800;
	s0 =	simm.s32 $0x2C00;
	v7 =	vmul.f32 $1.270000000e+02, v7;
	v6 =	vadd.f32 $5.000000000e-01, v4  }
0x143: {  	s2 =	simm.s32 $0x5000;
	s29 =	simm.s32 $0x10;
	s1 =	simm.s32 $0x5010;
	v4 =	vadd.f32 $5.000000000e-01, v5  }
0x144: {  	s21 =	simm.s32 $0x2410;
	s22 =	simm.s32 $0x2810;
	s5 =	simm.s32 $0x2C10;
	v5 =	vadd.f32 $5.000000000e-01, v7;
	v8 =	vsub.f32 v6, v3;
	v7 =	vtrunc.f32 v6  }
.LBB2_11:
0x145: {  	v9 =	vsub.f32 v4, v3;
	vm0 =	vlt.f32 v4, $2.147483650e+09;
	v10 =	vtrunc.f32 v4;
	s6 =	sadd.s32 $0x10, s6;
	s8 =	sadd.s32 $0x10, s8;
	s23 =	sadd.s32 $0x10, s23  }
0x146: {  	p0 =	sne.s32 s29, $0x3F0;
	s7 =	smov.u32 s29;
	s29 =	sadd.s32 $0x10, s29;
	v8 =	vtrunc.f32 v8;
	vm1 =	vlt.f32 v5, $2.147483650e+09;
	v11 =	vtrunc.f32 v5  }
0x147: {  	v12 =	vsub.f32 v5, v3;
	v8 =	vcvt.f32.s32 v8;
	v9 =	vtrunc.f32 v9  }
0x148: {  	vm2 =	vlt.f32 v6, $2.147483650e+09;
	v7 =	vcvt.f32.s32 v7;
	v9 =	vcvt.f32.s32 v9  }
0x149: {  	v10 =	vcvt.f32.s32 v10;
	v12 =	vtrunc.f32 v12;
	v8 =	vxor.u32 $0x80000000, v8  }
0x14a: {  	v11 =	vcvt.f32.s32 v11;
	v7 =	vsel vm2, v7, v8;
	v8 =	vcvt.f32.s32 v12  }
0x14b: {  	v9 =	vxor.u32 $0x80000000, v9;
	v12 =	vand.u32 $0xFFFF, v7;
	v13 =	vshrl.u32 v7, $0x10  }
0x14c: {  	v14 =	vadd.s32 $0x1, v7;
	v8 =	vxor.u32 $0x80000000, v8;
	v13 =	vcvt.s32.f32 v13  }
0x14d: {  	v8 =	vsel vm1, v11, v8;
	v11 =	vcvt.s32.f32 v12  }
0x14e: {  	v9 =	vsel vm0, v10, v9;
	v10 =	vmul.f32 $6.553600000e+04, v13;
	v12 =	vshrl.u32 v8, $0x10  }
0x14f: {  	v15 =	vmul.u32 $0x9E3779B1, v9;
	v13 =	vshrl.u32 v9, $0x10;
	v12 =	vcvt.s32.f32 v12  }
0x150: {  	v10 =	vadd.f32 v11, v10;
	v11 =	vand.u32 $0xFFFF, v8;
	v8 =	vmul.u32 $0x30025795, v8  }
0x151: {  	v9 =	vand.u32 $0xFFFF, v9;
	v13 =	vcvt.s32.f32 v13;
	v12 =	vmul.f32 $6.553600000e+04, v12  }
0x152: {  	v6 =	vsub.f32 v6, v10;
	v10 =	vcvt.s32.f32 v11;
	v11 =	vadd.s32 $0x30025795, v8  }
0x153: {  	v16 =	vxor.u32 v7, v15;
	v9 =	vcvt.s32.f32 v9;
	v13 =	vmul.f32 $6.553600000e+04, v13  }
0x154: {  	v10 =	vadd.f32 v10, v12;
	[tilespmem:s28+$0x0] =	vst v6;
	v6 =	vxor.u32 v8, v16;
	v12 =	vxor.u32 v14, v15;
	s28 =	smov.u32 s21  }
0x155: {  	v9 =	vadd.f32 v9, v13;
	v6 =	vand.u32 $0x7FFFF, v6;
	v13 =	vxor.u32 v8, v12  }
0x156: {  	v5 =	vsub.f32 v5, v10;
	v10 =	vand.u32 $0x7FFFF, v13;
	v13 =	vadd.s32 $0x9E3779B1, v15  }
0x157: {  	v4 =	vsub.f32 v4, v9;
	v7 =	vxor.u32 v7, v13;
	v9 =	vxor.u32 v14, v13  }
0x158: {  	v13 =	vxor.u32 v8, v7;
	v8 =	vxor.u32 v8, v9;
	v9 =	vxor.u32 v11, v9  }
0x159: {  	v7 =	vxor.u32 v11, v7;
	[tilespmem:s3+$0x0] =	vst v4;
	v4 =	vand.u32 $0x7FFFF, v8;
	v8 =	vand.u32 $0x7FFFF, v9;
	s3 =	smov.u32 s22  }
0x15a: {  	v9 =	vxor.u32 v16, v11;
	[tilespmem:s0+$0x0] =	vst v5;
	v5 =	vor.u32 $0x180000, v6;
	v6 =	vand.u32 $0x7FFFF, v13;
	s0 =	smov.u32 s5  }
0x15b: {  	s25 =	sand.u32 $0x3F0, s26;
	s26 =	smov.u32 s7;
	v9 =	vand.u32 $0x7FFFF, v9;
	[tilespmem:s2+$0x0] =	vst v5;
	v5 =	vor.u32 $0x180000, v10;
	v10 =	vxor.u32 v12, v11;
	s2 =	smov.u32 s1  }
0x15c: {  	v8 =	vor.u32 $0x180000, v8;
	[tilespmem:s25+$0x5400] =	vst v5;
	v5 =	vand.u32 $0x7FFFF, v10  }
0x15d: {  	v4 =	vor.u32 $0x180000, v4;
	[tilespmem:s25+$0x6C00] =	vst v8  }
0x15e: {  	[tilespmem:s25+$0x5C00] =	vst v4;
	v4 =	vor.u32 $0x180000, v9  }
0x15f: {  	[tilespmem:s25+$0x6000] =	vst v4;
	v4 =	vor.u32 $0x180000, v5;
	v5 =	vand.u32 $0x7FFFF, v7  }
0x160: {  	v6 =	vor.u32 $0x180000, v6;
	[tilespmem:s25+$0x6400] =	vst v4;
	v4 =	vor.u32 $0x180000, v5  }
0x161: {  	[tilespmem:s25+$0x5800] =	vst v6  }
0x162: {  	[tilespmem:s25+$0x6800] =	vst v4  }
0x163: {  	v4 =	vld [tilespmem:s6+$0x0]  }
0x164: {  	v5 =	vld [tilespmem:s8+$0x0]  }
0x165: {  	v7 =	vld [tilespmem:s23+$0x0];
	_ =	sdelay $0x2  }
.Ltmp4:
0x166: {  	v4 =	vmul.f32 $1.270000000e+02, v4;
	(pc) =	sbr.rel @p0 .LBB2_11-.Ltmp4, $4  }
0x167: {  	v5 =	vmul.f32 $1.270000000e+02, v5  }
0x168: {  	v6 =	vadd.f32 $5.000000000e-01, v4;
	v7 =	vmul.f32 $1.270000000e+02, v7  }
0x169: {  	s1 =	sadd.s32 $0x10, s1;
	v4 =	vadd.f32 $5.000000000e-01, v5  }
0x16a: {  	s21 =	sadd.s32 $0x10, s21;
	s22 =	sadd.s32 $0x10, s22;
	s5 =	sadd.s32 $0x10, s5;
	v5 =	vadd.f32 $5.000000000e-01, v7;
	v8 =	vsub.f32 v6, v3;
	v7 =	vtrunc.f32 v6  }
0x16b: {  	v9 =	vsub.f32 v4, v3;
	vm0 =	vlt.f32 v4, $2.147483650e+09  }
0x16c: {  	v10 =	vtrunc.f32 v4;
	vm2 =	vlt.f32 v6, $2.147483650e+09;
	v8 =	vtrunc.f32 v8  }
0x16d: {  	v7 =	vcvt.f32.s32 v7;
	v12 =	vsub.f32 v5, v3;
	v8 =	vcvt.f32.s32 v8  }
0x16e: {  	vm1 =	vlt.f32 v5, $2.147483650e+09;
	v11 =	vtrunc.f32 v5;
	v9 =	vtrunc.f32 v9  }
0x16f: {  	v9 =	vcvt.f32.s32 v9;
	v12 =	vtrunc.f32 v12;
	v8 =	vxor.u32 $0x80000000, v8  }
0x170: {  	v10 =	vcvt.f32.s32 v10;
	v7 =	vsel vm2, v7, v8;
	v8 =	vcvt.f32.s32 v12  }
0x171: {  	v11 =	vcvt.f32.s32 v11;
	v9 =	vxor.u32 $0x80000000, v9;
	v12 =	vshrl.u32 v7, $0x10  }
0x172: {  	v13 =	vand.u32 $0xFFFF, v7;
	v9 =	vsel vm0, v10, v9;
	v8 =	vxor.u32 $0x80000000, v8  }
0x173: {  	v12 =	vcvt.s32.f32 v12;
	v14 =	vmul.u32 $0x9E3779B1, v9;
	v8 =	vsel vm1, v11, v8  }
0x174: {  	v11 =	vcvt.s32.f32 v13;
	v13 =	vshrl.u32 v9, $0x10;
	v9 =	vand.u32 $0xFFFF, v9  }
0x175: {  	v10 =	vmul.f32 $6.553600000e+04, v12;
	v12 =	vshrl.u32 v8, $0x10;
	v13 =	vcvt.s32.f32 v13  }
0x176: {  	v9 =	vcvt.s32.f32 v9;
	v12 =	vcvt.s32.f32 v12  }
0x177: {  	v10 =	vadd.f32 v11, v10;
	v11 =	vand.u32 $0xFFFF, v8;
	v13 =	vmul.f32 $6.553600000e+04, v13  }
0x178: {  	v15 =	vadd.s32 $0x1, v7;
	v12 =	vmul.f32 $6.553600000e+04, v12;
	v11 =	vcvt.s32.f32 v11  }
0x179: {  	v16 =	vxor.u32 v15, v14;
	v8 =	vmul.u32 $0x30025795, v8;
	v9 =	vadd.f32 v9, v13  }
0x17a: {  	v6 =	vsub.f32 v6, v10;
	v13 =	vxor.u32 v7, v14;
	v11 =	vadd.f32 v11, v12  }
0x17b: {  	v10 =	vadd.s32 $0x30025795, v8;
	v12 =	vxor.u32 v8, v13;
	v4 =	vsub.f32 v4, v9  }
0x17c: {  	[tilespmem:s28+$0x0] =	vst v6;
	v6 =	vxor.u32 v8, v16;
	v9 =	vadd.s32 $0x9E3779B1, v14;
	v5 =	vsub.f32 v5, v11  }
0x17d: {  	v11 =	vand.u32 $0x7FFFF, v12;
	v6 =	vand.u32 $0x7FFFF, v6;
	v12 =	vxor.u32 v15, v9;
	[tilespmem:s3+$0x0] =	vst v4  }
0x17e: {  	v4 =	vxor.u32 v7, v9;
	v7 =	vxor.u32 v10, v12;
	[tilespmem:s0+$0x0] =	vst v5;
	v5 =	vor.u32 $0x180000, v11  }
0x17f: {  	s29 =	sand.u32 $0x3F0, s26;
	v9 =	vxor.u32 v8, v12;
	v7 =	vand.u32 $0x7FFFF, v7;
	[tilespmem:s2+$0x0] =	vst v5;
	v5 =	vor.u32 $0x180000, v6  }
0x180: {  	v6 =	vand.u32 $0x7FFFF, v9;
	v9 =	vxor.u32 v13, v10;
	[tilespmem:s29+$0x5400] =	vst v5;
	v5 =	vor.u32 $0x180000, v7  }
0x181: {  	v7 =	vand.u32 $0x7FFFF, v9;
	v9 =	vxor.u32 v16, v10;
	v6 =	vor.u32 $0x180000, v6;
	[tilespmem:s29+$0x6C00] =	vst v5  }
0x182: {  	v5 =	vxor.u32 v8, v4;
	v8 =	vand.u32 $0x7FFFF, v9;
	[tilespmem:s29+$0x5C00] =	vst v6;
	v6 =	vor.u32 $0x180000, v7  }
0x183: {  	v4 =	vxor.u32 v10, v4;
	v5 =	vand.u32 $0x7FFFF, v5;
	[tilespmem:s29+$0x6000] =	vst v6;
	v6 =	vor.u32 $0x180000, v8  }
0x184: {  	v4 =	vand.u32 $0x7FFFF, v4;
	v5 =	vor.u32 $0x180000, v5;
	[tilespmem:s29+$0x6400] =	vst v6  }
0x185: {  	v4 =	vor.u32 $0x180000, v4;
	[tilespmem:s29+$0x5800] =	vst v5  }
0x186: {  	s30 =	simm.s32 $0x2000;
	[tilespmem:s29+$0x6800] =	vst v4  }
0x187: {  	[tilespmem:s16], [sflag:$0x2] =	stream.indirect.gather [hbm4b:s4+s30], $0x1, s15, s30, $0xb8;
	[tilespmem:$0x1C600] =	vst v63  }
0x188: {  	_ =	swait.ge [sflag:s17], $0x2000  }
0x189: {  	[sflag:s17] =	ssyncset.done $0x0  }
0x18a: {  	s0 =	simm.s32 $0x1800;
	[sflag:s17] =	ssyncadd.s32 $0xFFFFE000  }
0x18b: {  	s2 =	simm.s32 $0x1C00;
	v4 =	vld [tilespmem:s0+$0x0]  }
0x18c: {  	v6 =	vld [tilespmem:s2+$0x0]  }
0x18d: {  	s26 =	simm.s32 $0x0;
	s31 =	simm.s32 $0x7000;
	v5 =	vld [tilespmem:s30+$0x0]  }
0x18e: {  	s1 =	sand.u32 $0x3F0, s26;
	v10 =	vld [tilespmem:s31+$0x0]  }
0x18f: {  	v12 =	vld [tilespmem:s1+$0x7400];
	_ =	sdelay $0x1  }
0x190: {  	v20 =	vld [tilespmem:s1+$0x7C00];
	v9 =	vsub.f32 $1.000000000e+00, v4;
	v7 =	vsub.f32 $1.000000000e+00, v6  }
0x191: {  	v8 =	vld [tilespmem:s1+$0x8000];
	v11 =	vmul.f32 v6, v4  }
0x192: {  	v14 =	vsub.f32 $1.000000000e+00, v5;
	v17 =	vshll.u32 v10, $0x10;
	v15 =	vmul.f32 v7, v9  }
0x193: {  	v10 =	vand.u32 $0xFFFF0000, v10;
	v21 =	vshll.u32 v12, $0x10;
	v19 =	vmul.f32 v7, v4  }
0x194: {  	v13 =	vld [tilespmem:s1+$0x7800];
	v12 =	vand.u32 $0xFFFF0000, v12;
	v6 =	vmul.f32 v6, v9;
	v9 =	vmul.f32 v14, v15  }
0x195: {  	v63 =	vshll.u32 v20, $0x10;
	v4 =	vmul.f32 v5, v11;
	v11 =	vmul.f32 v14, v11  }
0x196: {  	v7 =	vshll.u32 v8, $0x10;
	v16 =	vmul.f32 v14, v19;
	v17 =	vmul.f32 v17, v9  }
0x197: {  	v8 =	vand.u32 $0xFFFF0000, v8;
	v18 =	vmul.f32 v14, v6;
	v9 =	vmul.f32 v10, v9  }
0x198: {  	v10 =	vmul.f32 v12, v16;
	v16 =	vmul.f32 v21, v16;
	v17 =	vadd.f32 $0.0e+00, v17  }
0x199: {  	v12 =	vand.u32 $0xFFFF0000, v13;
	v14 =	vadd.f32 $0.0e+00, v9;
	v9 =	vshll.u32 v13, $0x10  }
0x19a: {  	v13 =	vmul.f32 v12, v18;
	v12 =	vadd.f32 v16, v17;
	v16 =	vmul.f32 v9, v18;
	v9 =	vld [tilespmem:s1+$0x8400]  }
0x19b: {  	s6 =	simm.s32 $0x10;
	s7 =	simm.s32 $0x2010;
	s8 =	simm.s32 $0x7010;
	v17 =	vadd.f32 v10, v14;
	v18 =	vand.u32 $0xFFFF0000, v20;
	v14 =	vmul.f32 v15, v5  }
0x19c: {  	s21 =	simm.s32 $0x0;
	s5 =	simm.s32 $0x0;
	s3 =	sand.u32 $0x1C00, s26;
	v10 =	vld [tilespmem:s1+$0x8800];
	v15 =	vadd.f32 v16, v12;
	v16 =	vmul.f32 v63, v11;
	v12 =	vmul.f32 v19, v5  }
.LBB2_13:
0x19d: {  	s21 =	sadd.s32 $0x80, s21  }
0x19e: {  	v13 =	vadd.f32 v13, v17;
	v11 =	vmul.f32 v18, v11;
	v8 =	vmul.f32 v8, v14;
	s0 =	sadd.s32 $0x10, s0;
	s2 =	sadd.s32 $0x10, s2;
	s22 =	smov.u32 s6  }
0x19f: {  	p0 =	sne.s32 s6, $0x3F0;
	s6 =	sadd.s32 $0x10, s6;
	v7 =	vmul.f32 v7, v14;
	s23 =	sand.u32 $0x1C00, s21;
	v15 =	vadd.f32 v16, v15;
	v14 =	vand.u32 $0xFFFF0000, v9;
	v16 =	vld [tilespmem:s1+$0x8C00]  }
0x1a0: {  	v9 =	vshll.u32 v9, $0x10;
	v11 =	vadd.f32 v11, v13;
	v13 =	vmul.f32 v14, v12  }
0x1a1: {  	v5 =	vmul.f32 v5, v6;
	v9 =	vmul.f32 v9, v12;
	v7 =	vadd.f32 v7, v15  }
0x1a2: {  	v6 =	vadd.f32 v8, v11;
	v8 =	vshll.u32 v10, $0x10  }
0x1a3: {  	v7 =	vadd.f32 v9, v7;
	v9 =	vand.u32 $0xFFFF0000, v10;
	v8 =	vmul.f32 v8, v5  }
0x1a4: {  	v6 =	vadd.f32 v13, v6;
	v5 =	vmul.f32 v9, v5;
	v9 =	vshll.u32 v16, $0x10  }
0x1a5: {  	v7 =	vadd.f32 v8, v7;
	v8 =	vand.u32 $0xFFFF0000, v16;
	v9 =	vmul.f32 v9, v4  }
0x1a6: {  	s1 =	sand.u32 $0x3F0, s22;
	v5 =	vadd.f32 v5, v6;
	v4 =	vmul.f32 v8, v4  }
0x1a7: {  	s25 =	sand.u32 $0x70, s5;
	s5 =	smov.u32 s22;
	v6 =	vadd.f32 v9, v7  }
0x1a8: {  	s22 =	sor.u32 s25, s3;
	s3 =	smov.u32 s23;
	v4 =	vadd.f32 v4, v5  }
0x1a9: {  	[tilespmem:s22+$0xB200] =	vst v6  }
0x1aa: {  	[tilespmem:s22+$0xB280] =	vst v4  }
0x1ab: {  	v4 =	vld [tilespmem:s0+$0x0]  }
0x1ac: {  	v6 =	vld [tilespmem:s2+$0x0]  }
0x1ad: {  	v8 =	vld [tilespmem:s1+$0x8000]  }
0x1ae: {  	v5 =	vld [tilespmem:s7+$0x0];
	_ =	sdelay $0x1  }
0x1af: {  	v9 =	vld [tilespmem:s1+$0x7800]  }
0x1b0: {  	v10 =	vsub.f32 $1.000000000e+00, v4;
	v11 =	vsub.f32 $1.000000000e+00, v6;
	v12 =	vld [tilespmem:s8+$0x0];
	v13 =	vmul.f32 v6, v4  }
0x1b1: {  	v14 =	vld [tilespmem:s1+$0x7400];
	v7 =	vshll.u32 v8, $0x10  }
0x1b2: {  	v15 =	vsub.f32 $1.000000000e+00, v5;
	v16 =	vmul.f32 v11, v10;
	v19 =	vmul.f32 v11, v4  }
0x1b3: {  	v6 =	vmul.f32 v6, v10;
	v4 =	vmul.f32 v5, v13  }
0x1b4: {  	v8 =	vand.u32 $0xFFFF0000, v8;
	v10 =	vmul.f32 v15, v16;
	v11 =	vmul.f32 v15, v19  }
0x1b5: {  	v18 =	vmul.f32 v15, v6;
	v17 =	vshll.u32 v12, $0x10;
	v12 =	vand.u32 $0xFFFF0000, v12;
	v20 =	vld [tilespmem:s1+$0x7C00]  }
0x1b6: {  	v17 =	vmul.f32 v17, v10;
	v21 =	vshll.u32 v14, $0x10;
	v14 =	vand.u32 $0xFFFF0000, v14  }
0x1b7: {  	v10 =	vmul.f32 v12, v10;
	v12 =	vmul.f32 v14, v11;
	v14 =	vand.u32 $0xFFFF0000, v9  }
.Ltmp5:
0x1b8: {  	v21 =	vmul.f32 v21, v11;
	v11 =	vmul.f32 v15, v13;
	v17 =	vadd.f32 $0.0e+00, v17;
	(pc) =	sbr.rel @p0 .LBB2_13-.Ltmp5, $4  }
0x1b9: {  	v15 =	vshll.u32 v9, $0x10;
	v10 =	vadd.f32 $0.0e+00, v10;
	v13 =	vmul.f32 v14, v18;
	v9 =	vld [tilespmem:s1+$0x8400]  }
0x1ba: {  	v15 =	vmul.f32 v15, v18;
	v21 =	vadd.f32 v21, v17;
	v22 =	vshll.u32 v20, $0x10  }
0x1bb: {  	v14 =	vmul.f32 v16, v5;
	v17 =	vadd.f32 v12, v10;
	v18 =	vand.u32 $0xFFFF0000, v20  }
0x1bc: {  	s7 =	sadd.s32 $0x10, s7;
	s8 =	sadd.s32 $0x10, s8;
	v12 =	vmul.f32 v19, v5;
	v16 =	vmul.f32 v22, v11;
	v15 =	vadd.f32 v15, v21;
	v10 =	vld [tilespmem:s1+$0x8800]  }
0x1bd: {  	v13 =	vadd.f32 v13, v17;
	v11 =	vmul.f32 v18, v11  }
0x1be: {  	v8 =	vmul.f32 v8, v14;
	v7 =	vmul.f32 v7, v14;
	v54 =	vld [tilespmem:s1+$0x8C00];
	v15 =	vadd.f32 v16, v15  }
0x1bf: {  	v5 =	vmul.f32 v5, v6;
	v56 =	vshll.u32 v9, $0x10;
	v11 =	vadd.f32 v11, v13  }
0x1c0: {  	v55 =	vand.u32 $0xFFFF0000, v9;
	v9 =	vmul.f32 v56, v12;
	v7 =	vadd.f32 v7, v15  }
0x1c1: {  	v57 =	vmul.f32 v55, v12;
	v8 =	vadd.f32 v8, v11;
	v58 =	vshll.u32 v10, $0x10  }
0x1c2: {  	v59 =	vand.u32 $0xFFFF0000, v10;
	v7 =	vadd.f32 v9, v7;
	v60 =	vmul.f32 v58, v5  }
0x1c3: {  	v5 =	vmul.f32 v59, v5;
	v61 =	vshll.u32 v54, $0x10;
	v6 =	vadd.f32 v57, v8  }
0x1c4: {  	v62 =	vand.u32 $0xFFFF0000, v54;
	v8 =	vmul.f32 v61, v4;
	v7 =	vadd.f32 v60, v7  }
0x1c5: {  	v4 =	vmul.f32 v62, v4;
	v5 =	vadd.f32 v5, v6  }
0x1c6: {  	s0 =	sand.u32 $0x70, s5;
	v63 =	vadd.f32 v8, v7  }
0x1c7: {  	s0 =	sor.u32 s0, s3;
	v4 =	vadd.f32 v4, v5  }
0x1c8: {  	[tilespmem:s0+$0xB200] =	vst v63  }
0x1c9: {  	[tilespmem:s0+$0xB280] =	vst v4  }
.LBB2_15:
0x1ca: {  	s29 =	sshll.u32 s26, $0x1  }
0x1cb: {  	s30 =	simm.s32 $0x0;
	s6 =	simm.s32 $0xC00;
	s8 =	simm.s32 $0x1000  }
0x1cc: {  	s23 =	simm.s32 $0x1400;
	s2 =	simm.s32 $0x1800;
	s0 =	sshll.u32 s18, s29  }
0x1cd: {  	s3 =	simm.s32 $0x1C00;
	s31 =	simm.s32 $0x3000;
	s0 =	sadd.s32 $0xFFFFFFFF, s0  }
0x1ce: {  	s1 =	simm.s32 $0x10;
	s28 =	sadd.s32 $0x4, s29;
	s5 =	scvt.s32.f32 s0  }
0x1cf: {  	s21 =	simm.s32 $0x3010;
	s22 =	simm.s32 $0x1810;
	v6 =	vld [tilespmem:s23+$0x0];
	s7 =	sshll.u32 s28, $0x13  }
0x1d0: {  	v7 =	vld [tilespmem:s8+$0x0];
	s0 =	simm.s32 $0x2000;
	v4 =	vmov s7;
	s7 =	simm.s32 $0x2010;
	v5 =	vmov s5;
	s5 =	simm.s32 $0x1C10  }
.LBB2_16:
0x1d1: {  	v8 =	vld [tilespmem:s6+$0x0];
	s6 =	sadd.s32 $0x10, s6;
	s8 =	sadd.s32 $0x10, s8;
	s23 =	sadd.s32 $0x10, s23  }
0x1d2: {  	p0 =	sne.s32 s1, $0x3F0;
	s25 =	smov.u32 s1;
	s1 =	sadd.s32 $0x10, s1  }
0x1d3: {  	_ = 	snop  }
0x1d4: {  	v6 =	vmul.f32 v6, v5  }
0x1d5: {  	v7 =	vmul.f32 v7, v5  }
0x1d6: {  	v8 =	vmul.f32 v8, v5;
	v6 =	vadd.f32 $5.000000000e-01, v6  }
0x1d7: {  	v7 =	vadd.f32 $5.000000000e-01, v7  }
0x1d8: {  	v9 =	vsub.f32 v6, v3  }
0x1d9: {  	v12 =	vtrunc.f32 v6;
	v10 =	vtrunc.f32 v7;
	v11 =	vsub.f32 v7, v3  }
0x1da: {  	v8 =	vadd.f32 $5.000000000e-01, v8;
	v9 =	vtrunc.f32 v9  }
0x1db: {  	vm0 =	vlt.f32 v6, $2.147483650e+09;
	v10 =	vcvt.f32.s32 v10;
	v11 =	vtrunc.f32 v11  }
0x1dc: {  	vm1 =	vlt.f32 v8, $2.147483650e+09;
	v13 =	vsub.f32 v8, v3;
	v11 =	vcvt.f32.s32 v11  }
0x1dd: {  	vm2 =	vlt.f32 v7, $2.147483650e+09;
	v14 =	vtrunc.f32 v8;
	v9 =	vcvt.f32.s32 v9  }
0x1de: {  	v12 =	vcvt.f32.s32 v12;
	v13 =	vtrunc.f32 v13;
	v11 =	vxor.u32 $0x80000000, v11  }
0x1df: {  	v13 =	vcvt.f32.s32 v13;
	v9 =	vxor.u32 $0x80000000, v9;
	v10 =	vsel vm2, v10, v11  }
0x1e0: {  	v9 =	vsel vm0, v12, v9;
	v11 =	vcvt.f32.s32 v14;
	v12 =	vshrl.u32 v10, $0x10  }
0x1e1: {  	v13 =	vxor.u32 $0x80000000, v13;
	v14 =	vshrl.u32 v9, $0x10;
	v12 =	vcvt.s32.f32 v12  }
0x1e2: {  	v14 =	vcvt.s32.f32 v14;
	v11 =	vsel vm1, v11, v13;
	v13 =	vand.u32 $0xFFFF, v9  }
0x1e3: {  	v15 =	vand.u32 $0xFFFF, v11;
	v16 =	vshrl.u32 v11, $0x10;
	v12 =	vmul.f32 $6.553600000e+04, v12  }
0x1e4: {  	v9 =	vmul.u32 $0x30025795, v9;
	v15 =	vcvt.s32.f32 v15;
	v16 =	vcvt.s32.f32 v16  }
0x1e5: {  	v17 =	vmul.u32 $0x9E3779B1, v10;
	v13 =	vcvt.s32.f32 v13  }
0x1e6: {  	v10 =	vand.u32 $0xFFFF, v10;
	v18 =	vadd.s32 $0x1, v11;
	v16 =	vmul.f32 $6.553600000e+04, v16  }
0x1e7: {  	v10 =	vcvt.s32.f32 v10;
	v14 =	vmul.f32 $6.553600000e+04, v14;
	v19 =	vxor.u32 v18, v17  }
0x1e8: {  	v20 =	vadd.s32 $0x30025795, v9;
	v15 =	vadd.f32 v15, v16;
	v16 =	vadd.s32 $0x9E3779B1, v17  }
0x1e9: {  	v10 =	vadd.f32 v10, v12;
	v12 =	vadd.f32 v13, v14;
	v13 =	vxor.u32 v18, v16  }
0x1ea: {  	v14 =	vxor.u32 v11, v17;
	v8 =	vsub.f32 v8, v15;
	v15 =	vxor.u32 v9, v13  }
0x1eb: {  	v7 =	vsub.f32 v7, v10;
	v6 =	vsub.f32 v6, v12;
	v10 =	vxor.u32 v14, v20  }
0x1ec: {  	v12 =	vxor.u32 v9, v19;
	v10 =	vand.u32 $0x7FFFF, v10;
	[tilespmem:s2+$0x0] =	vst v8;
	v8 =	vxor.u32 v9, v14;
	s2 =	smov.u32 s22  }
0x1ed: {  	[tilespmem:s3+$0x0] =	vst v7;
	v7 =	vand.u32 $0x7FFFF, v8;
	v8 =	vxor.u32 v11, v16;
	v11 =	vand.u32 $0x7FFFF, v15;
	s3 =	smov.u32 s5  }
0x1ee: {  	[tilespmem:s0+$0x0] =	vst v6;
	v6 =	vor.u32 v4, v7;
	v7 =	vand.u32 $0x7FFFF, v12;
	v9 =	vxor.u32 v9, v8;
	s0 =	smov.u32 s7  }
0x1ef: {  	s10 =	sand.u32 $0x3F0, s30;
	s30 =	smov.u32 s25;
	v8 =	vxor.u32 v20, v8;
	[tilespmem:s31+$0x0] =	vst v6;
	v6 =	vor.u32 v4, v7;
	v7 =	vand.u32 $0x7FFFF, v9;
	s31 =	smov.u32 s21  }
0x1f0: {  	v8 =	vand.u32 $0x7FFFF, v8;
	[tilespmem:s10+$0x3400] =	vst v6;
	v6 =	vor.u32 v4, v7;
	v7 =	vxor.u32 v19, v20  }
0x1f1: {  	v9 =	vxor.u32 v20, v13;
	[tilespmem:s10+$0x3800] =	vst v6;
	v6 =	vor.u32 v4, v11;
	v7 =	vand.u32 $0x7FFFF, v7  }
0x1f2: {  	v9 =	vand.u32 $0x7FFFF, v9;
	[tilespmem:s10+$0x3C00] =	vst v6;
	v6 =	vor.u32 v4, v10  }
0x1f3: {  	[tilespmem:s10+$0x4000] =	vst v6;
	v6 =	vor.u32 v4, v7  }
.Ltmp6:
0x1f4: {  	[tilespmem:s10+$0x4400] =	vst v6;
	v6 =	vor.u32 v4, v8;
	(pc) =	sbr.rel @p0 .LBB2_16-.Ltmp6, $4  }
0x1f5: {  	[tilespmem:s10+$0x4800] =	vst v6;
	v6 =	vor.u32 v4, v9  }
0x1f6: {  	[tilespmem:s10+$0x4C00] =	vst v6  }
0x1f7: {  	s21 =	sadd.s32 $0x10, s21;
	v6 =	vld [tilespmem:s23+$0x0]  }
0x1f8: {  	s22 =	sadd.s32 $0x10, s22;
	s5 =	sadd.s32 $0x10, s5;
	s7 =	sadd.s32 $0x10, s7;
	v7 =	vld [tilespmem:s8+$0x0]  }
0x1f9: {  	v8 =	vld [tilespmem:s6+$0x0];
	_ =	sdelay $0x2  }
0x1fa: {  	v6 =	vmul.f32 v6, v5  }
0x1fb: {  	v7 =	vmul.f32 v7, v5  }
0x1fc: {  	v5 =	vmul.f32 v8, v5;
	v6 =	vadd.f32 $5.000000000e-01, v6  }
0x1fd: {  	v7 =	vadd.f32 $5.000000000e-01, v7  }
0x1fe: {  	v8 =	vsub.f32 v6, v3;
	v5 =	vadd.f32 $5.000000000e-01, v5  }
0x1ff: {  	v11 =	vtrunc.f32 v6;
	v9 =	vtrunc.f32 v7;
	v10 =	vsub.f32 v7, v3  }
0x200: {  	v11 =	vcvt.f32.s32 v11;
	v8 =	vtrunc.f32 v8;
	v12 =	vsub.f32 v5, v3  }
0x201: {  	v9 =	vcvt.f32.s32 v9;
	v10 =	vtrunc.f32 v10  }
0x202: {  	vm0 =	vlt.f32 v6, $2.147483650e+09;
	v10 =	vcvt.f32.s32 v10;
	v12 =	vtrunc.f32 v12  }
0x203: {  	vm2 =	vlt.f32 v7, $2.147483650e+09;
	v13 =	vtrunc.f32 v5;
	v12 =	vcvt.f32.s32 v12  }
0x204: {  	v8 =	vcvt.f32.s32 v8;
	v13 =	vcvt.f32.s32 v13;
	v10 =	vxor.u32 $0x80000000, v10  }
0x205: {  	vm1 =	vlt.f32 v5, $2.147483650e+09;
	v9 =	vsel vm2, v9, v10;
	v10 =	vxor.u32 $0x80000000, v12  }
0x206: {  	v8 =	vxor.u32 $0x80000000, v8;
	v12 =	vshrl.u32 v9, $0x10;
	v10 =	vsel vm1, v13, v10  }
0x207: {  	v8 =	vsel vm0, v11, v8;
	v11 =	vcvt.s32.f32 v12;
	v12 =	vshrl.u32 v10, $0x10  }
0x208: {  	v14 =	vand.u32 $0xFFFF, v8;
	v13 =	vshrl.u32 v8, $0x10;
	v12 =	vcvt.s32.f32 v12  }
0x209: {  	v14 =	vcvt.s32.f32 v14;
	v13 =	vcvt.s32.f32 v13;
	v15 =	vand.u32 $0xFFFF, v10  }
0x20a: {  	v16 =	vand.u32 $0xFFFF, v9;
	v15 =	vcvt.s32.f32 v15;
	v12 =	vmul.f32 $6.553600000e+04, v12  }
0x20b: {  	v9 =	vmul.u32 $0x9E3779B1, v9;
	v16 =	vcvt.s32.f32 v16;
	v11 =	vmul.f32 $6.553600000e+04, v11  }
0x20c: {  	v8 =	vmul.u32 $0x30025795, v8;
	v13 =	vmul.f32 $6.553600000e+04, v13;
	v12 =	vadd.f32 v15, v12  }
0x20d: {  	v17 =	vadd.s32 $0x1, v10;
	v11 =	vadd.f32 v16, v11;
	v16 =	vadd.s32 $0x9E3779B1, v9  }
0x20e: {  	v13 =	vadd.f32 v14, v13;
	v15 =	vxor.u32 v17, v9;
	v5 =	vsub.f32 v5, v12  }
0x20f: {  	v9 =	vxor.u32 v10, v9;
	v7 =	vsub.f32 v7, v11;
	v11 =	vxor.u32 v17, v16  }
0x210: {  	v6 =	vsub.f32 v6, v13;
	v13 =	vxor.u32 v8, v15;
	[tilespmem:s2+$0x0] =	vst v5;
	v5 =	vxor.u32 v8, v9  }
0x211: {  	v12 =	vadd.s32 $0x30025795, v8;
	[tilespmem:s3+$0x0] =	vst v7;
	v5 =	vand.u32 $0x7FFFF, v5;
	v7 =	vxor.u32 v10, v16  }
0x212: {  	[tilespmem:s0+$0x0] =	vst v6;
	v5 =	vor.u32 v4, v5;
	v6 =	vand.u32 $0x7FFFF, v13;
	v10 =	vxor.u32 v8, v7  }
0x213: {  	s8 =	sand.u32 $0x3F0, s30;
	v8 =	vxor.u32 v8, v11;
	[tilespmem:s31+$0x0] =	vst v5;
	v5 =	vor.u32 v4, v6;
	v6 =	vand.u32 $0x7FFFF, v10  }
0x214: {  	v9 =	vxor.u32 v9, v12;
	v8 =	vand.u32 $0x7FFFF, v8;
	[tilespmem:s8+$0x3400] =	vst v5;
	v5 =	vor.u32 v4, v6  }
0x215: {  	v6 =	vand.u32 $0x7FFFF, v9;
	v9 =	vxor.u32 v15, v12;
	[tilespmem:s8+$0x3800] =	vst v5;
	v5 =	vor.u32 v4, v8  }
0x216: {  	v7 =	vxor.u32 v12, v7;
	v8 =	vand.u32 $0x7FFFF, v9;
	[tilespmem:s8+$0x3C00] =	vst v5;
	v5 =	vor.u32 v4, v6  }
0x217: {  	v6 =	vand.u32 $0x7FFFF, v7;
	v7 =	vxor.u32 v12, v11;
	[tilespmem:s8+$0x4000] =	vst v5;
	v5 =	vor.u32 v4, v8  }
0x218: {  	v7 =	vand.u32 $0x7FFFF, v7;
	[tilespmem:s8+$0x4400] =	vst v5;
	v5 =	vor.u32 v4, v6  }
0x219: {  	v4 =	vor.u32 v4, v7;
	[tilespmem:s8+$0x4800] =	vst v5  }
0x21a: {  	[tilespmem:s8+$0x4C00] =	vst v4  }
0x21b: {  	[tilespmem:s14], [sflag:$0x1] =	stream.indirect.gather [hbm4b:s4+s12], $0x1, s13, s12, $0xb8;
	[tilespmem:$0x1C600] =	vst v63  }
0x21c: {  	_ =	swait.ge [sflag:s19], $0x2000  }
0x21d: {  	[sflag:s19] =	ssyncset.done $0x0  }
0x21e: {  	s6 =	simm.s32 $0x2400;
	[sflag:s19] =	ssyncadd.s32 $0xFFFFE000  }
0x21f: {  	s8 =	simm.s32 $0x2800;
	v4 =	vld [tilespmem:s6+$0x0]  }
0x220: {  	s10 =	simm.s32 $0x2C00;
	v5 =	vld [tilespmem:s8+$0x0]  }
0x221: {  	v19 =	vld [tilespmem:s10+$0x0];
	_ =	sdelay $0x1  }
0x222: {  	s21 =	simm.s32 $0x9000  }
0x223: {  	s23 =	simm.s32 $0x0;
	v8 =	vld [tilespmem:s21+$0x0];
	v6 =	vsub.f32 $1.000000000e+00, v4  }
0x224: {  	s1 =	sshll.u32 s28, $0x1;
	s0 =	sand.u32 $0x3F0, s23;
	v10 =	vsub.f32 $1.000000000e+00, v5  }
0x225: {  	s7 =	simm.s32 $0x10;
	s22 =	sadd.s32 $0xFFFFFFFE, s1;
	s1 =	sadd.s32 $0xFFFFFFFF, s1;
	v12 =	vld [tilespmem:s0+$0x9400];
	v7 =	vmul.f32 v5, v4;
	v9 =	vsub.f32 $1.000000000e+00, v19;
	v5 =	vmul.f32 v5, v6  }
0x226: {  	s24 =	sshll.u32 s22, $0xA;
	s5 =	sshll.u32 s1, $0xA;
	s1 =	sshll.u32 s1, $0x7;
	v6 =	vmul.f32 v10, v6;
	v11 =	vmul.f32 v10, v4  }
0x227: {  	s5 =	sand.u32 $0xFFFFE000, s5;
	s1 =	sand.u32 $0x380, s1;
	s2 =	sshll.u32 s22, $0x7;
	v10 =	vmul.f32 v9, v5;
	v4 =	vmul.f32 v19, v5  }
0x228: {  	s25 =	sor.u32 s1, s5;
	s3 =	sand.u32 $0xFFFFE000, s24;
	s2 =	sand.u32 $0x300, s2;
	v15 =	vshll.u32 v8, $0x10;
	v5 =	vmul.f32 v9, v6;
	v14 =	vmul.f32 v9, v11  }
0x229: {  	s30 =	simm.s32 $0x0;
	s5 =	sadd.s32 $0xB000, s25;
	s2 =	sor.u32 s2, s3;
	v13 =	vld [tilespmem:s0+$0x9800];
	v17 =	vand.u32 $0xFFFF0000, v8;
	v8 =	vmul.f32 v6, v19;
	v6 =	vmul.f32 v11, v19  }
0x22a: {  	s22 =	simm.s32 $0x9010;
	s1 =	sadd.s32 $0xB000, s2;
	s31 =	sand.u32 $0x1C00, s23;
	v11 =	vld [tilespmem:s0+$0x9C00];
	v16 =	vmul.f32 v15, v5;
	v17 =	vmul.f32 v17, v5;
	v5 =	vshll.u32 v12, $0x10  }
0x22b: {  	s3 =	sadd.s32 s31, s1;
	s2 =	sadd.s32 s31, s5;
	s21 =	simm.s32 $0x2C10;
	v18 =	vand.u32 $0xFFFF0000, v12;
	v12 =	vld [tilespmem:s0+$0xA000];
	v15 =	vmul.f32 v5, v14;
	v5 =	vmul.f32 v19, v7  }
.LBB2_18:
0x22c: {  	s23 =	sadd.s32 $0x80, s23  }
0x22d: {  	v16 =	vadd.f32 $0.0e+00, v16;
	v17 =	vadd.f32 $0.0e+00, v17;
	v14 =	vmul.f32 v18, v14;
	s6 =	sadd.s32 $0x10, s6;
	s8 =	sadd.s32 $0x10, s8;
	s25 =	smov.u32 s7  }
0x22e: {  	p0 =	sne.s32 s7, $0x3F0;
	s7 =	sadd.s32 $0x10, s7;
	v18 =	vshll.u32 v13, $0x10;
	v13 =	vand.u32 $0xFFFF0000, v13;
	v7 =	vmul.f32 v9, v7;
	s10 =	sand.u32 $0x1C00, s23  }
0x22f: {  	s31 =	sadd.s32 s10, s1;
	s10 =	sadd.s32 s10, s5;
	v9 =	vadd.f32 v15, v16;
	v15 =	vmul.f32 v18, v10;
	v10 =	vmul.f32 v13, v10;
	v13 =	vld [tilespmem:s0+$0xA400]  }
0x230: {  	v14 =	vadd.f32 v14, v17;
	v16 =	vshll.u32 v11, $0x10;
	v11 =	vand.u32 $0xFFFF0000, v11  }
0x231: {  	v9 =	vadd.f32 v15, v9;
	v15 =	vmul.f32 v16, v7;
	v7 =	vmul.f32 v11, v7;
	v11 =	vld [tilespmem:s0+$0xA800]  }
0x232: {  	v10 =	vadd.f32 v10, v14;
	v14 =	vshll.u32 v12, $0x10;
	v12 =	vand.u32 $0xFFFF0000, v12  }
0x233: {  	v14 =	vmul.f32 v14, v8;
	v8 =	vmul.f32 v12, v8;
	v9 =	vadd.f32 v15, v9;
	v12 =	vld [tilespmem:s0+$0xAC00]  }
0x234: {  	s0 =	sand.u32 $0x3F0, s25;
	v7 =	vadd.f32 v7, v10;
	v10 =	vshll.u32 v13, $0x10  }
0x235: {  	v13 =	vand.u32 $0xFFFF0000, v13;
	v9 =	vadd.f32 v14, v9;
	v10 =	vmul.f32 v10, v6  }
0x236: {  	v7 =	vadd.f32 v8, v7;
	v6 =	vmul.f32 v13, v6;
	v8 =	vshll.u32 v11, $0x10  }
0x237: {  	v9 =	vadd.f32 v10, v9;
	v10 =	vand.u32 $0xFFFF0000, v11;
	v8 =	vmul.f32 v8, v4  }
0x238: {  	v6 =	vadd.f32 v6, v7;
	v4 =	vmul.f32 v10, v4;
	v7 =	vshll.u32 v12, $0x10  }
0x239: {  	v8 =	vadd.f32 v8, v9;
	v9 =	vand.u32 $0xFFFF0000, v12;
	v7 =	vmul.f32 v7, v5  }
0x23a: {  	v4 =	vadd.f32 v4, v6;
	v5 =	vmul.f32 v9, v5  }
0x23b: {  	s24 =	sand.u32 $0x70, s30;
	s30 =	smov.u32 s25;
	v6 =	vadd.f32 v7, v8  }
0x23c: {  	s25 =	sadd.s32 s24, s3;
	s3 =	smov.u32 s31;
	v4 =	vadd.f32 v5, v4  }
0x23d: {  	s24 =	sadd.s32 s24, s2;
	s2 =	smov.u32 s10;
	[tilespmem:s25+$0x0] =	vst v6  }
0x23e: {  	[tilespmem:s24+$0x0] =	vst v4  }
0x23f: {  	v4 =	vld [tilespmem:s6+$0x0]  }
0x240: {  	v5 =	vld [tilespmem:s8+$0x0]  }
0x241: {  	v19 =	vld [tilespmem:s21+$0x0];
	_ =	sdelay $0x2  }
0x242: {  	v6 =	vsub.f32 $1.000000000e+00, v4;
	v8 =	vld [tilespmem:s22+$0x0]  }
0x243: {  	v10 =	vsub.f32 $1.000000000e+00, v5;
	v7 =	vmul.f32 v5, v4  }
0x244: {  	v9 =	vsub.f32 $1.000000000e+00, v19;
	v12 =	vld [tilespmem:s0+$0x9400];
	v5 =	vmul.f32 v5, v6  }
0x245: {  	v6 =	vmul.f32 v10, v6;
	v15 =	vmul.f32 v10, v4  }
.Ltmp7:
0x246: {  	v10 =	vmul.f32 v9, v5;
	v13 =	vld [tilespmem:s0+$0x9800];
	v4 =	vmul.f32 v19, v5;
	(pc) =	sbr.rel @p0 .LBB2_18-.Ltmp7, $4  }
0x247: {  	v5 =	vmul.f32 v9, v6;
	v16 =	vshll.u32 v8, $0x10;
	v14 =	vmul.f32 v9, v15  }
0x248: {  	v17 =	vand.u32 $0xFFFF0000, v8;
	v8 =	vmul.f32 v6, v19;
	v6 =	vmul.f32 v15, v19;
	v11 =	vld [tilespmem:s0+$0x9C00]  }
0x249: {  	v16 =	vmul.f32 v16, v5;
	v17 =	vmul.f32 v17, v5;
	v5 =	vshll.u32 v12, $0x10  }
0x24a: {  	s21 =	sadd.s32 $0x10, s21;
	s22 =	sadd.s32 $0x10, s22;
	v18 =	vand.u32 $0xFFFF0000, v12;
	v15 =	vmul.f32 v5, v14;
	v12 =	vld [tilespmem:s0+$0xA000];
	v5 =	vmul.f32 v19, v7  }
0x24b: {  	v16 =	vadd.f32 $0.0e+00, v16;
	v17 =	vadd.f32 $0.0e+00, v17  }
0x24c: {  	v14 =	vmul.f32 v18, v14;
	v47 =	vshll.u32 v13, $0x10;
	v48 =	vand.u32 $0xFFFF0000, v13  }
0x24d: {  	v7 =	vmul.f32 v9, v7;
	v51 =	vld [tilespmem:s0+$0xA400];
	v50 =	vmul.f32 v47, v10;
	v49 =	vadd.f32 v15, v16  }
0x24e: {  	v52 =	vmul.f32 v48, v10;
	v53 =	vadd.f32 v14, v17;
	v54 =	vshll.u32 v11, $0x10  }
0x24f: {  	v56 =	vld [tilespmem:s0+$0xA800];
	v55 =	vand.u32 $0xFFFF0000, v11;
	v14 =	vmul.f32 v54, v7;
	v9 =	vadd.f32 v50, v49  }
0x250: {  	v7 =	vmul.f32 v55, v7;
	v10 =	vadd.f32 v52, v53;
	v57 =	vshll.u32 v12, $0x10  }
0x251: {  	v59 =	vld [tilespmem:s0+$0xAC00];
	v58 =	vand.u32 $0xFFFF0000, v12;
	v11 =	vmul.f32 v57, v8;
	v9 =	vadd.f32 v14, v9  }
0x252: {  	v8 =	vmul.f32 v58, v8;
	v60 =	vshll.u32 v51, $0x10;
	v7 =	vadd.f32 v7, v10  }
0x253: {  	v61 =	vand.u32 $0xFFFF0000, v51;
	v10 =	vmul.f32 v60, v6;
	v9 =	vadd.f32 v11, v9  }
0x254: {  	v6 =	vmul.f32 v61, v6;
	v7 =	vadd.f32 v8, v7;
	v8 =	vshll.u32 v56, $0x10  }
0x255: {  	v62 =	vand.u32 $0xFFFF0000, v56;
	v8 =	vmul.f32 v8, v4;
	v9 =	vadd.f32 v10, v9  }
0x256: {  	v4 =	vmul.f32 v62, v4;
	v6 =	vadd.f32 v6, v7;
	v7 =	vshll.u32 v59, $0x10  }
0x257: {  	v63 =	vand.u32 $0xFFFF0000, v59;
	v7 =	vmul.f32 v7, v5;
	v8 =	vadd.f32 v8, v9  }
0x258: {  	s23 =	sand.u32 $0x70, s30;
	s24 =	sshll.u32 s20, s29;
	s31 =	sshll.u32 s26, $0x14;
	v5 =	vmul.f32 v63, v5;
	v4 =	vadd.f32 v4, v6  }
0x259: {  	s29 =	simm.s32 $0x0;
	s6 =	simm.s32 $0xC00;
	s8 =	simm.s32 $0x1000;
	v6 =	vadd.f32 v7, v8  }
0x25a: {  	s30 =	simm.s32 $0x5000;
	s1 =	sadd.s32 s23, s3;
	s25 =	sadd.s32 $0xFFFFFFFF, s24;
	v4 =	vadd.f32 v5, v4  }
0x25b: {  	s21 =	simm.s32 $0x5010;
	s0 =	sadd.s32 s23, s2;
	s5 =	scvt.s32.f32 s25;
	[tilespmem:s1+$0x0] =	vst v6  }
0x25c: {  	s22 =	simm.s32 $0x2410;
	s7 =	sadd.s32 $0x280000, s31;
	s23 =	simm.s32 $0x1400;
	[tilespmem:s0+$0x0] =	vst v4  }
0x25d: {  	s2 =	simm.s32 $0x2400;
	s3 =	simm.s32 $0x2800;
	v5 =	vmov s5;
	s5 =	simm.s32 $0x2810;
	v6 =	vld [tilespmem:s23+$0x0]  }
0x25e: {  	s1 =	simm.s32 $0x10;
	s0 =	simm.s32 $0x2C00;
	v4 =	vmov s7;
	s7 =	simm.s32 $0x2C10;
	v7 =	vld [tilespmem:s8+$0x0]  }
.LBB2_20:
0x25f: {  	v8 =	vld [tilespmem:s6+$0x0];
	s6 =	sadd.s32 $0x10, s6;
	s8 =	sadd.s32 $0x10, s8;
	s23 =	sadd.s32 $0x10, s23  }
0x260: {  	p0 =	sne.s32 s1, $0x3F0;
	s25 =	smov.u32 s1;
	s1 =	sadd.s32 $0x10, s1  }
0x261: {  	_ = 	snop  }
0x262: {  	v6 =	vmul.f32 v6, v5  }
0x263: {  	v7 =	vmul.f32 v7, v5  }
0x264: {  	v8 =	vmul.f32 v8, v5;
	v6 =	vadd.f32 $5.000000000e-01, v6  }
0x265: {  	v7 =	vadd.f32 $5.000000000e-01, v7  }
0x266: {  	v9 =	vsub.f32 v6, v3  }
0x267: {  	v12 =	vtrunc.f32 v6;
	v10 =	vtrunc.f32 v7;
	v11 =	vsub.f32 v7, v3  }
0x268: {  	v8 =	vadd.f32 $5.000000000e-01, v8;
	v9 =	vtrunc.f32 v9  }
0x269: {  	vm0 =	vlt.f32 v6, $2.147483650e+09;
	v10 =	vcvt.f32.s32 v10;
	v11 =	vtrunc.f32 v11  }
0x26a: {  	vm1 =	vlt.f32 v8, $2.147483650e+09;
	v13 =	vsub.f32 v8, v3;
	v11 =	vcvt.f32.s32 v11  }
0x26b: {  	vm2 =	vlt.f32 v7, $2.147483650e+09;
	v14 =	vtrunc.f32 v8;
	v9 =	vcvt.f32.s32 v9  }
0x26c: {  	v12 =	vcvt.f32.s32 v12;
	v13 =	vtrunc.f32 v13;
	v11 =	vxor.u32 $0x80000000, v11  }
0x26d: {  	v13 =	vcvt.f32.s32 v13;
	v9 =	vxor.u32 $0x80000000, v9;
	v10 =	vsel vm2, v10, v11  }
0x26e: {  	v9 =	vsel vm0, v12, v9;
	v11 =	vcvt.f32.s32 v14;
	v12 =	vshrl.u32 v10, $0x10  }
0x26f: {  	v13 =	vxor.u32 $0x80000000, v13;
	v14 =	vshrl.u32 v9, $0x10;
	v12 =	vcvt.s32.f32 v12  }
0x270: {  	v14 =	vcvt.s32.f32 v14;
	v11 =	vsel vm1, v11, v13;
	v13 =	vand.u32 $0xFFFF, v9  }
0x271: {  	v15 =	vand.u32 $0xFFFF, v11;
	v16 =	vshrl.u32 v11, $0x10;
	v12 =	vmul.f32 $6.553600000e+04, v12  }
0x272: {  	v9 =	vmul.u32 $0x30025795, v9;
	v15 =	vcvt.s32.f32 v15;
	v16 =	vcvt.s32.f32 v16  }
0x273: {  	v17 =	vmul.u32 $0x9E3779B1, v10;
	v13 =	vcvt.s32.f32 v13  }
0x274: {  	v10 =	vand.u32 $0xFFFF, v10;
	v18 =	vadd.s32 $0x1, v11;
	v16 =	vmul.f32 $6.553600000e+04, v16  }
0x275: {  	v10 =	vcvt.s32.f32 v10;
	v14 =	vmul.f32 $6.553600000e+04, v14;
	v19 =	vxor.u32 v18, v17  }
0x276: {  	v20 =	vadd.s32 $0x30025795, v9;
	v15 =	vadd.f32 v15, v16;
	v16 =	vadd.s32 $0x9E3779B1, v17  }
0x277: {  	v10 =	vadd.f32 v10, v12;
	v12 =	vadd.f32 v13, v14;
	v13 =	vxor.u32 v18, v16  }
0x278: {  	v14 =	vxor.u32 v11, v17;
	v8 =	vsub.f32 v8, v15;
	v15 =	vxor.u32 v9, v13  }
0x279: {  	v7 =	vsub.f32 v7, v10;
	v6 =	vsub.f32 v6, v12;
	v10 =	vxor.u32 v14, v20  }
0x27a: {  	v12 =	vxor.u32 v9, v19;
	v10 =	vand.u32 $0x7FFFF, v10;
	[tilespmem:s2+$0x0] =	vst v8;
	v8 =	vxor.u32 v9, v14;
	s2 =	smov.u32 s22  }
0x27b: {  	[tilespmem:s3+$0x0] =	vst v7;
	v7 =	vand.u32 $0x7FFFF, v8;
	v8 =	vxor.u32 v11, v16;
	v11 =	vand.u32 $0x7FFFF, v15;
	s3 =	smov.u32 s5  }
0x27c: {  	[tilespmem:s0+$0x0] =	vst v6;
	v6 =	vor.u32 v4, v7;
	v7 =	vand.u32 $0x7FFFF, v12;
	v9 =	vxor.u32 v9, v8;
	s0 =	smov.u32 s7  }
0x27d: {  	s10 =	sand.u32 $0x3F0, s29;
	s29 =	smov.u32 s25;
	v8 =	vxor.u32 v20, v8;
	[tilespmem:s30+$0x0] =	vst v6;
	v6 =	vor.u32 v4, v7;
	v7 =	vand.u32 $0x7FFFF, v9;
	s30 =	smov.u32 s21  }
0x27e: {  	v8 =	vand.u32 $0x7FFFF, v8;
	[tilespmem:s10+$0x5400] =	vst v6;
	v6 =	vor.u32 v4, v7;
	v7 =	vxor.u32 v19, v20  }
0x27f: {  	v9 =	vxor.u32 v20, v13;
	[tilespmem:s10+$0x5800] =	vst v6;
	v6 =	vor.u32 v4, v11;
	v7 =	vand.u32 $0x7FFFF, v7  }
0x280: {  	v9 =	vand.u32 $0x7FFFF, v9;
	[tilespmem:s10+$0x5C00] =	vst v6;
	v6 =	vor.u32 v4, v10  }
0x281: {  	[tilespmem:s10+$0x6000] =	vst v6;
	v6 =	vor.u32 v4, v7  }
.Ltmp8:
0x282: {  	[tilespmem:s10+$0x6400] =	vst v6;
	v6 =	vor.u32 v4, v8;
	(pc) =	sbr.rel @p0 .LBB2_20-.Ltmp8, $4  }
0x283: {  	[tilespmem:s10+$0x6800] =	vst v6;
	v6 =	vor.u32 v4, v9  }
0x284: {  	[tilespmem:s10+$0x6C00] =	vst v6  }
0x285: {  	s21 =	sadd.s32 $0x10, s21;
	v6 =	vld [tilespmem:s23+$0x0]  }
0x286: {  	s22 =	sadd.s32 $0x10, s22;
	s5 =	sadd.s32 $0x10, s5;
	s7 =	sadd.s32 $0x10, s7;
	v7 =	vld [tilespmem:s8+$0x0]  }
0x287: {  	v8 =	vld [tilespmem:s6+$0x0];
	_ =	sdelay $0x2  }
0x288: {  	v6 =	vmul.f32 v6, v5  }
0x289: {  	v7 =	vmul.f32 v7, v5  }
0x28a: {  	v5 =	vmul.f32 v8, v5;
	v6 =	vadd.f32 $5.000000000e-01, v6  }
0x28b: {  	v7 =	vadd.f32 $5.000000000e-01, v7  }
0x28c: {  	v8 =	vsub.f32 v6, v3;
	v5 =	vadd.f32 $5.000000000e-01, v5  }
0x28d: {  	v11 =	vtrunc.f32 v6;
	v9 =	vtrunc.f32 v7;
	v10 =	vsub.f32 v7, v3  }
0x28e: {  	v11 =	vcvt.f32.s32 v11;
	v8 =	vtrunc.f32 v8;
	v12 =	vsub.f32 v5, v3  }
0x28f: {  	v9 =	vcvt.f32.s32 v9;
	v10 =	vtrunc.f32 v10  }
0x290: {  	vm0 =	vlt.f32 v6, $2.147483650e+09;
	v10 =	vcvt.f32.s32 v10;
	v12 =	vtrunc.f32 v12  }
0x291: {  	vm2 =	vlt.f32 v7, $2.147483650e+09;
	v13 =	vtrunc.f32 v5;
	v12 =	vcvt.f32.s32 v12  }
0x292: {  	v8 =	vcvt.f32.s32 v8;
	v13 =	vcvt.f32.s32 v13;
	v10 =	vxor.u32 $0x80000000, v10  }
0x293: {  	vm1 =	vlt.f32 v5, $2.147483650e+09;
	v9 =	vsel vm2, v9, v10;
	v10 =	vxor.u32 $0x80000000, v12  }
0x294: {  	v8 =	vxor.u32 $0x80000000, v8;
	v12 =	vshrl.u32 v9, $0x10;
	v10 =	vsel vm1, v13, v10  }
0x295: {  	v8 =	vsel vm0, v11, v8;
	v11 =	vcvt.s32.f32 v12;
	v12 =	vshrl.u32 v10, $0x10  }
0x296: {  	v14 =	vand.u32 $0xFFFF, v8;
	v13 =	vshrl.u32 v8, $0x10;
	v12 =	vcvt.s32.f32 v12  }
0x297: {  	v14 =	vcvt.s32.f32 v14;
	v13 =	vcvt.s32.f32 v13;
	v15 =	vand.u32 $0xFFFF, v10  }
0x298: {  	v16 =	vand.u32 $0xFFFF, v9;
	v15 =	vcvt.s32.f32 v15;
	v12 =	vmul.f32 $6.553600000e+04, v12  }
0x299: {  	v9 =	vmul.u32 $0x9E3779B1, v9;
	v16 =	vcvt.s32.f32 v16;
	v11 =	vmul.f32 $6.553600000e+04, v11  }
0x29a: {  	v8 =	vmul.u32 $0x30025795, v8;
	v13 =	vmul.f32 $6.553600000e+04, v13;
	v12 =	vadd.f32 v15, v12  }
0x29b: {  	v17 =	vadd.s32 $0x1, v10;
	v11 =	vadd.f32 v16, v11;
	v16 =	vadd.s32 $0x9E3779B1, v9  }
0x29c: {  	v13 =	vadd.f32 v14, v13;
	v15 =	vxor.u32 v17, v9;
	v5 =	vsub.f32 v5, v12  }
0x29d: {  	v9 =	vxor.u32 v10, v9;
	v7 =	vsub.f32 v7, v11;
	v11 =	vxor.u32 v17, v16  }
0x29e: {  	v6 =	vsub.f32 v6, v13;
	v13 =	vxor.u32 v8, v15;
	[tilespmem:s2+$0x0] =	vst v5;
	v5 =	vxor.u32 v8, v9  }
0x29f: {  	v12 =	vadd.s32 $0x30025795, v8;
	[tilespmem:s3+$0x0] =	vst v7;
	v5 =	vand.u32 $0x7FFFF, v5;
	v7 =	vxor.u32 v10, v16  }
0x2a0: {  	[tilespmem:s0+$0x0] =	vst v6;
	v5 =	vor.u32 v4, v5;
	v6 =	vand.u32 $0x7FFFF, v13;
	v10 =	vxor.u32 v8, v7  }
0x2a1: {  	s24 =	sand.u32 $0x3F0, s29;
	v8 =	vxor.u32 v8, v11;
	[tilespmem:s30+$0x0] =	vst v5;
	v5 =	vor.u32 v4, v6;
	v6 =	vand.u32 $0x7FFFF, v10  }
0x2a2: {  	v9 =	vxor.u32 v9, v12;
	v8 =	vand.u32 $0x7FFFF, v8;
	[tilespmem:s24+$0x5400] =	vst v5;
	v5 =	vor.u32 v4, v6  }
0x2a3: {  	v6 =	vand.u32 $0x7FFFF, v9;
	v9 =	vxor.u32 v15, v12;
	[tilespmem:s24+$0x5800] =	vst v5;
	v5 =	vor.u32 v4, v8  }
0x2a4: {  	v7 =	vxor.u32 v12, v7;
	v8 =	vand.u32 $0x7FFFF, v9;
	[tilespmem:s24+$0x5C00] =	vst v5;
	v5 =	vor.u32 v4, v6  }
0x2a5: {  	v6 =	vand.u32 $0x7FFFF, v7;
	v7 =	vxor.u32 v12, v11;
	[tilespmem:s24+$0x6000] =	vst v5;
	v5 =	vor.u32 v4, v8  }
0x2a6: {  	v7 =	vand.u32 $0x7FFFF, v7;
	[tilespmem:s24+$0x6400] =	vst v5;
	v5 =	vor.u32 v4, v6  }
0x2a7: {  	v4 =	vor.u32 v4, v7;
	[tilespmem:s24+$0x6800] =	vst v5  }
0x2a8: {  	s5 =	simm.s32 $0x2000;
	[tilespmem:s24+$0x6C00] =	vst v4  }
0x2a9: {  	[tilespmem:s16], [sflag:$0x2] =	stream.indirect.gather [hbm4b:s4+s5], $0x1, s15, s5, $0xb8;
	[tilespmem:$0x1C600] =	vst v63  }
0x2aa: {  	_ =	swait.ge [sflag:s17], $0x2000  }
0x2ab: {  	[sflag:s17] =	ssyncset.done $0x0  }
0x2ac: {  	s0 =	simm.s32 $0x1800;
	[sflag:s17] =	ssyncadd.s32 $0xFFFFE000  }
0x2ad: {  	s2 =	simm.s32 $0x1C00;
	v4 =	vld [tilespmem:s0+$0x0]  }
0x2ae: {  	v6 =	vld [tilespmem:s2+$0x0]  }
0x2af: {  	s25 =	simm.s32 $0x7000;
	s3 =	simm.s32 $0x0;
	v5 =	vld [tilespmem:s5+$0x0]  }
0x2b0: {  	s1 =	sand.u32 $0x3F0, s3;
	v10 =	vld [tilespmem:s25+$0x0]  }
0x2b1: {  	v12 =	vld [tilespmem:s1+$0x7400];
	_ =	sdelay $0x1  }
0x2b2: {  	v20 =	vld [tilespmem:s1+$0x7C00];
	v9 =	vsub.f32 $1.000000000e+00, v4;
	v7 =	vsub.f32 $1.000000000e+00, v6  }
0x2b3: {  	v8 =	vld [tilespmem:s1+$0x8000];
	v11 =	vmul.f32 v6, v4  }
0x2b4: {  	v14 =	vsub.f32 $1.000000000e+00, v5;
	v17 =	vshll.u32 v10, $0x10;
	v15 =	vmul.f32 v7, v9  }
0x2b5: {  	v10 =	vand.u32 $0xFFFF0000, v10;
	v21 =	vshll.u32 v12, $0x10;
	v19 =	vmul.f32 v7, v4  }
0x2b6: {  	v13 =	vld [tilespmem:s1+$0x7800];
	v12 =	vand.u32 $0xFFFF0000, v12;
	v6 =	vmul.f32 v6, v9;
	v9 =	vmul.f32 v14, v15  }
0x2b7: {  	v63 =	vshll.u32 v20, $0x10;
	v4 =	vmul.f32 v5, v11;
	v11 =	vmul.f32 v14, v11  }
0x2b8: {  	v7 =	vshll.u32 v8, $0x10;
	v16 =	vmul.f32 v14, v19;
	v17 =	vmul.f32 v17, v9  }
0x2b9: {  	v8 =	vand.u32 $0xFFFF0000, v8;
	v18 =	vmul.f32 v14, v6;
	v9 =	vmul.f32 v10, v9  }
0x2ba: {  	s29 =	sshll.u32 s28, $0xB;
	s30 =	sshll.u32 s26, $0x9;
	v10 =	vmul.f32 v12, v16;
	v16 =	vmul.f32 v21, v16;
	v17 =	vadd.f32 $0.0e+00, v17  }
0x2bb: {  	s6 =	sand.u32 $0x200, s30;
	s5 =	sand.u32 $0xE000, s29;
	v12 =	vand.u32 $0xFFFF0000, v13;
	v14 =	vadd.f32 $0.0e+00, v9;
	v9 =	vshll.u32 v13, $0x10  }
0x2bc: {  	s8 =	simm.s32 $0x10;
	s5 =	sor.u32 s6, s5;
	v13 =	vmul.f32 v12, v18;
	v12 =	vadd.f32 v16, v17;
	v16 =	vmul.f32 v9, v18;
	v9 =	vld [tilespmem:s1+$0x8400]  }
0x2bd: {  	s21 =	simm.s32 $0x2010;
	s31 =	sand.u32 $0x1C00, s3;
	s7 =	sadd.s32 $0xB000, s5;
	v17 =	vadd.f32 v10, v14;
	v18 =	vand.u32 $0xFFFF0000, v20;
	v14 =	vmul.f32 v15, v5  }
0x2be: {  	s22 =	simm.s32 $0x7010;
	s5 =	simm.s32 $0x0;
	s6 =	sadd.s32 s31, s7;
	v10 =	vld [tilespmem:s1+$0x8800];
	v15 =	vadd.f32 v16, v12;
	v16 =	vmul.f32 v63, v11;
	v12 =	vmul.f32 v19, v5  }
.LBB2_22:
0x2bf: {  	s3 =	sadd.s32 $0x80, s3  }
0x2c0: {  	v13 =	vadd.f32 v13, v17;
	v11 =	vmul.f32 v18, v11;
	v8 =	vmul.f32 v8, v14;
	s0 =	sadd.s32 $0x10, s0;
	s2 =	sadd.s32 $0x10, s2;
	s10 =	smov.u32 s8  }
0x2c1: {  	p0 =	sne.s32 s8, $0x3F0;
	s8 =	sadd.s32 $0x10, s8;
	v7 =	vmul.f32 v7, v14;
	s23 =	sand.u32 $0x1C00, s3;
	v15 =	vadd.f32 v16, v15;
	v14 =	vand.u32 $0xFFFF0000, v9;
	v16 =	vld [tilespmem:s1+$0x8C00]  }
0x2c2: {  	v9 =	vshll.u32 v9, $0x10;
	s23 =	sadd.s32 s23, s7;
	v11 =	vadd.f32 v11, v13;
	v13 =	vmul.f32 v14, v12  }
0x2c3: {  	v5 =	vmul.f32 v5, v6;
	v9 =	vmul.f32 v9, v12;
	v7 =	vadd.f32 v7, v15  }
0x2c4: {  	v6 =	vadd.f32 v8, v11;
	v8 =	vshll.u32 v10, $0x10  }
0x2c5: {  	v7 =	vadd.f32 v9, v7;
	v9 =	vand.u32 $0xFFFF0000, v10;
	v8 =	vmul.f32 v8, v5  }
0x2c6: {  	v6 =	vadd.f32 v13, v6;
	v5 =	vmul.f32 v9, v5;
	v9 =	vshll.u32 v16, $0x10  }
0x2c7: {  	v7 =	vadd.f32 v8, v7;
	v8 =	vand.u32 $0xFFFF0000, v16;
	v9 =	vmul.f32 v9, v4  }
0x2c8: {  	s1 =	sand.u32 $0x3F0, s10;
	v5 =	vadd.f32 v5, v6;
	v4 =	vmul.f32 v8, v4  }
0x2c9: {  	s24 =	sand.u32 $0x70, s5;
	s5 =	smov.u32 s10;
	v6 =	vadd.f32 v9, v7  }
0x2ca: {  	s10 =	sadd.s32 s24, s6;
	s6 =	smov.u32 s23;
	v4 =	vadd.f32 v4, v5  }
0x2cb: {  	[tilespmem:s10+$0x0] =	vst v6  }
0x2cc: {  	[tilespmem:s10+$0x80] =	vst v4  }
0x2cd: {  	v4 =	vld [tilespmem:s0+$0x0]  }
0x2ce: {  	v6 =	vld [tilespmem:s2+$0x0]  }
0x2cf: {  	v8 =	vld [tilespmem:s1+$0x8000]  }
0x2d0: {  	v5 =	vld [tilespmem:s21+$0x0];
	_ =	sdelay $0x1  }
0x2d1: {  	v9 =	vld [tilespmem:s1+$0x7800]  }
0x2d2: {  	v10 =	vsub.f32 $1.000000000e+00, v4;
	v11 =	vsub.f32 $1.000000000e+00, v6;
	v12 =	vld [tilespmem:s22+$0x0];
	v13 =	vmul.f32 v6, v4  }
0x2d3: {  	v14 =	vld [tilespmem:s1+$0x7400];
	v7 =	vshll.u32 v8, $0x10  }
0x2d4: {  	v15 =	vsub.f32 $1.000000000e+00, v5;
	v16 =	vmul.f32 v11, v10;
	v19 =	vmul.f32 v11, v4  }
0x2d5: {  	v6 =	vmul.f32 v6, v10;
	v4 =	vmul.f32 v5, v13  }
0x2d6: {  	v8 =	vand.u32 $0xFFFF0000, v8;
	v10 =	vmul.f32 v15, v16;
	v11 =	vmul.f32 v15, v19  }
0x2d7: {  	v18 =	vmul.f32 v15, v6;
	v17 =	vshll.u32 v12, $0x10;
	v12 =	vand.u32 $0xFFFF0000, v12;
	v20 =	vld [tilespmem:s1+$0x7C00]  }
0x2d8: {  	v17 =	vmul.f32 v17, v10;
	v21 =	vshll.u32 v14, $0x10;
	v14 =	vand.u32 $0xFFFF0000, v14  }
0x2d9: {  	v10 =	vmul.f32 v12, v10;
	v12 =	vmul.f32 v14, v11;
	v14 =	vand.u32 $0xFFFF0000, v9  }
.Ltmp9:
0x2da: {  	v21 =	vmul.f32 v21, v11;
	v11 =	vmul.f32 v15, v13;
	v17 =	vadd.f32 $0.0e+00, v17;
	(pc) =	sbr.rel @p0 .LBB2_22-.Ltmp9, $4  }
0x2db: {  	v15 =	vshll.u32 v9, $0x10;
	v10 =	vadd.f32 $0.0e+00, v10;
	v13 =	vmul.f32 v14, v18;
	v9 =	vld [tilespmem:s1+$0x8400]  }
0x2dc: {  	v15 =	vmul.f32 v15, v18;
	v21 =	vadd.f32 v21, v17;
	v22 =	vshll.u32 v20, $0x10  }
0x2dd: {  	v14 =	vmul.f32 v16, v5;
	v17 =	vadd.f32 v12, v10;
	v18 =	vand.u32 $0xFFFF0000, v20  }
0x2de: {  	s21 =	sadd.s32 $0x10, s21;
	s22 =	sadd.s32 $0x10, s22;
	v12 =	vmul.f32 v19, v5;
	v16 =	vmul.f32 v22, v11;
	v15 =	vadd.f32 v15, v21;
	v10 =	vld [tilespmem:s1+$0x8800]  }
0x2df: {  	v13 =	vadd.f32 v13, v17;
	v11 =	vmul.f32 v18, v11  }
0x2e0: {  	v8 =	vmul.f32 v8, v14;
	v7 =	vmul.f32 v7, v14;
	v54 =	vld [tilespmem:s1+$0x8C00];
	v15 =	vadd.f32 v16, v15  }
0x2e1: {  	v5 =	vmul.f32 v5, v6;
	v56 =	vshll.u32 v9, $0x10;
	v11 =	vadd.f32 v11, v13  }
0x2e2: {  	v55 =	vand.u32 $0xFFFF0000, v9;
	v9 =	vmul.f32 v56, v12;
	v7 =	vadd.f32 v7, v15  }
0x2e3: {  	v57 =	vmul.f32 v55, v12;
	v8 =	vadd.f32 v8, v11;
	v58 =	vshll.u32 v10, $0x10  }
0x2e4: {  	v59 =	vand.u32 $0xFFFF0000, v10;
	v7 =	vadd.f32 v9, v7;
	v60 =	vmul.f32 v58, v5  }
0x2e5: {  	s26 =	sadd.s32 $0x1, s26;
	v5 =	vmul.f32 v59, v5;
	v61 =	vshll.u32 v54, $0x10;
	v6 =	vadd.f32 v57, v8  }
0x2e6: {  	p0 =	sne.s32 s26, $0x6;
	v62 =	vand.u32 $0xFFFF0000, v54;
	v8 =	vmul.f32 v61, v4;
	v7 =	vadd.f32 v60, v7  }
.Ltmp10:
0x2e7: {  	v4 =	vmul.f32 v62, v4;
	v5 =	vadd.f32 v5, v6;
	(pc) =	sbr.rel @p0 .LBB2_15-.Ltmp10, $4  }
0x2e8: {  	s0 =	sand.u32 $0x70, s5;
	v63 =	vadd.f32 v8, v7  }
0x2e9: {  	s0 =	sadd.s32 s0, s6;
	v4 =	vadd.f32 v4, v5  }
0x2ea: {  	[tilespmem:s0+$0x0] =	vst v63  }
0x2eb: {  	[tilespmem:s0+$0x80] =	vst v4  }
0x2ec: {  	_ =	swait.ge [sflag:s19], $0x2000  }
0x2ed: {  	[sflag:s19] =	ssyncset.done $0x0  }
0x2ee: {  	s0 =	simm.s32 $0x2400;
	[sflag:s19] =	ssyncadd.s32 $0xFFFFE000  }
0x2ef: {  	s2 =	simm.s32 $0x2800;
	v4 =	vld [tilespmem:s0+$0x0]  }
0x2f0: {  	s5 =	simm.s32 $0x2C00;
	v6 =	vld [tilespmem:s2+$0x0]  }
0x2f1: {  	s3 =	simm.s32 $0x0;
	s31 =	simm.s32 $0x9000;
	v5 =	vld [tilespmem:s5+$0x0]  }
0x2f2: {  	s1 =	sand.u32 $0x3F0, s3;
	v10 =	vld [tilespmem:s31+$0x0]  }
0x2f3: {  	v12 =	vld [tilespmem:s1+$0x9400];
	_ =	sdelay $0x1  }
0x2f4: {  	v20 =	vld [tilespmem:s1+$0x9C00];
	v9 =	vsub.f32 $1.000000000e+00, v4;
	v7 =	vsub.f32 $1.000000000e+00, v6  }
0x2f5: {  	v8 =	vld [tilespmem:s1+$0xA000];
	v11 =	vmul.f32 v6, v4  }
0x2f6: {  	v14 =	vsub.f32 $1.000000000e+00, v5;
	v17 =	vshll.u32 v10, $0x10;
	v15 =	vmul.f32 v7, v9  }
0x2f7: {  	v10 =	vand.u32 $0xFFFF0000, v10;
	v21 =	vshll.u32 v12, $0x10;
	v19 =	vmul.f32 v7, v4  }
0x2f8: {  	v13 =	vld [tilespmem:s1+$0x9800];
	v12 =	vand.u32 $0xFFFF0000, v12;
	v6 =	vmul.f32 v6, v9;
	v9 =	vmul.f32 v14, v15  }
0x2f9: {  	v63 =	vshll.u32 v20, $0x10;
	v4 =	vmul.f32 v5, v11;
	v11 =	vmul.f32 v14, v11  }
0x2fa: {  	v7 =	vshll.u32 v8, $0x10;
	v16 =	vmul.f32 v14, v19;
	v17 =	vmul.f32 v17, v9  }
0x2fb: {  	v8 =	vand.u32 $0xFFFF0000, v8;
	v18 =	vmul.f32 v14, v6;
	v9 =	vmul.f32 v10, v9  }
0x2fc: {  	v10 =	vmul.f32 v12, v16;
	v16 =	vmul.f32 v21, v16;
	v17 =	vadd.f32 $0.0e+00, v17  }
0x2fd: {  	v12 =	vand.u32 $0xFFFF0000, v13;
	v14 =	vadd.f32 $0.0e+00, v9;
	v9 =	vshll.u32 v13, $0x10  }
0x2fe: {  	v13 =	vmul.f32 v12, v18;
	v12 =	vadd.f32 v16, v17;
	v16 =	vmul.f32 v9, v18;
	v9 =	vld [tilespmem:s1+$0xA400]  }
0x2ff: {  	s7 =	simm.s32 $0x10;
	s8 =	simm.s32 $0x2C10;
	v17 =	vadd.f32 v10, v14;
	v18 =	vand.u32 $0xFFFF0000, v20;
	v14 =	vmul.f32 v15, v5  }
0x300: {  	s21 =	simm.s32 $0x9010;
	s6 =	sand.u32 $0x1C00, s3;
	s5 =	simm.s32 $0x0;
	v10 =	vld [tilespmem:s1+$0xA800];
	v15 =	vadd.f32 v16, v12;
	v16 =	vmul.f32 v63, v11;
	v12 =	vmul.f32 v19, v5  }
.LBB2_25:
0x301: {  	s3 =	sadd.s32 $0x80, s3  }
0x302: {  	v13 =	vadd.f32 v13, v17;
	v11 =	vmul.f32 v18, v11;
	v8 =	vmul.f32 v8, v14;
	s0 =	sadd.s32 $0x10, s0;
	s2 =	sadd.s32 $0x10, s2;
	s10 =	smov.u32 s7  }
0x303: {  	p0 =	sne.s32 s7, $0x3F0;
	s7 =	sadd.s32 $0x10, s7;
	v7 =	vmul.f32 v7, v14;
	s22 =	sand.u32 $0x1C00, s3;
	v15 =	vadd.f32 v16, v15;
	v14 =	vand.u32 $0xFFFF0000, v9;
	v16 =	vld [tilespmem:s1+$0xAC00]  }
0x304: {  	v9 =	vshll.u32 v9, $0x10;
	v11 =	vadd.f32 v11, v13;
	v13 =	vmul.f32 v14, v12  }
0x305: {  	v5 =	vmul.f32 v5, v6;
	v9 =	vmul.f32 v9, v12;
	v7 =	vadd.f32 v7, v15  }
0x306: {  	v6 =	vadd.f32 v8, v11;
	v8 =	vshll.u32 v10, $0x10  }
0x307: {  	v7 =	vadd.f32 v9, v7;
	v9 =	vand.u32 $0xFFFF0000, v10;
	v8 =	vmul.f32 v8, v5  }
0x308: {  	v6 =	vadd.f32 v13, v6;
	v5 =	vmul.f32 v9, v5;
	v9 =	vshll.u32 v16, $0x10  }
0x309: {  	v7 =	vadd.f32 v8, v7;
	v8 =	vand.u32 $0xFFFF0000, v16;
	v9 =	vmul.f32 v9, v4  }
0x30a: {  	s1 =	sand.u32 $0x3F0, s10;
	v5 =	vadd.f32 v5, v6;
	v4 =	vmul.f32 v8, v4  }
0x30b: {  	s23 =	sand.u32 $0x70, s5;
	s5 =	smov.u32 s10;
	v6 =	vadd.f32 v9, v7  }
0x30c: {  	s10 =	sor.u32 s23, s6;
	s6 =	smov.u32 s22;
	v4 =	vadd.f32 v4, v5  }
0x30d: {  	[tilespmem:s10+$0x11300] =	vst v6  }
0x30e: {  	[tilespmem:s10+$0x11380] =	vst v4  }
0x30f: {  	v4 =	vld [tilespmem:s0+$0x0]  }
0x310: {  	v6 =	vld [tilespmem:s2+$0x0]  }
0x311: {  	v8 =	vld [tilespmem:s1+$0xA000]  }
0x312: {  	v5 =	vld [tilespmem:s8+$0x0];
	_ =	sdelay $0x1  }
0x313: {  	v9 =	vld [tilespmem:s1+$0x9800]  }
0x314: {  	v10 =	vsub.f32 $1.000000000e+00, v4;
	v11 =	vsub.f32 $1.000000000e+00, v6;
	v12 =	vld [tilespmem:s21+$0x0];
	v13 =	vmul.f32 v6, v4  }
0x315: {  	v14 =	vld [tilespmem:s1+$0x9400];
	v7 =	vshll.u32 v8, $0x10  }
0x316: {  	v15 =	vsub.f32 $1.000000000e+00, v5;
	v16 =	vmul.f32 v11, v10;
	v19 =	vmul.f32 v11, v4  }
0x317: {  	v6 =	vmul.f32 v6, v10;
	v4 =	vmul.f32 v5, v13  }
0x318: {  	v8 =	vand.u32 $0xFFFF0000, v8;
	v10 =	vmul.f32 v15, v16;
	v11 =	vmul.f32 v15, v19  }
0x319: {  	v18 =	vmul.f32 v15, v6;
	v17 =	vshll.u32 v12, $0x10;
	v12 =	vand.u32 $0xFFFF0000, v12;
	v20 =	vld [tilespmem:s1+$0x9C00]  }
0x31a: {  	v17 =	vmul.f32 v17, v10;
	v21 =	vshll.u32 v14, $0x10;
	v14 =	vand.u32 $0xFFFF0000, v14  }
0x31b: {  	v10 =	vmul.f32 v12, v10;
	v12 =	vmul.f32 v14, v11;
	v14 =	vand.u32 $0xFFFF0000, v9  }
.Ltmp11:
0x31c: {  	v21 =	vmul.f32 v21, v11;
	v11 =	vmul.f32 v15, v13;
	v17 =	vadd.f32 $0.0e+00, v17;
	(pc) =	sbr.rel @p0 .LBB2_25-.Ltmp11, $4  }
0x31d: {  	v15 =	vshll.u32 v9, $0x10;
	v10 =	vadd.f32 $0.0e+00, v10;
	v13 =	vmul.f32 v14, v18;
	v9 =	vld [tilespmem:s1+$0xA400]  }
0x31e: {  	v15 =	vmul.f32 v15, v18;
	v21 =	vadd.f32 v21, v17;
	v22 =	vshll.u32 v20, $0x10  }
0x31f: {  	v14 =	vmul.f32 v16, v5;
	v17 =	vadd.f32 v12, v10;
	v18 =	vand.u32 $0xFFFF0000, v20  }
0x320: {  	s8 =	sadd.s32 $0x10, s8;
	s21 =	sadd.s32 $0x10, s21;
	v12 =	vmul.f32 v19, v5;
	v16 =	vmul.f32 v22, v11;
	v15 =	vadd.f32 v15, v21;
	v10 =	vld [tilespmem:s1+$0xA800]  }
0x321: {  	v13 =	vadd.f32 v13, v17;
	v11 =	vmul.f32 v18, v11  }
0x322: {  	v8 =	vmul.f32 v8, v14;
	v7 =	vmul.f32 v7, v14;
	v54 =	vld [tilespmem:s1+$0xAC00];
	v15 =	vadd.f32 v16, v15  }
0x323: {  	v5 =	vmul.f32 v5, v6;
	v56 =	vshll.u32 v9, $0x10;
	v11 =	vadd.f32 v11, v13  }
0x324: {  	v55 =	vand.u32 $0xFFFF0000, v9;
	v9 =	vmul.f32 v56, v12;
	v7 =	vadd.f32 v7, v15  }
0x325: {  	v57 =	vmul.f32 v55, v12;
	v8 =	vadd.f32 v8, v11;
	v58 =	vshll.u32 v10, $0x10  }
0x326: {  	v59 =	vand.u32 $0xFFFF0000, v10;
	v7 =	vadd.f32 v9, v7;
	v60 =	vmul.f32 v58, v5  }
0x327: {  	v5 =	vmul.f32 v59, v5;
	v61 =	vshll.u32 v54, $0x10;
	v6 =	vadd.f32 v57, v8  }
0x328: {  	v62 =	vand.u32 $0xFFFF0000, v54;
	v8 =	vmul.f32 v61, v4;
	v7 =	vadd.f32 v60, v7  }
0x329: {  	v4 =	vmul.f32 v62, v4;
	v5 =	vadd.f32 v5, v6  }
0x32a: {  	s0 =	sand.u32 $0x70, s5;
	v63 =	vadd.f32 v8, v7  }
0x32b: {  	s28 =	rddreg [dreg:$0x3];
	s0 =	sor.u32 s0, s6;
	v4 =	vadd.f32 v4, v5  }
0x32c: {  	s29 =	rddreg [dreg:$0x9];
	[tilespmem:s0+$0x11300] =	vst v63  }
0x32d: {  	s30 =	simm.s32 $0x200000;
	s2 =	simm.s32 $0xB000;
	[tilespmem:s0+$0x11380] =	vst v4;
	s0 =	sadd.s32 s28, s29  }
0x32e: {  	[hbm4b:s0+s12] =	stream.strided.scatter [tilespmem:s2], [sflag:$0x3], $0x8000, s30, s12, $0x38;
	[tilespmem:$0x1C600] =	vst v63  }
0x32f: {  	s2 =	simm.s32 $0x3  }
0x330: {  	_ =	swait.ge [sflag:s2], $0x8000  }
0x331: {  	s31 =	rddreg [dreg:$0x8]  }
0x332: {  	s0 =	sadd.s32 $0x1, s31  }
0x333: {  	p0 =	sne.s32 s0, $0x8  }
.Ltmp12:
0x334: {  	_ = 	snop;
	(pc) =	sbr.rel @p0 .LBB2_2-.Ltmp12, $3  }
0x335: {  	_ =	sdelay $0x1  }
0x336: {  	[sflag:s2] =	ssyncset.done $0x0  }
0x337: {  	[sflag:s2] =	ssyncadd.s32 $0xFFFF8000  }
0x338: {  	s1 =	rddreg [dreg:$0x7]  }
0x339: {  	s0 =	rddreg [dreg:$0x6];
	s1 =	sadd.s32 $0x1, s1  }
0x33a: {  	p0 =	sne.s32 s1, s0  }
.Ltmp13:
0x33b: {  	_ = 	snop;
	(pc) =	sbr.rel @p0 .LBB2_1-.Ltmp13, $1  }
0x33c: {  	_ =	sdelay $0x3  }
0x33d: {  	_ =	sfence.sel $0x180000  }
0x33e: {  	[bflag:$0x0] =	sbarrier.arrive $0xFFFF  }
0x33f: {  	_ =	strace $0x9000004A  }
0x340: {  	s0 =	stileid.u32;
	[bflag:$0x2] =	sbarrier.arrive $0xFFFF  }
0x341: {  	p0 =	sne.s32 s0, $0x0;
	s0 =	rddreg [dreg:$0x2]  }
0x342: {  	s0 =	sadd.s32 @!p0 $0x100000, s0  }
0x343: {  	[sflag:s0] =	ssyncadd.tile.s32 @!p0 $0x1;
	_ =	shalt  }
.Lfunc_end2:
_tile_overlayer_lowered:
.L_overlay_start_2:
0x344: {  	(tag) =	ssettag $0x2  }
0x345: {  	s0 =	rddreg [dreg:$0x0];
	s2 =	stileid.u32  }
0x346: {  	s1 =	rddreg [dreg:$0x1];
	p0 =	sne.s32 s2, $0x0  }
0x347: {  	s3 =	rddreg [dreg:$0x2];
	[bflag:$0x3] =	sbarrier.arrive $0xFFFF;
	s2 =	simm.s32 @!p0 $0x1C03  }
0x348: {  	[timem:s3], [sflag:s2] =	dma.local @!p0 [hbm:s0], s1  }
0x349: {  	s0 =	simm.s32 @!p0 $0x3  }
0x34a: {  	_ =	swait.ge @!p0 [sflag:s0], s1  }
0x34b: {  	s1 =	ssub.s32 @!p0 $0x0, s1;
	[sflag:s0] =	ssyncset.done @!p0 $0x0  }
0x34c: {  	[sflag:s0] =	ssyncadd.s32 @!p0 s1  }
0x34d: {  	[bflag:$0x3] =	sbarrier.arrive $0xFFFF  }
0x34e: {  	_ =	shalt  }

// kernel: sparse-core-data-format-call.cloned.1.call-start
scs
called_computation_lowered:
.L_overlay_start_0:
0x0: {  	s1 =	sld [smem:$0x3FD9]  }
0x1: {  	s2 =	sld [smem:$0x3FFE];
	_ =	sdelay $0x1  }
0x2: {  	s3 =	srdreg.scid  }
0x3: {  	s0 =	sand.u32 $0x1, s3  }
0x4: {  	s17 =	sshll.u32 s0, $0xA;
	s1 =	sadd.s32 s2, s1  }
0x5: {  	s1 =	sadd.s32 s1, s17  }
0x6: {  	[smem:$0x3FC4] =	sst s1  }
0x7: {  	_ = 	snop  }
0x8: {  	(tm) =	ssettm $0x1  }
0x9: {  	s18 =	sld [smem:$0x3FFB];
	_ =	sdelay $0x3  }
0xa: {  	_ =	strace s18  }
0xb: {  	s1 =	sld [smem:$0x3FFC];
	_ =	sdelay $0x3  }
0xc: {  	_ =	strace s1  }
0xd: {  	s1 =	sld [smem:$0x3FFD];
	_ =	sdelay $0x3  }
0xe: {  	_ =	strace s1  }
0xf: {  	_ =	strace $0x8FFFFFFF  }
0x10: {  	s19 =	sld [smem:$0x3FDB];
	_ =	sdelay $0x1  }
0x11: {  	s20 =	simm.s32 $_scs_section_size  }
0x12: {  	s4 =	simm.s32 $_size__tile_overlayer_lowered;
	s5 =	simm.s32 $_tile_overlayer_lowered  }
0x13: {  	s23 =	simm.s32 $0x1BFF;
	s22 =	sshll.u32 s5, $0x1;
	s1 =	sadd.s32 s20, s19  }
0x14: {  	s6 =	simm.s32 $0x0;
	s21 =	sshll.u32 s4, $0x1;
	s4 =	sadd.s32 s22, s1  }
0x15: {  	[timem:s6], [sflag:s23] =	dma.local [hbm:s4], s21  }
0x16: {  	_ =	swait.ge [sflag:s23], s21  }
0x17: {  	s2 =	ssub.s32 $0x0, s21;
	[sflag:s23] =	ssyncset.done $0x0  }
0x18: {  	[sflag:s23] =	ssyncadd.s32 s2;
	_ =	sdelay $0x1  }
0x19: {  	s24 =	simm.s32 $0x1B8B  }
0x1a: {  	_ =	swait.ge [sflag:s24], $0x1  }
0x1b: {  	[sflag:s24] =	ssyncset.done $0x0  }
0x1c: {  	s26 =	simm.s32 $0x1B8E;
	s25 =	sld [smem:$0x3FFE];
	[sflag:s24] =	ssyncadd.s32 $0xFFFFFFFF  }
0x1d: {  	s27 =	simm.s32 $execute0_lowered;
	[smem:$0x3FD2] =	sst s26  }
0x1e: {  	s4 =	sshll.u32 s27, $0x1;
	_ =	strace $0x80000046;
	[dreg:$0x1] =	wrdreg $0xFFFFFFFF  }
0x1f: {  	s28 =	simm.s32 $_size_execute0_lowered;
	s1 =	sadd.s32 s1, s4;
	[dreg:$0x0] =	wrdreg $0x0  }
0x20: {  	s4 =	sshll.u32 s28, $0x1;
	[dreg:$0x2] =	wrdreg s1  }
0x21: {  	[dreg:$0x3] =	wrdreg s4  }
0x22: {  	[dreg:$0x4] =	wrdreg $0xC0  }
0x23: {  	_ =	task [dreg:s6], $0x5FFFF  }
0x24: {  	[dreg:$0x1] =	wrdreg $0xFFFFFFFF  }
0x25: {  	[dreg:$0x0] =	wrdreg $0x60  }
0x26: {  	[dreg:$0x2] =	wrdreg s25  }
0x27: {  	[dreg:$0x3] =	wrdreg $0x9  }
0x28: {  	_ =	task.clear_ibuf [dreg:s6], $0x4FFFF;
	_ =	strace $0x90000046  }
0x29: {  	s29 =	simm.s32 $0x9;
	_ =	strace $0x80000048  }
0x2a: {  	_ =	swait.ge [sflag:s29], $0x1  }
0x2b: {  	[sflag:s29] =	ssyncadd.s32 $0xFFFFFFFF  }
0x2c: {  	_ =	strace $0x90000048  }
0x2d: {  	_ =	sfence  }
0x2e: {  	s30 =	sld [smem:$0x0];
	_ =	sdelay $0x2  }
0x2f: {  	s31 =	sshll.u32 s3, $0xD;
	s3 =	sshrl.u32 s3, $0x2  }
0x30: {  	s2 =	sand.u32 $0x4000, s31;
	s1 =	sadd.s32 s3, s30  }
0x31: {  	s0 =	sor.u32 s2, s0;
	s1 =	sshll.u32 s1, $0x11  }
0x32: {  	s0 =	sor.u32 s1, s0  }
0x33: {  	s0 =	sadd.s32 $0x8F2B, s0  }
0x34: {  	[sflag:s0] =	ssyncadd.remote.s32 $0x1  }
0x35: {  	_ =	sfence.sel $0xFFFF  }
0x36: {  	[dreg:$0x0] =	wrdreg $0xFFFFFFFF;
	(pc) =	sbr.abs _section_cstart, $3  }
0x37: {  	[dreg:$0x1] =	wrdreg $0xFFFFFFFF  }
0x38: {  	_ =	task.clear_ibuf [dreg:s6], $0x2FFFF;
	_ =	strace $0x9FFFFFFF  }
0x39: {  	(tm) =	ssettm $0x7FFFFFFF  }
tec
execute0_lowered:
.L_overlay_start_1:
0x0: {  	(tag) =	ssettag $0x1  }
0x1: {  	s0 =	stileid.u32;
	s1 =	srdreg.scid  }
0x2: {  	s7 =	rddreg [dreg:$0x0];
	s31 =	simm.s32 $0x2;
	s15 =	simm.s32 $0x0  }
0x3: {  	s9 =	simm.s32 $0x800;
	s2 =	sshll.u32 s0, $0x3;
	s1 =	sshll.u32 s1, $0x7  }
0x4: {  	s10 =	simm.s32 $0x80000;
	s1 =	sor.u32 s2, s1;
	s2 =	sand.u32 $0x1, s0  }
0x5: {  	s11 =	simm.s32 $0x0;
	s1 =	sand.u32 $0xF0, s1;
	s4 =	ssub.s32 $0x2, s2  }
0x6: {  	s16 =	simm.s32 $0x0;
	s3 =	ssub.s32 $0x1000, s1;
	s6 =	sshrl.u32 s4, $0x1  }
0x7: {  	s4 =	sand.u32 $0x1, s4;
	s5 =	sand.u32 $0xF0, s3;
	s8 =	sshrl.u32 s3, $0x8  }
0x8: {  	s3 =	rddreg [dreg:$0x1];
	p0 =	sne.s32 s5, $0x0;
	s5 =	simm.s32 $0x1  }
.Ltmp0:
0x9: {  	s6 =	sadd.s32 s4, s6;
	s5 =	simm.s32 @!p0 $0x0;
	(pc) =	sbr.rel .LBB1_1-.Ltmp0, $4  }
0xa: {  	_ =	strace $0x80000047;
	s4 =	simm.s32 $0x1;
	s5 =	sadd.s32 s5, s8  }
0xb: {  	s14 =	simm.s32 $0x0;
	[sflag:s4] =	ssyncpa.u1 $0x0;
	s5 =	smul.u32 s6, s5  }
0xc: {  	s13 =	smov.u32 s2;
	s12 =	smov.u32 s1;
	[sflag:s31] =	ssyncpa.u1 $0x0  }
0xd: {  	s6 =	sadd.s32 $0xA00, s7;
	s7 =	sadd.s32 $0x100A00, s7;
	s8 =	sadd.s32 $0x1, s5  }
.LBB1_7:
0xe: {  	s17 =	sadd.s32 $0x100, s12  }
0xf: {  	s15 =	sadd.s32 $0x2, s13;
	s19 =	smov.u32 s13;
	p1 =	sgt.s32 s17, $0xFFF  }
0x10: {  	s19 =	smov.u32 @p1 s15  }
0x11: {  	s17 =	smov.u32 @p1 s1;
	p1 =	sgt.s32 s19, $0x1  }
0x12: {  	s19 =	smov.u32 @p1 s2;
	p1 =	sne.s32 s14, s8  }
.Ltmp1:
0x13: {  	p0 =	slt.u32 s14, $0x2;
	(pc) =	sbr.rel @!p1 .LBB1_8-.Ltmp1, $4  }
0x14: {  	s18 =	simm.s32 @!p0 $0x2  }
0x15: {  	s16 =	smov.u32 s13;
	s11 =	sadd.s32 $0x4000, s11;
	_ =	swait.ge @!p0 [sflag:s18], $0x4000  }
0x16: {  	s15 =	smov.u32 s12;
	[sflag:s18] =	ssyncset.done @!p0 $0x0;
	s12 =	smov.u32 s17  }
0x17: {  	s14 =	sadd.s32 $0x1, s14;
	[sflag:s18] =	ssyncadd.s32 @!p0 $0xFFFFC000;
	s13 =	smov.u32 s19  }
.LBB1_1:
0x18: {  	p0 =	sge.u32 s14, s5  }
0x19: {  	s31 =	sadd.s32 $0xFFFFFFFF, s14;
	s17 =	sxor.u32 @!p0 $0xFFFFFFFF, s14;
	s18 =	sshll.u32 @!p0 s13, $0x13  }
0x1a: {  	s19 =	sshll.u32 @!p0 s12, $0x7;
	s17 =	sshll.u32 @!p0 s17, $0xE;
	s18 =	sadd.s32 @!p0 s6, s18  }
0x1b: {  	s17 =	sand.u32 @!p0 $0x4000, s17;
	s18 =	sadd.s32 @!p0 s19, s18;
	s19 =	simm.s32 @!p0 $0x0  }
0x1c: {  	[tilespmem:s17], [sflag:$0x1] =	stream.linear.gather @!p0 [hbm4b:s18+s19], $0x4000, $0x38;
	[tilespmem:$0x10000] =	vst v63  }
0x1d: {  	p0 =	sge.u32 s31, s5  }
.Ltmp2:
0x1e: {  	_ = 	snop;
	(pc) =	sbr.rel @p0 .LBB1_7-.Ltmp2, $1  }
0x1f: {  	_ =	sdelay $0x3  }
0x20: {  	s18 =	sand.u32 $0x4000, s11  }
0x21: {  	_ =	swait.ge [sflag:s4], $0x4000;
	s20 =	sshll.u32 s14, $0xE;
	s17 =	sor.u32 $0x8040, s18  }
0x22: {  	s19 =	sor.u32 $0x40, s18;
	[sflag:s4] =	ssyncset.done $0x0;
	s31 =	sand.u32 $0x4000, s20  }
0x23: {  	s20 =	simm.s32 $0x0;
	[sflag:s4] =	ssyncadd.s32 $0xFFFFC000;
	s18 =	sor.u32 $0x8000, s31  }
.LBB1_3:
0x24: {  	v0 =	vmov s19;
	_ =	sdelay $0x3  }
0x25: {  	s22 =	simm.s32 $0x0  }
0x26: {  	v6 =	vld.idx.msk [tilespmem:v0+s22+$0x30 ss:$0x1], $0xffff  }
0x27: {  	v7 =	vld.idx.msk [tilespmem:v0+s22+$0xFFFFFFC0 ss:$0x1], $0xffff  }
0x28: {  	v5 =	vld.idx.msk [tilespmem:v0+s22+$0xFFFFFFD0 ss:$0x1], $0xffff  }
0x29: {  	v4 =	vld.idx.msk [tilespmem:v0+s22+$0xFFFFFFE0 ss:$0x1], $0xffff  }
0x2a: {  	v3 =	vld.idx.msk [tilespmem:v0+s22+$0xFFFFFFF0 ss:$0x1], $0xffff  }
0x2b: {  	v1 =	vld.idx.msk [tilespmem:v0+s22+$0x0 ss:$0x1], $0xffff  }
0x2c: {  	v2 =	vld.idx.msk [tilespmem:v0+s22+$0x10 ss:$0x1], $0xffff;
	[tilespmem:s17+$0x30] =	vst v6  }
0x2d: {  	s21 =	simm.s32 $0x80;
	s23 =	simm.s32 $0x400;
	[tilespmem:s17+$0xFFFFFFC0] =	vst v7;
	v6 =	vld.idx.msk [tilespmem:v0+s22+$0x20 ss:$0x1], $0xffff;
	s22 =	smov.u32 s17  }
.LBB1_4:
0x2e: {  	p0 =	sne.s32 s23, $0xE00;
	v7 =	vld.idx.msk [tilespmem:v0+s21+$0x30 ss:$0x1], $0xffff;
	[tilespmem:s22+$0xFFFFFFD0] =	vst v5  }
0x2f: {  	v8 =	vld.idx.msk [tilespmem:v0+s21+$0xFFFFFFC0 ss:$0x1], $0xffff;
	[tilespmem:s22+$0xFFFFFFE0] =	vst v4  }
0x30: {  	v5 =	vld.idx.msk [tilespmem:v0+s21+$0xFFFFFFD0 ss:$0x1], $0xffff;
	[tilespmem:s22+$0xFFFFFFF0] =	vst v3  }
.Ltmp3:
0x31: {  	v4 =	vld.idx.msk [tilespmem:v0+s21+$0xFFFFFFE0 ss:$0x1], $0xffff;
	[tilespmem:s22+$0x0] =	vst v1;
	(pc) =	sbr.rel @p0 .LBB1_4-.Ltmp3, $4  }
0x32: {  	v3 =	vld.idx.msk [tilespmem:v0+s21+$0xFFFFFFF0 ss:$0x1], $0xffff;
	[tilespmem:s22+$0x10] =	vst v2  }
0x33: {  	v1 =	vld.idx.msk [tilespmem:v0+s21+$0x0 ss:$0x1], $0xffff;
	[tilespmem:s22+$0x20] =	vst v6;
	s22 =	sadd.s32 $0x800, s22  }
0x34: {  	v2 =	vld.idx.msk [tilespmem:v0+s21+$0x10 ss:$0x1], $0xffff;
	[tilespmem:s22+$0x30] =	vst v7  }
0x35: {  	[tilespmem:s22+$0xFFFFFFC0] =	vst v8;
	v6 =	vld.idx.msk [tilespmem:v0+s21+$0x20 ss:$0x1], $0xffff;
	s21 =	sshra.s32 s23, $0x2;
	s23 =	sadd.s32 $0x200, s23  }
0x36: {  	_ =	sdelay $0x2  }
0x37: {  	[tilespmem:s22+$0xFFFFFFD0] =	vst v5  }
0x38: {  	v56 =	vld.idx.msk [tilespmem:v0+s21+$0x30 ss:$0x1], $0xffff;
	[tilespmem:s22+$0xFFFFFFE0] =	vst v4  }
0x39: {  	v57 =	vld.idx.msk [tilespmem:v0+s21+$0xFFFFFFC0 ss:$0x1], $0xffff;
	[tilespmem:s22+$0xFFFFFFF0] =	vst v3  }
0x3a: {  	v58 =	vld.idx.msk [tilespmem:v0+s21+$0xFFFFFFD0 ss:$0x1], $0xffff;
	[tilespmem:s22+$0x0] =	vst v1  }
0x3b: {  	v59 =	vld.idx.msk [tilespmem:v0+s21+$0xFFFFFFE0 ss:$0x1], $0xffff;
	[tilespmem:s22+$0x10] =	vst v2  }
0x3c: {  	v60 =	vld.idx.msk [tilespmem:v0+s21+$0xFFFFFFF0 ss:$0x1], $0xffff;
	s31 =	sadd.s32 $0x800, s22;
	[tilespmem:s22+$0x20] =	vst v6  }
0x3d: {  	v61 =	vld.idx.msk [tilespmem:v0+s21+$0x0 ss:$0x1], $0xffff;
	[tilespmem:s31+$0x30] =	vst v56  }
0x3e: {  	v62 =	vld.idx.msk [tilespmem:v0+s21+$0x10 ss:$0x1], $0xffff;
	s20 =	sadd.s32 $0x1, s20;
	[tilespmem:s31+$0xFFFFFFC0] =	vst v57  }
0x3f: {  	v63 =	vld.idx.msk [tilespmem:v0+s21+$0x20 ss:$0x1], $0xffff;
	p0 =	sne.s32 s20, $0x10;
	[tilespmem:s31+$0xFFFFFFD0] =	vst v58  }
.Ltmp4:
0x40: {  	[tilespmem:s31+$0xFFFFFFE0] =	vst v59;
	(pc) =	sbr.rel @p0 .LBB1_3-.Ltmp4, $4  }
0x41: {  	[tilespmem:s31+$0xFFFFFFF0] =	vst v60  }
0x42: {  	[tilespmem:s31+$0x0] =	vst v61  }
0x43: {  	[tilespmem:s31+$0x10] =	vst v62  }
0x44: {  	s17 =	sadd.s32 $0x80, s17;
	s19 =	sadd.s32 $0x400, s19;
	[tilespmem:s31+$0x20] =	vst v63  }
.Ltmp5:
0x45: {  	(pc) =	sbr.rel .LBB1_7-.Ltmp5, $4  }
0x46: {  	s16 =	sshll.u32 s16, $0x13;
	s15 =	sshll.u32 s15, $0x4  }
0x47: {  	s15 =	sand.u32 $0xFFF0, s15;
	s16 =	sadd.s32 s7, s16  }
0x48: {  	s15 =	sadd.s32 s15, s16  }
0x49: {  	[hbm4b:s15+s9] =	stream.strided.scatter [tilespmem:s18], [sflag:$0x2], $0x4000, s10, s9, $0x38;
	[tilespmem:$0x10000] =	vst v63  }
.LBB1_8:
0x4a: {  	_ =	sfence.sel $0x180000  }
0x4b: {  	s1 =	simm.s32 $0x1;
	[bflag:$0x0] =	sbarrier.arrive $0xFFFF  }
0x4c: {  	s31 =	simm.s32 $0x2;
	[sflag:s1] =	ssyncpa.u1 $0x1  }
0x4d: {  	[sflag:s31] =	ssyncpa.u1 $0x1  }
0x4e: {  	p0 =	sne.s32 s0, $0x0;
	_ =	strace $0x90000047  }
0x4f: {  	s0 =	sadd.s32 @!p0 $0x100000, s3;
	[bflag:$0x2] =	sbarrier.arrive $0xFFFF  }
0x50: {  	[sflag:s0] =	ssyncadd.tile.s32 @!p0 $0x1;
	_ =	shalt  }
.Lfunc_end1:
_tile_overlayer_lowered:
.L_overlay_start_2:
0x51: {  	(tag) =	ssettag $0x2  }
0x52: {  	s0 =	rddreg [dreg:$0x0];
	s2 =	stileid.u32  }
0x53: {  	s1 =	rddreg [dreg:$0x1];
	p0 =	sne.s32 s2, $0x0  }
0x54: {  	s3 =	rddreg [dreg:$0x2];
	[bflag:$0x3] =	sbarrier.arrive $0xFFFF;
	s2 =	simm.s32 @!p0 $0x1C01  }
0x55: {  	[timem:s3], [sflag:s2] =	dma.local @!p0 [hbm:s0], s1  }
0x56: {  	s0 =	simm.s32 @!p0 $0x1  }
0x57: {  	_ =	swait.ge @!p0 [sflag:s0], s1  }
0x58: {  	s1 =	ssub.s32 @!p0 $0x0, s1;
	[sflag:s0] =	ssyncset.done @!p0 $0x0  }
0x59: {  	[sflag:s0] =	ssyncadd.s32 @!p0 s1  }
0x5a: {  	[bflag:$0x3] =	sbarrier.arrive $0xFFFF  }
0x5b: {  	_ =	shalt  }

</sc_bundles>
